<compile_context>
chip_gen: v7x
topology: tpu7x:2x2x1
jax: 0.10.2.dev20260603
libtpu: 0.0.44.dev20260713+nightly
codegen_flags: <defaults>
</compile_context>

<pallas_src>
import functools

import jax
import jax.numpy as jnp
from jax import lax
from jax.experimental import pallas as pl
from jax.experimental.pallas import tpu as pltpu
from jax.experimental.pallas import tpu_sc as plsc

WORLD = 8
NC, NS = 2, 16
NW = NC * NS
SPAD = 56
MS = 4
NBUF = 4
ZROWS = 256


def _make_sc_call(R, S, V, D):
    local_vocab = V // WORLD
    bpw = R // NW
    nchunk_all = SPAD // MS
    nfull = S // MS
    srem = S - nfull * MS
    half = srem * bpw
    rows_per_s = (R // 8) * 64
    assert bpw == ZROWS // 8 and srem > 0 and nfull + 1 <= nchunk_all

    mesh = plsc.VectorSubcoreMesh(core_axis_name="c", subcore_axis_name="s",
                                  num_cores=NC, num_subcores=NS)

    @functools.partial(
        pl.kernel,
        out_type=jax.ShapeDtypeStruct((R * S * WORLD, D), jnp.float32),
        mesh=mesh,
        scratch_types=[
            pltpu.VMEM((nchunk_all, MS * bpw), jnp.int32),
            pltpu.VMEM((nchunk_all, MS * bpw), jnp.int32),
            pltpu.VMEM((1, half), jnp.int32),
            pltpu.VMEM((1, half), jnp.int32),
            pltpu.VMEM((ZROWS, D), jnp.float32),
            [pltpu.VMEM((MS * bpw, D), jnp.float32) for _ in range(NBUF)],
            pltpu.SemaphoreType.DMA,
            [pltpu.SemaphoreType.DMA for _ in range(NBUF)],
            [pltpu.SemaphoreType.DMA for _ in range(NBUF)],
        ],
    )
    def sc_call(ids_hbm, table_hbm, zeros_hbm, out_hbm,
                ids_v, dst_v, ids_t, dst_t, zbuf, rows, sem_z, sem_g, sem_w):
        wid = lax.axis_index("s") * NC + lax.axis_index("c")
        b0 = wid * bpw

        pltpu.sync_copy(zeros_hbm, zbuf)
        zbase = (b0 // 8) * 64

        def zissue(s, carry):
            pltpu.async_copy(
                zbuf, out_hbm.at[pl.ds(s * rows_per_s + zbase, ZROWS)], sem_z)
            return carry

        lax.fori_loop(0, S, zissue, 0)

        pltpu.sync_copy(ids_hbm.at[wid], ids_v)

        lane = lax.broadcasted_iota(jnp.int32, (16,), 0)
        base16 = (jnp.int32(b0 // 8) + lax.div(lane, jnp.int32(8))) * 64 \
            + lax.rem(lane, jnp.int32(8))

        def dbody(c, carry):
            for g in range(MS * bpw // 16):
                v = ids_v[c, pl.ds(g * 16, 16)]
                seg = lax.div(v, jnp.int32(local_vocab))
                s = c * MS + g // 2
                base = base16 + jnp.int32((g % 2) * 2 * 64)
                dst_v[c, pl.ds(g * 16, 16)] = (
                    s * rows_per_s + base + seg * WORLD)
            return carry

        lax.fori_loop(0, nfull, dbody, 0)

        for g in range(half // 16):
            v = ids_v[nfull, pl.ds(g * 16, 16)]
            ids_t[0, pl.ds(g * 16, 16)] = v
            seg = lax.div(v, jnp.int32(local_vocab))
            s = nfull * MS + g // 2
            base = base16 + jnp.int32((g % 2) * 2 * 64)
            dst_t[0, pl.ds(g * 16, 16)] = s * rows_per_s + base + seg * WORLD

        def gath(c):
            pltpu.async_copy(table_hbm.at[ids_v.at[c]], rows[c % NBUF],
                             sem_g[c % NBUF])

        def wait_gath(c):
            pltpu.make_async_copy(table_hbm.at[ids_v.at[c]], rows[c % NBUF],
                                  sem_g[c % NBUF]).wait()

        def put(c):
            pltpu.async_copy(rows[c % NBUF], out_hbm.at[dst_v.at[c]],
                             sem_w[c % NBUF])

        def drain(c):
            pltpu.make_async_copy(rows[c % NBUF], out_hbm.at[dst_v.at[c]],
                                  sem_w[c % NBUF]).wait()

        for c in range(min(NBUF - 1, nfull)):
            gath(c)

        def zdrain(s, carry):
            pltpu.make_async_copy(
                zbuf, out_hbm.at[pl.ds(s * rows_per_s + zbase, ZROWS)],
                sem_z).wait()
            return carry

        lax.fori_loop(0, S, zdrain, 0)

        for c in range(nfull):
            wait_gath(c)
            put(c)
            if c > 0:
                drain(c - 1)
            if c + NBUF - 1 < nfull:
                gath(c + NBUF - 1)
        drain(nfull - 1)

        tail = rows[0].at[pl.ds(0, half)]
        pltpu.async_copy(table_hbm.at[ids_t.at[0]], tail, sem_g[0]).wait()
        pltpu.async_copy(tail, out_hbm.at[dst_t.at[0]], sem_w[0]).wait()

    return sc_call


def kernel(input_ids, weight):
    R, S = input_ids.shape
    V, D = weight.shape
    ids = input_ids.astype(jnp.int32)
    ids_pad = jnp.pad(ids, ((0, 0), (0, SPAD - S)))
    ids_t3 = jnp.transpose(ids_pad.reshape(NW, R // NW, SPAD), (0, 2, 1))
    ids_t3 = ids_t3.reshape(NW, SPAD // MS, MS * (R // NW))
    zeros = jnp.zeros((ZROWS, D), jnp.float32)
    flat = _make_sc_call(R, S, V, D)(ids_t3, weight, zeros)
    t = flat.reshape(S, R // 8, WORLD, 8, D)
    return t.transpose(1, 3, 0, 2, 4).reshape(R, S, WORLD * D)

# --- scband reference (transcript-rebuilt; emitter-appended) ---
"""Pipeline reference for scband-vocab-parallel-embedding-2250562863895 (READ-ONLY COPY).

The authoritative reference and input builder live on the scoring server;
editing this copy changes nothing except your own understanding.
"""

import jax, jax.numpy as jnp
import numpy as np

WORLD_SIZE = 8


def setup_inputs(seed: int = 0) -> dict:
    key = jax.random.key(seed)
    k1, k2 = jax.random.split(key)
    input_ids = jax.random.randint(k1, (1024, 50), 0, 100000, dtype=jnp.int64)
    weight = jax.random.normal(k2, (100000, 128), dtype=jnp.float32)
    return {"input_ids": input_ids, "weight": weight}


def reference(input_ids, weight):
    # Simulates VocabParallelEmbedding across WORLD_SIZE ranks in one process.
    # Each rank masks ids in its vocab shard, looks up its local slice,
    # zeroes out-of-shard rows, then all ranks' outputs are all-gathered
    # and concatenated along dim=-1 (faithful to the original module).
    vocab_size, embed_size = weight.shape
    local_vocab = vocab_size // WORLD_SIZE
    gathered = []
    for rank in range(WORLD_SIZE):
        start = rank * local_vocab
        mask = (input_ids >= start) & (input_ids < start + local_vocab)
        local_ids = (input_ids - start) * mask.astype(input_ids.dtype)
        shard = jax.lax.dynamic_slice_in_dim(weight, start, local_vocab, axis=0)
        out = jnp.take(shard, local_ids, axis=0)
        out = out * mask[..., None].astype(out.dtype)
        gathered.append(out)
    return jnp.concatenate(gathered, axis=-1)

if __name__ == "__main__":
    import jax
    _d = setup_inputs()
    print(jax.jit(kernel)(*tuple(_d.values())))

</pallas_src>

<mosaic_0001>
#map = affine_map<(d0, d1) -> (0, 0, 0)>
#map1 = affine_map<(d0, d1) -> (0, 0)>
module attributes {stable_mosaic.version = 14 : i64} {
  func.func @sc_call(%arg0: i32, %arg1: i32, %arg2: memref<32x14x128xi32, #tpu.memory_space<hbm>>, %arg3: memref<100000x128xf32, #tpu.memory_space<hbm>>, %arg4: memref<256x128xf32, #tpu.memory_space<hbm>>, %arg5: memref<409600x128xf32, #tpu.memory_space<hbm>>, %arg6: memref<14x128xi32, #tpu.memory_space<vmem>>, %arg7: memref<14x128xi32, #tpu.memory_space<vmem>>, %arg8: memref<1x64xi32, #tpu.memory_space<vmem>>, %arg9: memref<1x64xi32, #tpu.memory_space<vmem>>, %arg10: memref<256x128xf32, #tpu.memory_space<vmem>>, %arg11: memref<128x128xf32, #tpu.memory_space<vmem>>, %arg12: memref<128x128xf32, #tpu.memory_space<vmem>>, %arg13: memref<128x128xf32, #tpu.memory_space<vmem>>, %arg14: memref<128x128xf32, #tpu.memory_space<vmem>>, %arg15: memref<!tpu.dma_semaphore, #tpu.memory_space<semaphore_mem>>, %arg16: memref<!tpu.dma_semaphore, #tpu.memory_space<semaphore_mem>>, %arg17: memref<!tpu.dma_semaphore, #tpu.memory_space<semaphore_mem>>, %arg18: memref<!tpu.dma_semaphore, #tpu.memory_space<semaphore_mem>>, %arg19: memref<!tpu.dma_semaphore, #tpu.memory_space<semaphore_mem>>, %arg20: memref<!tpu.dma_semaphore, #tpu.memory_space<semaphore_mem>>, %arg21: memref<!tpu.dma_semaphore, #tpu.memory_space<semaphore_mem>>, %arg22: memref<!tpu.dma_semaphore, #tpu.memory_space<semaphore_mem>>, %arg23: memref<!tpu.dma_semaphore, #tpu.memory_space<semaphore_mem>>) attributes {dimension_semantics = [#tpu.dimension_semantics<core_parallel>, #tpu.dimension_semantics<subcore_parallel>], iteration_bounds = array<i64: 2, 16>, scalar_prefetch = 0 : i64, scratch_operands = 18 : i64, tpu.core_type = #tpu.core_type<sc_vector_subcore>, window_params = [{transform_indices = #map}, {transform_indices = #map1}, {transform_indices = #map1}, {transform_indices = #map1}]} {
    %mul3A = arith.constant 2 : i32
    %mul3A_0 = arith.muli %arg1, %mul3A : i32
    %add3A = arith.addi %mul3A_0, %arg0 : i32
    %mul3A_1 = arith.constant 32 : i32
    %mul3A_2 = arith.muli %add3A, %mul3A_1 : i32
    "tpu.region"() ({
      %run_scoped3A = tpu.sem_alloc : memref<!tpu.dma_semaphore, #tpu.memory_space<semaphore_mem>>
      tpu.enqueue_dma source(%arg4 : memref<256x128xf32, #tpu.memory_space<hbm>>) target(%arg10 : memref<256x128xf32, #tpu.memory_space<vmem>>) target_semaphore(%run_scoped3A : memref<!tpu.dma_semaphore, #tpu.memory_space<semaphore_mem>>)
      tpu.wait_dma2 semaphore(%run_scoped3A : memref<!tpu.dma_semaphore, #tpu.memory_space<semaphore_mem>>) src(%arg4 : memref<256x128xf32, #tpu.memory_space<hbm>>) dst(%arg10 : memref<256x128xf32, #tpu.memory_space<vmem>>)
      tpu.yield
    }) : () -> ()
    %jit3A = arith.constant 8 : i32
    %div3A = arith.divsi %mul3A_2, %jit3A : i32
    %sign3A = arith.constant 0 : i32
    %sign3A_3 = arith.cmpi sgt, %mul3A_2, %sign3A : i32
    %sign3A_4 = arith.extui %sign3A_3 : i1 to i32
    %sign3A_5 = arith.constant 0 : i32
    %sign3A_6 = arith.cmpi slt, %mul3A_2, %sign3A_5 : i32
    %sign3A_7 = arith.extui %sign3A_6 : i1 to i32
    %sign3A_8 = arith.subi %sign3A_4, %sign3A_7 : i32
    %sign3A_9 = arith.constant 0 : i32
    %sign3A_10 = arith.cmpi sgt, %jit3A, %sign3A_9 : i32
    %sign3A_11 = arith.extui %sign3A_10 : i1 to i32
    %sign3A_12 = arith.constant 0 : i32
    %sign3A_13 = arith.cmpi slt, %jit3A, %sign3A_12 : i32
    %sign3A_14 = arith.extui %sign3A_13 : i1 to i32
    %sign3A_15 = arith.subi %sign3A_11, %sign3A_14 : i32
    %ne3A = arith.cmpi ne, %sign3A_8, %sign3A_15 : i32
    %rem3A = arith.remsi %mul3A_2, %jit3A : i32
    %ne3A_16 = arith.constant 0 : i32
    %ne3A_17 = arith.cmpi ne, %rem3A, %ne3A_16 : i32
    %and3A = arith.andi %ne3A, %ne3A_17 : i1
    %sub3A = arith.constant 1 : i32
    %sub3A_18 = arith.subi %div3A, %sub3A : i32
    %select_n3A = arith.select %and3A, %sub3A_18, %div3A : i32
    %mul3A_19 = arith.constant 64 : i32
    %mul3A_20 = arith.muli %select_n3A, %mul3A_19 : i32
    %scan3A = arith.constant 0 : i32
    %scan3A_21 = arith.constant 0 : i32
    %scan3A_22 = arith.constant 50 : i32
    %scan3A_23 = arith.addi %scan3A_21, %scan3A_22 : i32
    %scan3A_24 = arith.constant 1 : i32
    scf.for %scan3A_566 = %scan3A_21 to %scan3A_23 step %scan3A_24  : i32 {
      %mul3A_567 = arith.constant 8192 : i32
      %mul3A_568 = arith.muli %scan3A_566, %mul3A_567 : i32
      %add3A_569 = arith.addi %mul3A_568, %mul3A_20 : i32
      %dma_start3A_570 = arith.constant 0 : i32
      %dma_start3A_571 = tpu.memref_slice %arg5[%add3A_569, %dma_start3A_570] : memref<409600x128xf32, #tpu.memory_space<hbm>> -> memref<256x128xf32, #tpu.memory_space<hbm>>
      %dma_start3A_572 = arith.constant 0 : i32
      %dma_start3A_573 = tpu.memref_slice %arg5[%add3A_569, %dma_start3A_572] : memref<409600x128xf32, #tpu.memory_space<hbm>> -> memref<256x128xf32, #tpu.memory_space<hbm>>
      tpu.enqueue_dma source(%arg10 : memref<256x128xf32, #tpu.memory_space<vmem>>) target(%dma_start3A_573 : memref<256x128xf32, #tpu.memory_space<hbm>>) target_semaphore(%arg15 : memref<!tpu.dma_semaphore, #tpu.memory_space<semaphore_mem>>)
    }
    %scan3A_25 = arith.constant 50 : i32
    "tpu.region"() ({
      %run_scoped3A = tpu.sem_alloc : memref<!tpu.dma_semaphore, #tpu.memory_space<semaphore_mem>>
      %dma_start3A_566 = arith.constant 0 : i32
      %dma_start3A_567 = arith.constant 0 : i32
      %dma_start3A_568 = tpu.memref_slice %arg2[%add3A, %dma_start3A_566, %dma_start3A_567] : memref<32x14x128xi32, #tpu.memory_space<hbm>> -> memref<1x14x128xi32, #tpu.memory_space<hbm>>
      %dma_start3A_569 = tpu.memref_squeeze %dma_start3A_568 : memref<1x14x128xi32, #tpu.memory_space<hbm>> -> memref<14x128xi32, #tpu.memory_space<hbm>>
      %dma_start3A_570 = arith.constant 0 : i32
      %dma_start3A_571 = arith.constant 0 : i32
      %dma_start3A_572 = tpu.memref_slice %arg2[%add3A, %dma_start3A_570, %dma_start3A_571] : memref<32x14x128xi32, #tpu.memory_space<hbm>> -> memref<1x14x128xi32, #tpu.memory_space<hbm>>
      %dma_start3A_573 = tpu.memref_squeeze %dma_start3A_572 : memref<1x14x128xi32, #tpu.memory_space<hbm>> -> memref<14x128xi32, #tpu.memory_space<hbm>>
      tpu.enqueue_dma source(%dma_start3A_573 : memref<14x128xi32, #tpu.memory_space<hbm>>) target(%arg6 : memref<14x128xi32, #tpu.memory_space<vmem>>) target_semaphore(%run_scoped3A : memref<!tpu.dma_semaphore, #tpu.memory_space<semaphore_mem>>)
      %dma_wait3A_574 = arith.constant 0 : i32
      %dma_wait3A_575 = arith.constant 0 : i32
      %dma_wait3A_576 = tpu.memref_slice %arg2[%add3A, %dma_wait3A_574, %dma_wait3A_575] : memref<32x14x128xi32, #tpu.memory_space<hbm>> -> memref<1x14x128xi32, #tpu.memory_space<hbm>>
      %dma_wait3A_577 = tpu.memref_squeeze %dma_wait3A_576 : memref<1x14x128xi32, #tpu.memory_space<hbm>> -> memref<14x128xi32, #tpu.memory_space<hbm>>
      %dma_wait3A_578 = arith.constant 0 : i32
      %dma_wait3A_579 = arith.constant 0 : i32
      %dma_wait3A_580 = tpu.memref_slice %arg2[%add3A, %dma_wait3A_578, %dma_wait3A_579] : memref<32x14x128xi32, #tpu.memory_space<hbm>> -> memref<1x14x128xi32, #tpu.memory_space<hbm>>
      %dma_wait3A_581 = tpu.memref_squeeze %dma_wait3A_580 : memref<1x14x128xi32, #tpu.memory_space<hbm>> -> memref<14x128xi32, #tpu.memory_space<hbm>>
      tpu.wait_dma2 semaphore(%run_scoped3A : memref<!tpu.dma_semaphore, #tpu.memory_space<semaphore_mem>>) src(%dma_wait3A_581 : memref<14x128xi32, #tpu.memory_space<hbm>>) dst(%arg6 : memref<14x128xi32, #tpu.memory_space<vmem>>)
      tpu.yield
    }) : () -> ()
    %iota3A = tpu.iota {dimensions = array<i32: 0>} : vector<16xi32>
    %jit3A_26 = arith.constant 8 : i32
    %div3A_27 = arith.divsi %mul3A_2, %jit3A_26 : i32
    %sign3A_28 = arith.constant 0 : i32
    %sign3A_29 = arith.cmpi sgt, %mul3A_2, %sign3A_28 : i32
    %sign3A_30 = arith.extui %sign3A_29 : i1 to i32
    %sign3A_31 = arith.constant 0 : i32
    %sign3A_32 = arith.cmpi slt, %mul3A_2, %sign3A_31 : i32
    %sign3A_33 = arith.extui %sign3A_32 : i1 to i32
    %sign3A_34 = arith.subi %sign3A_30, %sign3A_33 : i32
    %sign3A_35 = arith.constant 0 : i32
    %sign3A_36 = arith.cmpi sgt, %jit3A_26, %sign3A_35 : i32
    %sign3A_37 = arith.extui %sign3A_36 : i1 to i32
    %sign3A_38 = arith.constant 0 : i32
    %sign3A_39 = arith.cmpi slt, %jit3A_26, %sign3A_38 : i32
    %sign3A_40 = arith.extui %sign3A_39 : i1 to i32
    %sign3A_41 = arith.subi %sign3A_37, %sign3A_40 : i32
    %ne3A_42 = arith.cmpi ne, %sign3A_34, %sign3A_41 : i32
    %rem3A_43 = arith.remsi %mul3A_2, %jit3A_26 : i32
    %ne3A_44 = arith.constant 0 : i32
    %ne3A_45 = arith.cmpi ne, %rem3A_43, %ne3A_44 : i32
    %and3A_46 = arith.andi %ne3A_42, %ne3A_45 : i1
    %sub3A_47 = arith.constant 1 : i32
    %sub3A_48 = arith.subi %div3A_27, %sub3A_47 : i32
    %select_n3A_49 = arith.select %and3A_46, %sub3A_48, %div3A_27 : i32
    %div3A_50 = arith.constant 8 : i32
    %div3A_51 = vector.broadcast %div3A_50 : i32 to vector<16xi32>
    %div3A_52 = arith.divsi %iota3A, %div3A_51 : vector<16xi32>
    %add3A_53 = vector.broadcast %select_n3A_49 : i32 to vector<16xi32>
    %add3A_54 = arith.addi %add3A_53, %div3A_52 : vector<16xi32>
    %mul3A_55 = arith.constant 64 : i32
    %mul3A_56 = vector.broadcast %mul3A_55 : i32 to vector<16xi32>
    %mul3A_57 = arith.muli %add3A_54, %mul3A_56 : vector<16xi32>
    %rem3A_58 = arith.constant 8 : i32
    %rem3A_59 = vector.broadcast %rem3A_58 : i32 to vector<16xi32>
    %rem3A_60 = arith.remsi %iota3A, %rem3A_59 : vector<16xi32>
    %add3A_61 = arith.addi %mul3A_57, %rem3A_60 : vector<16xi32>
    %scan3A_62 = arith.constant 0 : i32
    %scan3A_63 = arith.constant 0 : i32
    %scan3A_64 = arith.constant 12 : i32
    %scan3A_65 = arith.addi %scan3A_63, %scan3A_64 : i32
    %scan3A_66 = arith.constant 1 : i32
    scf.for %scan3A_566 = %scan3A_63 to %scan3A_65 step %scan3A_66  : i32 {
      %get3A_567 = arith.index_cast %scan3A_566 : i32 to index
      %get3A_568 = arith.constant 0 : index
      %get3A_569 = tpu.vector_load %arg6[%get3A_567, %get3A_568] {strides = array<i32>} : memref<14x128xi32, #tpu.memory_space<vmem>>, vector<1x16xi32>,
      %get3A_570 = vector.shape_cast %get3A_569 : vector<1x16xi32> to vector<16xi32>
      %div3A_571 = arith.constant 12500 : i32
      %div3A_572 = vector.broadcast %div3A_571 : i32 to vector<16xi32>
      %div3A_573 = arith.divsi %get3A_570, %div3A_572 : vector<16xi32>
      %mul3A_574 = arith.constant 4 : i32
      %mul3A_575 = arith.muli %scan3A_566, %mul3A_574 : i32
      %add3A_576 = arith.constant 0 : i32
      %add3A_577 = arith.addi %mul3A_575, %add3A_576 : i32
      %add3A_578 = arith.constant 0 : i32
      %add3A_579 = vector.broadcast %add3A_578 : i32 to vector<16xi32>
      %add3A_580 = arith.addi %add3A_61, %add3A_579 : vector<16xi32>
      %mul3A_581 = arith.constant 8192 : i32
      %mul3A_582 = arith.muli %add3A_577, %mul3A_581 : i32
      %add3A_583 = vector.broadcast %mul3A_582 : i32 to vector<16xi32>
      %add3A_584 = arith.addi %add3A_583, %add3A_580 : vector<16xi32>
      %mul3A_585 = arith.constant 8 : i32
      %mul3A_586 = vector.broadcast %mul3A_585 : i32 to vector<16xi32>
      %mul3A_587 = arith.muli %div3A_573, %mul3A_586 : vector<16xi32>
      %add3A_588 = arith.addi %add3A_584, %mul3A_587 : vector<16xi32>
      %swap3A_589 = arith.index_cast %scan3A_566 : i32 to index
      %swap3A_590 = arith.constant 0 : index
      %swap3A_591 = tpu.vector_load %arg7[%swap3A_589, %swap3A_590] {strides = array<i32>} : memref<14x128xi32, #tpu.memory_space<vmem>>, vector<1x16xi32>,
      %swap3A_592 = vector.shape_cast %swap3A_591 : vector<1x16xi32> to vector<16xi32>
      %swap3A_593 = vector.shape_cast %add3A_588 : vector<16xi32> to vector<1x16xi32>
      tpu.vector_store %arg7[%swap3A_589, %swap3A_590], %swap3A_593 {strides = array<i32>} : memref<14x128xi32, #tpu.memory_space<vmem>>, vector<1x16xi32>,
      %get3A_594 = arith.index_cast %scan3A_566 : i32 to index
      %get3A_595 = arith.constant 16 : index
      %get3A_596 = tpu.vector_load %arg6[%get3A_594, %get3A_595] {strides = array<i32>} : memref<14x128xi32, #tpu.memory_space<vmem>>, vector<1x16xi32>,
      %get3A_597 = vector.shape_cast %get3A_596 : vector<1x16xi32> to vector<16xi32>
      %div3A_598 = arith.constant 12500 : i32
      %div3A_599 = vector.broadcast %div3A_598 : i32 to vector<16xi32>
      %div3A_600 = arith.divsi %get3A_597, %div3A_599 : vector<16xi32>
      %mul3A_601 = arith.constant 4 : i32
      %mul3A_602 = arith.muli %scan3A_566, %mul3A_601 : i32
      %add3A_603 = arith.constant 0 : i32
      %add3A_604 = arith.addi %mul3A_602, %add3A_603 : i32
      %add3A_605 = arith.constant 128 : i32
      %add3A_606 = vector.broadcast %add3A_605 : i32 to vector<16xi32>
      %add3A_607 = arith.addi %add3A_61, %add3A_606 : vector<16xi32>
      %mul3A_608 = arith.constant 8192 : i32
      %mul3A_609 = arith.muli %add3A_604, %mul3A_608 : i32
      %add3A_610 = vector.broadcast %mul3A_609 : i32 to vector<16xi32>
      %add3A_611 = arith.addi %add3A_610, %add3A_607 : vector<16xi32>
      %mul3A_612 = arith.constant 8 : i32
      %mul3A_613 = vector.broadcast %mul3A_612 : i32 to vector<16xi32>
      %mul3A_614 = arith.muli %div3A_600, %mul3A_613 : vector<16xi32>
      %add3A_615 = arith.addi %add3A_611, %mul3A_614 : vector<16xi32>
      %swap3A_616 = arith.index_cast %scan3A_566 : i32 to index
      %swap3A_617 = arith.constant 16 : index
      %swap3A_618 = tpu.vector_load %arg7[%swap3A_616, %swap3A_617] {strides = array<i32>} : memref<14x128xi32, #tpu.memory_space<vmem>>, vector<1x16xi32>,
      %swap3A_619 = vector.shape_cast %swap3A_618 : vector<1x16xi32> to vector<16xi32>
      %swap3A_620 = vector.shape_cast %add3A_615 : vector<16xi32> to vector<1x16xi32>
      tpu.vector_store %arg7[%swap3A_616, %swap3A_617], %swap3A_620 {strides = array<i32>} : memref<14x128xi32, #tpu.memory_space<vmem>>, vector<1x16xi32>,
      %get3A_621 = arith.index_cast %scan3A_566 : i32 to index
      %get3A_622 = arith.constant 32 : index
      %get3A_623 = tpu.vector_load %arg6[%get3A_621, %get3A_622] {strides = array<i32>} : memref<14x128xi32, #tpu.memory_space<vmem>>, vector<1x16xi32>,
      %get3A_624 = vector.shape_cast %get3A_623 : vector<1x16xi32> to vector<16xi32>
      %div3A_625 = arith.constant 12500 : i32
      %div3A_626 = vector.broadcast %div3A_625 : i32 to vector<16xi32>
      %div3A_627 = arith.divsi %get3A_624, %div3A_626 : vector<16xi32>
      %mul3A_628 = arith.constant 4 : i32
      %mul3A_629 = arith.muli %scan3A_566, %mul3A_628 : i32
      %add3A_630 = arith.constant 1 : i32
      %add3A_631 = arith.addi %mul3A_629, %add3A_630 : i32
      %add3A_632 = arith.constant 0 : i32
      %add3A_633 = vector.broadcast %add3A_632 : i32 to vector<16xi32>
      %add3A_634 = arith.addi %add3A_61, %add3A_633 : vector<16xi32>
      %mul3A_635 = arith.constant 8192 : i32
      %mul3A_636 = arith.muli %add3A_631, %mul3A_635 : i32
      %add3A_637 = vector.broadcast %mul3A_636 : i32 to vector<16xi32>
      %add3A_638 = arith.addi %add3A_637, %add3A_634 : vector<16xi32>
      %mul3A_639 = arith.constant 8 : i32
      %mul3A_640 = vector.broadcast %mul3A_639 : i32 to vector<16xi32>
      %mul3A_641 = arith.muli %div3A_627, %mul3A_640 : vector<16xi32>
      %add3A_642 = arith.addi %add3A_638, %mul3A_641 : vector<16xi32>
      %swap3A_643 = arith.index_cast %scan3A_566 : i32 to index
      %swap3A_644 = arith.constant 32 : index
      %swap3A_645 = tpu.vector_load %arg7[%swap3A_643, %swap3A_644] {strides = array<i32>} : memref<14x128xi32, #tpu.memory_space<vmem>>, vector<1x16xi32>,
      %swap3A_646 = vector.shape_cast %swap3A_645 : vector<1x16xi32> to vector<16xi32>
      %swap3A_647 = vector.shape_cast %add3A_642 : vector<16xi32> to vector<1x16xi32>
      tpu.vector_store %arg7[%swap3A_643, %swap3A_644], %swap3A_647 {strides = array<i32>} : memref<14x128xi32, #tpu.memory_space<vmem>>, vector<1x16xi32>,
      %get3A_648 = arith.index_cast %scan3A_566 : i32 to index
      %get3A_649 = arith.constant 48 : index
      %get3A_650 = tpu.vector_load %arg6[%get3A_648, %get3A_649] {strides = array<i32>} : memref<14x128xi32, #tpu.memory_space<vmem>>, vector<1x16xi32>,
      %get3A_651 = vector.shape_cast %get3A_650 : vector<1x16xi32> to vector<16xi32>
      %div3A_652 = arith.constant 12500 : i32
      %div3A_653 = vector.broadcast %div3A_652 : i32 to vector<16xi32>
      %div3A_654 = arith.divsi %get3A_651, %div3A_653 : vector<16xi32>
      %mul3A_655 = arith.constant 4 : i32
      %mul3A_656 = arith.muli %scan3A_566, %mul3A_655 : i32
      %add3A_657 = arith.constant 1 : i32
      %add3A_658 = arith.addi %mul3A_656, %add3A_657 : i32
      %add3A_659 = arith.constant 128 : i32
      %add3A_660 = vector.broadcast %add3A_659 : i32 to vector<16xi32>
      %add3A_661 = arith.addi %add3A_61, %add3A_660 : vector<16xi32>
      %mul3A_662 = arith.constant 8192 : i32
      %mul3A_663 = arith.muli %add3A_658, %mul3A_662 : i32
      %add3A_664 = vector.broadcast %mul3A_663 : i32 to vector<16xi32>
      %add3A_665 = arith.addi %add3A_664, %add3A_661 : vector<16xi32>
      %mul3A_666 = arith.constant 8 : i32
      %mul3A_667 = vector.broadcast %mul3A_666 : i32 to vector<16xi32>
      %mul3A_668 = arith.muli %div3A_654, %mul3A_667 : vector<16xi32>
      %add3A_669 = arith.addi %add3A_665, %mul3A_668 : vector<16xi32>
      %swap3A_670 = arith.index_cast %scan3A_566 : i32 to index
      %swap3A_671 = arith.constant 48 : index
      %swap3A_672 = tpu.vector_load %arg7[%swap3A_670, %swap3A_671] {strides = array<i32>} : memref<14x128xi32, #tpu.memory_space<vmem>>, vector<1x16xi32>,
      %swap3A_673 = vector.shape_cast %swap3A_672 : vector<1x16xi32> to vector<16xi32>
      %swap3A_674 = vector.shape_cast %add3A_669 : vector<16xi32> to vector<1x16xi32>
      tpu.vector_store %arg7[%swap3A_670, %swap3A_671], %swap3A_674 {strides = array<i32>} : memref<14x128xi32, #tpu.memory_space<vmem>>, vector<1x16xi32>,
      %get3A_675 = arith.index_cast %scan3A_566 : i32 to index
      %get3A_676 = arith.constant 64 : index
      %get3A_677 = tpu.vector_load %arg6[%get3A_675, %get3A_676] {strides = array<i32>} : memref<14x128xi32, #tpu.memory_space<vmem>>, vector<1x16xi32>,
      %get3A_678 = vector.shape_cast %get3A_677 : vector<1x16xi32> to vector<16xi32>
      %div3A_679 = arith.constant 12500 : i32
      %div3A_680 = vector.broadcast %div3A_679 : i32 to vector<16xi32>
      %div3A_681 = arith.divsi %get3A_678, %div3A_680 : vector<16xi32>
      %mul3A_682 = arith.constant 4 : i32
      %mul3A_683 = arith.muli %scan3A_566, %mul3A_682 : i32
      %add3A_684 = arith.constant 2 : i32
      %add3A_685 = arith.addi %mul3A_683, %add3A_684 : i32
      %add3A_686 = arith.constant 0 : i32
      %add3A_687 = vector.broadcast %add3A_686 : i32 to vector<16xi32>
      %add3A_688 = arith.addi %add3A_61, %add3A_687 : vector<16xi32>
      %mul3A_689 = arith.constant 8192 : i32
      %mul3A_690 = arith.muli %add3A_685, %mul3A_689 : i32
      %add3A_691 = vector.broadcast %mul3A_690 : i32 to vector<16xi32>
      %add3A_692 = arith.addi %add3A_691, %add3A_688 : vector<16xi32>
      %mul3A_693 = arith.constant 8 : i32
      %mul3A_694 = vector.broadcast %mul3A_693 : i32 to vector<16xi32>
      %mul3A_695 = arith.muli %div3A_681, %mul3A_694 : vector<16xi32>
      %add3A_696 = arith.addi %add3A_692, %mul3A_695 : vector<16xi32>
      %swap3A_697 = arith.index_cast %scan3A_566 : i32 to index
      %swap3A_698 = arith.constant 64 : index
      %swap3A_699 = tpu.vector_load %arg7[%swap3A_697, %swap3A_698] {strides = array<i32>} : memref<14x128xi32, #tpu.memory_space<vmem>>, vector<1x16xi32>,
      %swap3A_700 = vector.shape_cast %swap3A_699 : vector<1x16xi32> to vector<16xi32>
      %swap3A_701 = vector.shape_cast %add3A_696 : vector<16xi32> to vector<1x16xi32>
      tpu.vector_store %arg7[%swap3A_697, %swap3A_698], %swap3A_701 {strides = array<i32>} : memref<14x128xi32, #tpu.memory_space<vmem>>, vector<1x16xi32>,
      %get3A_702 = arith.index_cast %scan3A_566 : i32 to index
      %get3A_703 = arith.constant 80 : index
      %get3A_704 = tpu.vector_load %arg6[%get3A_702, %get3A_703] {strides = array<i32>} : memref<14x128xi32, #tpu.memory_space<vmem>>, vector<1x16xi32>,
      %get3A_705 = vector.shape_cast %get3A_704 : vector<1x16xi32> to vector<16xi32>
      %div3A_706 = arith.constant 12500 : i32
      %div3A_707 = vector.broadcast %div3A_706 : i32 to vector<16xi32>
      %div3A_708 = arith.divsi %get3A_705, %div3A_707 : vector<16xi32>
      %mul3A_709 = arith.constant 4 : i32
      %mul3A_710 = arith.muli %scan3A_566, %mul3A_709 : i32
      %add3A_711 = arith.constant 2 : i32
      %add3A_712 = arith.addi %mul3A_710, %add3A_711 : i32
      %add3A_713 = arith.constant 128 : i32
      %add3A_714 = vector.broadcast %add3A_713 : i32 to vector<16xi32>
      %add3A_715 = arith.addi %add3A_61, %add3A_714 : vector<16xi32>
      %mul3A_716 = arith.constant 8192 : i32
      %mul3A_717 = arith.muli %add3A_712, %mul3A_716 : i32
      %add3A_718 = vector.broadcast %mul3A_717 : i32 to vector<16xi32>
      %add3A_719 = arith.addi %add3A_718, %add3A_715 : vector<16xi32>
      %mul3A_720 = arith.constant 8 : i32
      %mul3A_721 = vector.broadcast %mul3A_720 : i32 to vector<16xi32>
      %mul3A_722 = arith.muli %div3A_708, %mul3A_721 : vector<16xi32>
      %add3A_723 = arith.addi %add3A_719, %mul3A_722 : vector<16xi32>
      %swap3A_724 = arith.index_cast %scan3A_566 : i32 to index
      %swap3A_725 = arith.constant 80 : index
      %swap3A_726 = tpu.vector_load %arg7[%swap3A_724, %swap3A_725] {strides = array<i32>} : memref<14x128xi32, #tpu.memory_space<vmem>>, vector<1x16xi32>,
      %swap3A_727 = vector.shape_cast %swap3A_726 : vector<1x16xi32> to vector<16xi32>
      %swap3A_728 = vector.shape_cast %add3A_723 : vector<16xi32> to vector<1x16xi32>
      tpu.vector_store %arg7[%swap3A_724, %swap3A_725], %swap3A_728 {strides = array<i32>} : memref<14x128xi32, #tpu.memory_space<vmem>>, vector<1x16xi32>,
      %get3A_729 = arith.index_cast %scan3A_566 : i32 to index
      %get3A_730 = arith.constant 96 : index
      %get3A_731 = tpu.vector_load %arg6[%get3A_729, %get3A_730] {strides = array<i32>} : memref<14x128xi32, #tpu.memory_space<vmem>>, vector<1x16xi32>,
      %get3A_732 = vector.shape_cast %get3A_731 : vector<1x16xi32> to vector<16xi32>
      %div3A_733 = arith.constant 12500 : i32
      %div3A_734 = vector.broadcast %div3A_733 : i32 to vector<16xi32>
      %div3A_735 = arith.divsi %get3A_732, %div3A_734 : vector<16xi32>
      %mul3A_736 = arith.constant 4 : i32
      %mul3A_737 = arith.muli %scan3A_566, %mul3A_736 : i32
      %add3A_738 = arith.constant 3 : i32
      %add3A_739 = arith.addi %mul3A_737, %add3A_738 : i32
      %add3A_740 = arith.constant 0 : i32
      %add3A_741 = vector.broadcast %add3A_740 : i32 to vector<16xi32>
      %add3A_742 = arith.addi %add3A_61, %add3A_741 : vector<16xi32>
      %mul3A_743 = arith.constant 8192 : i32
      %mul3A_744 = arith.muli %add3A_739, %mul3A_743 : i32
      %add3A_745 = vector.broadcast %mul3A_744 : i32 to vector<16xi32>
      %add3A_746 = arith.addi %add3A_745, %add3A_742 : vector<16xi32>
      %mul3A_747 = arith.constant 8 : i32
      %mul3A_748 = vector.broadcast %mul3A_747 : i32 to vector<16xi32>
      %mul3A_749 = arith.muli %div3A_735, %mul3A_748 : vector<16xi32>
      %add3A_750 = arith.addi %add3A_746, %mul3A_749 : vector<16xi32>
      %swap3A_751 = arith.index_cast %scan3A_566 : i32 to index
      %swap3A_752 = arith.constant 96 : index
      %swap3A_753 = tpu.vector_load %arg7[%swap3A_751, %swap3A_752] {strides = array<i32>} : memref<14x128xi32, #tpu.memory_space<vmem>>, vector<1x16xi32>,
      %swap3A_754 = vector.shape_cast %swap3A_753 : vector<1x16xi32> to vector<16xi32>
      %swap3A_755 = vector.shape_cast %add3A_750 : vector<16xi32> to vector<1x16xi32>
      tpu.vector_store %arg7[%swap3A_751, %swap3A_752], %swap3A_755 {strides = array<i32>} : memref<14x128xi32, #tpu.memory_space<vmem>>, vector<1x16xi32>,
      %get3A_756 = arith.index_cast %scan3A_566 : i32 to index
      %get3A_757 = arith.constant 112 : index
      %get3A_758 = tpu.vector_load %arg6[%get3A_756, %get3A_757] {strides = array<i32>} : memref<14x128xi32, #tpu.memory_space<vmem>>, vector<1x16xi32>,
      %get3A_759 = vector.shape_cast %get3A_758 : vector<1x16xi32> to vector<16xi32>
      %div3A_760 = arith.constant 12500 : i32
      %div3A_761 = vector.broadcast %div3A_760 : i32 to vector<16xi32>
      %div3A_762 = arith.divsi %get3A_759, %div3A_761 : vector<16xi32>
      %mul3A_763 = arith.constant 4 : i32
      %mul3A_764 = arith.muli %scan3A_566, %mul3A_763 : i32
      %add3A_765 = arith.constant 3 : i32
      %add3A_766 = arith.addi %mul3A_764, %add3A_765 : i32
      %add3A_767 = arith.constant 128 : i32
      %add3A_768 = vector.broadcast %add3A_767 : i32 to vector<16xi32>
      %add3A_769 = arith.addi %add3A_61, %add3A_768 : vector<16xi32>
      %mul3A_770 = arith.constant 8192 : i32
      %mul3A_771 = arith.muli %add3A_766, %mul3A_770 : i32
      %add3A_772 = vector.broadcast %mul3A_771 : i32 to vector<16xi32>
      %add3A_773 = arith.addi %add3A_772, %add3A_769 : vector<16xi32>
      %mul3A_774 = arith.constant 8 : i32
      %mul3A_775 = vector.broadcast %mul3A_774 : i32 to vector<16xi32>
      %mul3A_776 = arith.muli %div3A_762, %mul3A_775 : vector<16xi32>
      %add3A_777 = arith.addi %add3A_773, %mul3A_776 : vector<16xi32>
      %swap3A_778 = arith.index_cast %scan3A_566 : i32 to index
      %swap3A_779 = arith.constant 112 : index
      %swap3A_780 = tpu.vector_load %arg7[%swap3A_778, %swap3A_779] {strides = array<i32>} : memref<14x128xi32, #tpu.memory_space<vmem>>, vector<1x16xi32>,
      %swap3A_781 = vector.shape_cast %swap3A_780 : vector<1x16xi32> to vector<16xi32>
      %swap3A_782 = vector.shape_cast %add3A_777 : vector<16xi32> to vector<1x16xi32>
      tpu.vector_store %arg7[%swap3A_778, %swap3A_779], %swap3A_782 {strides = array<i32>} : memref<14x128xi32, #tpu.memory_space<vmem>>, vector<1x16xi32>,
    }
    %scan3A_67 = arith.constant 12 : i32
    %get3A = arith.constant 12 : i32
    %get3A_68 = arith.index_cast %get3A : i32 to index
    %get3A_69 = arith.constant 0 : index
    %get3A_70 = tpu.vector_load %arg6[%get3A_68, %get3A_69] {strides = array<i32>} : memref<14x128xi32, #tpu.memory_space<vmem>>, vector<1x16xi32>,
    %get3A_71 = vector.shape_cast %get3A_70 : vector<1x16xi32> to vector<16xi32>
    %swap3A = arith.constant 0 : i32
    %swap3A_72 = arith.index_cast %swap3A : i32 to index
    %swap3A_73 = arith.constant 0 : index
    %swap3A_74 = tpu.vector_load %arg8[%swap3A_72, %swap3A_73] {strides = array<i32>} : memref<1x64xi32, #tpu.memory_space<vmem>>, vector<1x16xi32>,
    %swap3A_75 = vector.shape_cast %swap3A_74 : vector<1x16xi32> to vector<16xi32>
    %swap3A_76 = vector.shape_cast %get3A_71 : vector<16xi32> to vector<1x16xi32>
    tpu.vector_store %arg8[%swap3A_72, %swap3A_73], %swap3A_76 {strides = array<i32>} : memref<1x64xi32, #tpu.memory_space<vmem>>, vector<1x16xi32>,
    %div3A_77 = arith.constant 12500 : i32
    %div3A_78 = vector.broadcast %div3A_77 : i32 to vector<16xi32>
    %div3A_79 = arith.divsi %get3A_71, %div3A_78 : vector<16xi32>
    %add3A_80 = arith.constant 0 : i32
    %add3A_81 = vector.broadcast %add3A_80 : i32 to vector<16xi32>
    %add3A_82 = arith.addi %add3A_61, %add3A_81 : vector<16xi32>
    %add3A_83 = arith.constant 393216 : i32
    %add3A_84 = vector.broadcast %add3A_83 : i32 to vector<16xi32>
    %add3A_85 = arith.addi %add3A_84, %add3A_82 : vector<16xi32>
    %mul3A_86 = arith.constant 8 : i32
    %mul3A_87 = vector.broadcast %mul3A_86 : i32 to vector<16xi32>
    %mul3A_88 = arith.muli %div3A_79, %mul3A_87 : vector<16xi32>
    %add3A_89 = arith.addi %add3A_85, %mul3A_88 : vector<16xi32>
    %swap3A_90 = arith.constant 0 : i32
    %swap3A_91 = arith.index_cast %swap3A_90 : i32 to index
    %swap3A_92 = arith.constant 0 : index
    %swap3A_93 = tpu.vector_load %arg9[%swap3A_91, %swap3A_92] {strides = array<i32>} : memref<1x64xi32, #tpu.memory_space<vmem>>, vector<1x16xi32>,
    %swap3A_94 = vector.shape_cast %swap3A_93 : vector<1x16xi32> to vector<16xi32>
    %swap3A_95 = vector.shape_cast %add3A_89 : vector<16xi32> to vector<1x16xi32>
    tpu.vector_store %arg9[%swap3A_91, %swap3A_92], %swap3A_95 {strides = array<i32>} : memref<1x64xi32, #tpu.memory_space<vmem>>, vector<1x16xi32>,
    %get3A_96 = arith.constant 12 : i32
    %get3A_97 = arith.index_cast %get3A_96 : i32 to index
    %get3A_98 = arith.constant 16 : index
    %get3A_99 = tpu.vector_load %arg6[%get3A_97, %get3A_98] {strides = array<i32>} : memref<14x128xi32, #tpu.memory_space<vmem>>, vector<1x16xi32>,
    %get3A_100 = vector.shape_cast %get3A_99 : vector<1x16xi32> to vector<16xi32>
    %swap3A_101 = arith.constant 0 : i32
    %swap3A_102 = arith.index_cast %swap3A_101 : i32 to index
    %swap3A_103 = arith.constant 16 : index
    %swap3A_104 = tpu.vector_load %arg8[%swap3A_102, %swap3A_103] {strides = array<i32>} : memref<1x64xi32, #tpu.memory_space<vmem>>, vector<1x16xi32>,
    %swap3A_105 = vector.shape_cast %swap3A_104 : vector<1x16xi32> to vector<16xi32>
    %swap3A_106 = vector.shape_cast %get3A_100 : vector<16xi32> to vector<1x16xi32>
    tpu.vector_store %arg8[%swap3A_102, %swap3A_103], %swap3A_106 {strides = array<i32>} : memref<1x64xi32, #tpu.memory_space<vmem>>, vector<1x16xi32>,
    %div3A_107 = arith.constant 12500 : i32
    %div3A_108 = vector.broadcast %div3A_107 : i32 to vector<16xi32>
    %div3A_109 = arith.divsi %get3A_100, %div3A_108 : vector<16xi32>
    %add3A_110 = arith.constant 128 : i32
    %add3A_111 = vector.broadcast %add3A_110 : i32 to vector<16xi32>
    %add3A_112 = arith.addi %add3A_61, %add3A_111 : vector<16xi32>
    %add3A_113 = arith.constant 393216 : i32
    %add3A_114 = vector.broadcast %add3A_113 : i32 to vector<16xi32>
    %add3A_115 = arith.addi %add3A_114, %add3A_112 : vector<16xi32>
    %mul3A_116 = arith.constant 8 : i32
    %mul3A_117 = vector.broadcast %mul3A_116 : i32 to vector<16xi32>
    %mul3A_118 = arith.muli %div3A_109, %mul3A_117 : vector<16xi32>
    %add3A_119 = arith.addi %add3A_115, %mul3A_118 : vector<16xi32>
    %swap3A_120 = arith.constant 0 : i32
    %swap3A_121 = arith.index_cast %swap3A_120 : i32 to index
    %swap3A_122 = arith.constant 16 : index
    %swap3A_123 = tpu.vector_load %arg9[%swap3A_121, %swap3A_122] {strides = array<i32>} : memref<1x64xi32, #tpu.memory_space<vmem>>, vector<1x16xi32>,
    %swap3A_124 = vector.shape_cast %swap3A_123 : vector<1x16xi32> to vector<16xi32>
    %swap3A_125 = vector.shape_cast %add3A_119 : vector<16xi32> to vector<1x16xi32>
    tpu.vector_store %arg9[%swap3A_121, %swap3A_122], %swap3A_125 {strides = array<i32>} : memref<1x64xi32, #tpu.memory_space<vmem>>, vector<1x16xi32>,
    %get3A_126 = arith.constant 12 : i32
    %get3A_127 = arith.index_cast %get3A_126 : i32 to index
    %get3A_128 = arith.constant 32 : index
    %get3A_129 = tpu.vector_load %arg6[%get3A_127, %get3A_128] {strides = array<i32>} : memref<14x128xi32, #tpu.memory_space<vmem>>, vector<1x16xi32>,
    %get3A_130 = vector.shape_cast %get3A_129 : vector<1x16xi32> to vector<16xi32>
    %swap3A_131 = arith.constant 0 : i32
    %swap3A_132 = arith.index_cast %swap3A_131 : i32 to index
    %swap3A_133 = arith.constant 32 : index
    %swap3A_134 = tpu.vector_load %arg8[%swap3A_132, %swap3A_133] {strides = array<i32>} : memref<1x64xi32, #tpu.memory_space<vmem>>, vector<1x16xi32>,
    %swap3A_135 = vector.shape_cast %swap3A_134 : vector<1x16xi32> to vector<16xi32>
    %swap3A_136 = vector.shape_cast %get3A_130 : vector<16xi32> to vector<1x16xi32>
    tpu.vector_store %arg8[%swap3A_132, %swap3A_133], %swap3A_136 {strides = array<i32>} : memref<1x64xi32, #tpu.memory_space<vmem>>, vector<1x16xi32>,
    %div3A_137 = arith.constant 12500 : i32
    %div3A_138 = vector.broadcast %div3A_137 : i32 to vector<16xi32>
    %div3A_139 = arith.divsi %get3A_130, %div3A_138 : vector<16xi32>
    %add3A_140 = arith.constant 0 : i32
    %add3A_141 = vector.broadcast %add3A_140 : i32 to vector<16xi32>
    %add3A_142 = arith.addi %add3A_61, %add3A_141 : vector<16xi32>
    %add3A_143 = arith.constant 401408 : i32
    %add3A_144 = vector.broadcast %add3A_143 : i32 to vector<16xi32>
    %add3A_145 = arith.addi %add3A_144, %add3A_142 : vector<16xi32>
    %mul3A_146 = arith.constant 8 : i32
    %mul3A_147 = vector.broadcast %mul3A_146 : i32 to vector<16xi32>
    %mul3A_148 = arith.muli %div3A_139, %mul3A_147 : vector<16xi32>
    %add3A_149 = arith.addi %add3A_145, %mul3A_148 : vector<16xi32>
    %swap3A_150 = arith.constant 0 : i32
    %swap3A_151 = arith.index_cast %swap3A_150 : i32 to index
    %swap3A_152 = arith.constant 32 : index
    %swap3A_153 = tpu.vector_load %arg9[%swap3A_151, %swap3A_152] {strides = array<i32>} : memref<1x64xi32, #tpu.memory_space<vmem>>, vector<1x16xi32>,
    %swap3A_154 = vector.shape_cast %swap3A_153 : vector<1x16xi32> to vector<16xi32>
    %swap3A_155 = vector.shape_cast %add3A_149 : vector<16xi32> to vector<1x16xi32>
    tpu.vector_store %arg9[%swap3A_151, %swap3A_152], %swap3A_155 {strides = array<i32>} : memref<1x64xi32, #tpu.memory_space<vmem>>, vector<1x16xi32>,
    %get3A_156 = arith.constant 12 : i32
    %get3A_157 = arith.index_cast %get3A_156 : i32 to index
    %get3A_158 = arith.constant 48 : index
    %get3A_159 = tpu.vector_load %arg6[%get3A_157, %get3A_158] {strides = array<i32>} : memref<14x128xi32, #tpu.memory_space<vmem>>, vector<1x16xi32>,
    %get3A_160 = vector.shape_cast %get3A_159 : vector<1x16xi32> to vector<16xi32>
    %swap3A_161 = arith.constant 0 : i32
    %swap3A_162 = arith.index_cast %swap3A_161 : i32 to index
    %swap3A_163 = arith.constant 48 : index
    %swap3A_164 = tpu.vector_load %arg8[%swap3A_162, %swap3A_163] {strides = array<i32>} : memref<1x64xi32, #tpu.memory_space<vmem>>, vector<1x16xi32>,
    %swap3A_165 = vector.shape_cast %swap3A_164 : vector<1x16xi32> to vector<16xi32>
    %swap3A_166 = vector.shape_cast %get3A_160 : vector<16xi32> to vector<1x16xi32>
    tpu.vector_store %arg8[%swap3A_162, %swap3A_163], %swap3A_166 {strides = array<i32>} : memref<1x64xi32, #tpu.memory_space<vmem>>, vector<1x16xi32>,
    %div3A_167 = arith.constant 12500 : i32
    %div3A_168 = vector.broadcast %div3A_167 : i32 to vector<16xi32>
    %div3A_169 = arith.divsi %get3A_160, %div3A_168 : vector<16xi32>
    %add3A_170 = arith.constant 128 : i32
    %add3A_171 = vector.broadcast %add3A_170 : i32 to vector<16xi32>
    %add3A_172 = arith.addi %add3A_61, %add3A_171 : vector<16xi32>
    %add3A_173 = arith.constant 401408 : i32
    %add3A_174 = vector.broadcast %add3A_173 : i32 to vector<16xi32>
    %add3A_175 = arith.addi %add3A_174, %add3A_172 : vector<16xi32>
    %mul3A_176 = arith.constant 8 : i32
    %mul3A_177 = vector.broadcast %mul3A_176 : i32 to vector<16xi32>
    %mul3A_178 = arith.muli %div3A_169, %mul3A_177 : vector<16xi32>
    %add3A_179 = arith.addi %add3A_175, %mul3A_178 : vector<16xi32>
    %swap3A_180 = arith.constant 0 : i32
    %swap3A_181 = arith.index_cast %swap3A_180 : i32 to index
    %swap3A_182 = arith.constant 48 : index
    %swap3A_183 = tpu.vector_load %arg9[%swap3A_181, %swap3A_182] {strides = array<i32>} : memref<1x64xi32, #tpu.memory_space<vmem>>, vector<1x16xi32>,
    %swap3A_184 = vector.shape_cast %swap3A_183 : vector<1x16xi32> to vector<16xi32>
    %swap3A_185 = vector.shape_cast %add3A_179 : vector<16xi32> to vector<1x16xi32>
    tpu.vector_store %arg9[%swap3A_181, %swap3A_182], %swap3A_185 {strides = array<i32>} : memref<1x64xi32, #tpu.memory_space<vmem>>, vector<1x16xi32>,
    %dma_start3A = arith.constant 0 : i32
    %dma_start3A_186 = arith.constant 0 : i32
    %dma_start3A_187 = tpu.memref_slice %arg6[%dma_start3A, %dma_start3A_186] : memref<14x128xi32, #tpu.memory_space<vmem>> -> memref<1x128xi32, #tpu.memory_space<vmem>>
    %dma_start3A_188 = tpu.memref_squeeze %dma_start3A_187 : memref<1x128xi32, #tpu.memory_space<vmem>> -> memref<128xi32, #tpu.memory_space<vmem>>
    %dma_start3A_189 = arith.constant 0 : i32
    %dma_start3A_190 = arith.constant 0 : i32
    %dma_start3A_191 = tpu.memref_slice %arg3[%dma_start3A_189, %dma_start3A_190] : memref<100000x128xf32, #tpu.memory_space<hbm>> -> memref<100000x128xf32, #tpu.memory_space<hbm>>
    tpu.enqueue_indirect_dma source(%dma_start3A_191 : memref<100000x128xf32, #tpu.memory_space<hbm>>) target(%arg11 : memref<128x128xf32, #tpu.memory_space<vmem>>) offsets(%dma_start3A_188 : memref<128xi32, #tpu.memory_space<vmem>>) semaphore(%arg16 : memref<!tpu.dma_semaphore, #tpu.memory_space<semaphore_mem>>)
    %dma_start3A_192 = arith.constant 1 : i32
    %dma_start3A_193 = arith.constant 0 : i32
    %dma_start3A_194 = tpu.memref_slice %arg6[%dma_start3A_192, %dma_start3A_193] : memref<14x128xi32, #tpu.memory_space<vmem>> -> memref<1x128xi32, #tpu.memory_space<vmem>>
    %dma_start3A_195 = tpu.memref_squeeze %dma_start3A_194 : memref<1x128xi32, #tpu.memory_space<vmem>> -> memref<128xi32, #tpu.memory_space<vmem>>
    %dma_start3A_196 = arith.constant 0 : i32
    %dma_start3A_197 = arith.constant 0 : i32
    %dma_start3A_198 = tpu.memref_slice %arg3[%dma_start3A_196, %dma_start3A_197] : memref<100000x128xf32, #tpu.memory_space<hbm>> -> memref<100000x128xf32, #tpu.memory_space<hbm>>
    tpu.enqueue_indirect_dma source(%dma_start3A_198 : memref<100000x128xf32, #tpu.memory_space<hbm>>) target(%arg12 : memref<128x128xf32, #tpu.memory_space<vmem>>) offsets(%dma_start3A_195 : memref<128xi32, #tpu.memory_space<vmem>>) semaphore(%arg17 : memref<!tpu.dma_semaphore, #tpu.memory_space<semaphore_mem>>)
    %dma_start3A_199 = arith.constant 2 : i32
    %dma_start3A_200 = arith.constant 0 : i32
    %dma_start3A_201 = tpu.memref_slice %arg6[%dma_start3A_199, %dma_start3A_200] : memref<14x128xi32, #tpu.memory_space<vmem>> -> memref<1x128xi32, #tpu.memory_space<vmem>>
    %dma_start3A_202 = tpu.memref_squeeze %dma_start3A_201 : memref<1x128xi32, #tpu.memory_space<vmem>> -> memref<128xi32, #tpu.memory_space<vmem>>
    %dma_start3A_203 = arith.constant 0 : i32
    %dma_start3A_204 = arith.constant 0 : i32
    %dma_start3A_205 = tpu.memref_slice %arg3[%dma_start3A_203, %dma_start3A_204] : memref<100000x128xf32, #tpu.memory_space<hbm>> -> memref<100000x128xf32, #tpu.memory_space<hbm>>
    tpu.enqueue_indirect_dma source(%dma_start3A_205 : memref<100000x128xf32, #tpu.memory_space<hbm>>) target(%arg13 : memref<128x128xf32, #tpu.memory_space<vmem>>) offsets(%dma_start3A_202 : memref<128xi32, #tpu.memory_space<vmem>>) semaphore(%arg18 : memref<!tpu.dma_semaphore, #tpu.memory_space<semaphore_mem>>)
    %scan3A_206 = arith.constant 0 : i32
    %scan3A_207 = arith.constant 0 : i32
    %scan3A_208 = arith.constant 50 : i32
    %scan3A_209 = arith.addi %scan3A_207, %scan3A_208 : i32
    %scan3A_210 = arith.constant 1 : i32
    scf.for %scan3A_566 = %scan3A_207 to %scan3A_209 step %scan3A_210  : i32 {
      %mul3A_567 = arith.constant 8192 : i32
      %mul3A_568 = arith.muli %scan3A_566, %mul3A_567 : i32
      %add3A_569 = arith.addi %mul3A_568, %mul3A_20 : i32
      %dma_wait3A_570 = arith.constant 0 : i32
      %dma_wait3A_571 = tpu.memref_slice %arg5[%add3A_569, %dma_wait3A_570] : memref<409600x128xf32, #tpu.memory_space<hbm>> -> memref<256x128xf32, #tpu.memory_space<hbm>>
      %dma_wait3A_572 = arith.constant 0 : i32
      %dma_wait3A_573 = tpu.memref_slice %arg5[%add3A_569, %dma_wait3A_572] : memref<409600x128xf32, #tpu.memory_space<hbm>> -> memref<256x128xf32, #tpu.memory_space<hbm>>
      tpu.wait_dma2 semaphore(%arg15 : memref<!tpu.dma_semaphore, #tpu.memory_space<semaphore_mem>>) src(%arg10 : memref<256x128xf32, #tpu.memory_space<vmem>>) dst(%dma_wait3A_573 : memref<256x128xf32, #tpu.memory_space<hbm>>)
    }
    %scan3A_211 = arith.constant 50 : i32
    %dma_wait3A = arith.constant 0 : i32
    %dma_wait3A_212 = arith.constant 0 : i32
    %dma_wait3A_213 = tpu.memref_slice %arg6[%dma_wait3A, %dma_wait3A_212] : memref<14x128xi32, #tpu.memory_space<vmem>> -> memref<1x128xi32, #tpu.memory_space<vmem>>
    %dma_wait3A_214 = tpu.memref_squeeze %dma_wait3A_213 : memref<1x128xi32, #tpu.memory_space<vmem>> -> memref<128xi32, #tpu.memory_space<vmem>>
    %dma_wait3A_215 = arith.constant 0 : i32
    %dma_wait3A_216 = arith.constant 0 : i32
    %dma_wait3A_217 = tpu.memref_slice %arg3[%dma_wait3A_215, %dma_wait3A_216] : memref<100000x128xf32, #tpu.memory_space<hbm>> -> memref<100000x128xf32, #tpu.memory_space<hbm>>
    tpu.wait_indirect_dma semaphore(%arg16 : memref<!tpu.dma_semaphore, #tpu.memory_space<semaphore_mem>>) src(%dma_wait3A_217 : memref<100000x128xf32, #tpu.memory_space<hbm>>) dst(%arg11 : memref<128x128xf32, #tpu.memory_space<vmem>>)
    %dma_start3A_218 = arith.constant 0 : i32
    %dma_start3A_219 = arith.constant 0 : i32
    %dma_start3A_220 = tpu.memref_slice %arg7[%dma_start3A_218, %dma_start3A_219] : memref<14x128xi32, #tpu.memory_space<vmem>> -> memref<1x128xi32, #tpu.memory_space<vmem>>
    %dma_start3A_221 = tpu.memref_squeeze %dma_start3A_220 : memref<1x128xi32, #tpu.memory_space<vmem>> -> memref<128xi32, #tpu.memory_space<vmem>>
    %dma_start3A_222 = arith.constant 0 : i32
    %dma_start3A_223 = arith.constant 0 : i32
    %dma_start3A_224 = tpu.memref_slice %arg5[%dma_start3A_222, %dma_start3A_223] : memref<409600x128xf32, #tpu.memory_space<hbm>> -> memref<409600x128xf32, #tpu.memory_space<hbm>>
    tpu.enqueue_indirect_dma source(%arg11 : memref<128x128xf32, #tpu.memory_space<vmem>>) target(%dma_start3A_224 : memref<409600x128xf32, #tpu.memory_space<hbm>>) offsets(%dma_start3A_221 : memref<128xi32, #tpu.memory_space<vmem>>) semaphore(%arg20 : memref<!tpu.dma_semaphore, #tpu.memory_space<semaphore_mem>>)
    %dma_start3A_225 = arith.constant 3 : i32
    %dma_start3A_226 = arith.constant 0 : i32
    %dma_start3A_227 = tpu.memref_slice %arg6[%dma_start3A_225, %dma_start3A_226] : memref<14x128xi32, #tpu.memory_space<vmem>> -> memref<1x128xi32, #tpu.memory_space<vmem>>
    %dma_start3A_228 = tpu.memref_squeeze %dma_start3A_227 : memref<1x128xi32, #tpu.memory_space<vmem>> -> memref<128xi32, #tpu.memory_space<vmem>>
    %dma_start3A_229 = arith.constant 0 : i32
    %dma_start3A_230 = arith.constant 0 : i32
    %dma_start3A_231 = tpu.memref_slice %arg3[%dma_start3A_229, %dma_start3A_230] : memref<100000x128xf32, #tpu.memory_space<hbm>> -> memref<100000x128xf32, #tpu.memory_space<hbm>>
    tpu.enqueue_indirect_dma source(%dma_start3A_231 : memref<100000x128xf32, #tpu.memory_space<hbm>>) target(%arg14 : memref<128x128xf32, #tpu.memory_space<vmem>>) offsets(%dma_start3A_228 : memref<128xi32, #tpu.memory_space<vmem>>) semaphore(%arg19 : memref<!tpu.dma_semaphore, #tpu.memory_space<semaphore_mem>>)
    %dma_wait3A_232 = arith.constant 1 : i32
    %dma_wait3A_233 = arith.constant 0 : i32
    %dma_wait3A_234 = tpu.memref_slice %arg6[%dma_wait3A_232, %dma_wait3A_233] : memref<14x128xi32, #tpu.memory_space<vmem>> -> memref<1x128xi32, #tpu.memory_space<vmem>>
    %dma_wait3A_235 = tpu.memref_squeeze %dma_wait3A_234 : memref<1x128xi32, #tpu.memory_space<vmem>> -> memref<128xi32, #tpu.memory_space<vmem>>
    %dma_wait3A_236 = arith.constant 0 : i32
    %dma_wait3A_237 = arith.constant 0 : i32
    %dma_wait3A_238 = tpu.memref_slice %arg3[%dma_wait3A_236, %dma_wait3A_237] : memref<100000x128xf32, #tpu.memory_space<hbm>> -> memref<100000x128xf32, #tpu.memory_space<hbm>>
    tpu.wait_indirect_dma semaphore(%arg17 : memref<!tpu.dma_semaphore, #tpu.memory_space<semaphore_mem>>) src(%dma_wait3A_238 : memref<100000x128xf32, #tpu.memory_space<hbm>>) dst(%arg12 : memref<128x128xf32, #tpu.memory_space<vmem>>)
    %dma_start3A_239 = arith.constant 1 : i32
    %dma_start3A_240 = arith.constant 0 : i32
    %dma_start3A_241 = tpu.memref_slice %arg7[%dma_start3A_239, %dma_start3A_240] : memref<14x128xi32, #tpu.memory_space<vmem>> -> memref<1x128xi32, #tpu.memory_space<vmem>>
    %dma_start3A_242 = tpu.memref_squeeze %dma_start3A_241 : memref<1x128xi32, #tpu.memory_space<vmem>> -> memref<128xi32, #tpu.memory_space<vmem>>
    %dma_start3A_243 = arith.constant 0 : i32
    %dma_start3A_244 = arith.constant 0 : i32
    %dma_start3A_245 = tpu.memref_slice %arg5[%dma_start3A_243, %dma_start3A_244] : memref<409600x128xf32, #tpu.memory_space<hbm>> -> memref<409600x128xf32, #tpu.memory_space<hbm>>
    tpu.enqueue_indirect_dma source(%arg12 : memref<128x128xf32, #tpu.memory_space<vmem>>) target(%dma_start3A_245 : memref<409600x128xf32, #tpu.memory_space<hbm>>) offsets(%dma_start3A_242 : memref<128xi32, #tpu.memory_space<vmem>>) semaphore(%arg21 : memref<!tpu.dma_semaphore, #tpu.memory_space<semaphore_mem>>)
    %dma_wait3A_246 = arith.constant 0 : i32
    %dma_wait3A_247 = arith.constant 0 : i32
    %dma_wait3A_248 = tpu.memref_slice %arg7[%dma_wait3A_246, %dma_wait3A_247] : memref<14x128xi32, #tpu.memory_space<vmem>> -> memref<1x128xi32, #tpu.memory_space<vmem>>
    %dma_wait3A_249 = tpu.memref_squeeze %dma_wait3A_248 : memref<1x128xi32, #tpu.memory_space<vmem>> -> memref<128xi32, #tpu.memory_space<vmem>>
    %dma_wait3A_250 = arith.constant 0 : i32
    %dma_wait3A_251 = arith.constant 0 : i32
    %dma_wait3A_252 = tpu.memref_slice %arg5[%dma_wait3A_250, %dma_wait3A_251] : memref<409600x128xf32, #tpu.memory_space<hbm>> -> memref<409600x128xf32, #tpu.memory_space<hbm>>
    tpu.wait_indirect_dma semaphore(%arg20 : memref<!tpu.dma_semaphore, #tpu.memory_space<semaphore_mem>>) src(%arg11 : memref<128x128xf32, #tpu.memory_space<vmem>>) dst(%dma_wait3A_252 : memref<409600x128xf32, #tpu.memory_space<hbm>>)
    %dma_start3A_253 = arith.constant 4 : i32
    %dma_start3A_254 = arith.constant 0 : i32
    %dma_start3A_255 = tpu.memref_slice %arg6[%dma_start3A_253, %dma_start3A_254] : memref<14x128xi32, #tpu.memory_space<vmem>> -> memref<1x128xi32, #tpu.memory_space<vmem>>
    %dma_start3A_256 = tpu.memref_squeeze %dma_start3A_255 : memref<1x128xi32, #tpu.memory_space<vmem>> -> memref<128xi32, #tpu.memory_space<vmem>>
    %dma_start3A_257 = arith.constant 0 : i32
    %dma_start3A_258 = arith.constant 0 : i32
    %dma_start3A_259 = tpu.memref_slice %arg3[%dma_start3A_257, %dma_start3A_258] : memref<100000x128xf32, #tpu.memory_space<hbm>> -> memref<100000x128xf32, #tpu.memory_space<hbm>>
    tpu.enqueue_indirect_dma source(%dma_start3A_259 : memref<100000x128xf32, #tpu.memory_space<hbm>>) target(%arg11 : memref<128x128xf32, #tpu.memory_space<vmem>>) offsets(%dma_start3A_256 : memref<128xi32, #tpu.memory_space<vmem>>) semaphore(%arg16 : memref<!tpu.dma_semaphore, #tpu.memory_space<semaphore_mem>>)
    %dma_wait3A_260 = arith.constant 2 : i32
    %dma_wait3A_261 = arith.constant 0 : i32
    %dma_wait3A_262 = tpu.memref_slice %arg6[%dma_wait3A_260, %dma_wait3A_261] : memref<14x128xi32, #tpu.memory_space<vmem>> -> memref<1x128xi32, #tpu.memory_space<vmem>>
    %dma_wait3A_263 = tpu.memref_squeeze %dma_wait3A_262 : memref<1x128xi32, #tpu.memory_space<vmem>> -> memref<128xi32, #tpu.memory_space<vmem>>
    %dma_wait3A_264 = arith.constant 0 : i32
    %dma_wait3A_265 = arith.constant 0 : i32
    %dma_wait3A_266 = tpu.memref_slice %arg3[%dma_wait3A_264, %dma_wait3A_265] : memref<100000x128xf32, #tpu.memory_space<hbm>> -> memref<100000x128xf32, #tpu.memory_space<hbm>>
    tpu.wait_indirect_dma semaphore(%arg18 : memref<!tpu.dma_semaphore, #tpu.memory_space<semaphore_mem>>) src(%dma_wait3A_266 : memref<100000x128xf32, #tpu.memory_space<hbm>>) dst(%arg13 : memref<128x128xf32, #tpu.memory_space<vmem>>)
    %dma_start3A_267 = arith.constant 2 : i32
    %dma_start3A_268 = arith.constant 0 : i32
    %dma_start3A_269 = tpu.memref_slice %arg7[%dma_start3A_267, %dma_start3A_268] : memref<14x128xi32, #tpu.memory_space<vmem>> -> memref<1x128xi32, #tpu.memory_space<vmem>>
    %dma_start3A_270 = tpu.memref_squeeze %dma_start3A_269 : memref<1x128xi32, #tpu.memory_space<vmem>> -> memref<128xi32, #tpu.memory_space<vmem>>
    %dma_start3A_271 = arith.constant 0 : i32
    %dma_start3A_272 = arith.constant 0 : i32
    %dma_start3A_273 = tpu.memref_slice %arg5[%dma_start3A_271, %dma_start3A_272] : memref<409600x128xf32, #tpu.memory_space<hbm>> -> memref<409600x128xf32, #tpu.memory_space<hbm>>
    tpu.enqueue_indirect_dma source(%arg13 : memref<128x128xf32, #tpu.memory_space<vmem>>) target(%dma_start3A_273 : memref<409600x128xf32, #tpu.memory_space<hbm>>) offsets(%dma_start3A_270 : memref<128xi32, #tpu.memory_space<vmem>>) semaphore(%arg22 : memref<!tpu.dma_semaphore, #tpu.memory_space<semaphore_mem>>)
    %dma_wait3A_274 = arith.constant 1 : i32
    %dma_wait3A_275 = arith.constant 0 : i32
    %dma_wait3A_276 = tpu.memref_slice %arg7[%dma_wait3A_274, %dma_wait3A_275] : memref<14x128xi32, #tpu.memory_space<vmem>> -> memref<1x128xi32, #tpu.memory_space<vmem>>
    %dma_wait3A_277 = tpu.memref_squeeze %dma_wait3A_276 : memref<1x128xi32, #tpu.memory_space<vmem>> -> memref<128xi32, #tpu.memory_space<vmem>>
    %dma_wait3A_278 = arith.constant 0 : i32
    %dma_wait3A_279 = arith.constant 0 : i32
    %dma_wait3A_280 = tpu.memref_slice %arg5[%dma_wait3A_278, %dma_wait3A_279] : memref<409600x128xf32, #tpu.memory_space<hbm>> -> memref<409600x128xf32, #tpu.memory_space<hbm>>
    tpu.wait_indirect_dma semaphore(%arg21 : memref<!tpu.dma_semaphore, #tpu.memory_space<semaphore_mem>>) src(%arg12 : memref<128x128xf32, #tpu.memory_space<vmem>>) dst(%dma_wait3A_280 : memref<409600x128xf32, #tpu.memory_space<hbm>>)
    %dma_start3A_281 = arith.constant 5 : i32
    %dma_start3A_282 = arith.constant 0 : i32
    %dma_start3A_283 = tpu.memref_slice %arg6[%dma_start3A_281, %dma_start3A_282] : memref<14x128xi32, #tpu.memory_space<vmem>> -> memref<1x128xi32, #tpu.memory_space<vmem>>
    %dma_start3A_284 = tpu.memref_squeeze %dma_start3A_283 : memref<1x128xi32, #tpu.memory_space<vmem>> -> memref<128xi32, #tpu.memory_space<vmem>>
    %dma_start3A_285 = arith.constant 0 : i32
    %dma_start3A_286 = arith.constant 0 : i32
    %dma_start3A_287 = tpu.memref_slice %arg3[%dma_start3A_285, %dma_start3A_286] : memref<100000x128xf32, #tpu.memory_space<hbm>> -> memref<100000x128xf32, #tpu.memory_space<hbm>>
    tpu.enqueue_indirect_dma source(%dma_start3A_287 : memref<100000x128xf32, #tpu.memory_space<hbm>>) target(%arg12 : memref<128x128xf32, #tpu.memory_space<vmem>>) offsets(%dma_start3A_284 : memref<128xi32, #tpu.memory_space<vmem>>) semaphore(%arg17 : memref<!tpu.dma_semaphore, #tpu.memory_space<semaphore_mem>>)
    %dma_wait3A_288 = arith.constant 3 : i32
    %dma_wait3A_289 = arith.constant 0 : i32
    %dma_wait3A_290 = tpu.memref_slice %arg6[%dma_wait3A_288, %dma_wait3A_289] : memref<14x128xi32, #tpu.memory_space<vmem>> -> memref<1x128xi32, #tpu.memory_space<vmem>>
    %dma_wait3A_291 = tpu.memref_squeeze %dma_wait3A_290 : memref<1x128xi32, #tpu.memory_space<vmem>> -> memref<128xi32, #tpu.memory_space<vmem>>
    %dma_wait3A_292 = arith.constant 0 : i32
    %dma_wait3A_293 = arith.constant 0 : i32
    %dma_wait3A_294 = tpu.memref_slice %arg3[%dma_wait3A_292, %dma_wait3A_293] : memref<100000x128xf32, #tpu.memory_space<hbm>> -> memref<100000x128xf32, #tpu.memory_space<hbm>>
    tpu.wait_indirect_dma semaphore(%arg19 : memref<!tpu.dma_semaphore, #tpu.memory_space<semaphore_mem>>) src(%dma_wait3A_294 : memref<100000x128xf32, #tpu.memory_space<hbm>>) dst(%arg14 : memref<128x128xf32, #tpu.memory_space<vmem>>)
    %dma_start3A_295 = arith.constant 3 : i32
    %dma_start3A_296 = arith.constant 0 : i32
    %dma_start3A_297 = tpu.memref_slice %arg7[%dma_start3A_295, %dma_start3A_296] : memref<14x128xi32, #tpu.memory_space<vmem>> -> memref<1x128xi32, #tpu.memory_space<vmem>>
    %dma_start3A_298 = tpu.memref_squeeze %dma_start3A_297 : memref<1x128xi32, #tpu.memory_space<vmem>> -> memref<128xi32, #tpu.memory_space<vmem>>
    %dma_start3A_299 = arith.constant 0 : i32
    %dma_start3A_300 = arith.constant 0 : i32
    %dma_start3A_301 = tpu.memref_slice %arg5[%dma_start3A_299, %dma_start3A_300] : memref<409600x128xf32, #tpu.memory_space<hbm>> -> memref<409600x128xf32, #tpu.memory_space<hbm>>
    tpu.enqueue_indirect_dma source(%arg14 : memref<128x128xf32, #tpu.memory_space<vmem>>) target(%dma_start3A_301 : memref<409600x128xf32, #tpu.memory_space<hbm>>) offsets(%dma_start3A_298 : memref<128xi32, #tpu.memory_space<vmem>>) semaphore(%arg23 : memref<!tpu.dma_semaphore, #tpu.memory_space<semaphore_mem>>)
    %dma_wait3A_302 = arith.constant 2 : i32
    %dma_wait3A_303 = arith.constant 0 : i32
    %dma_wait3A_304 = tpu.memref_slice %arg7[%dma_wait3A_302, %dma_wait3A_303] : memref<14x128xi32, #tpu.memory_space<vmem>> -> memref<1x128xi32, #tpu.memory_space<vmem>>
    %dma_wait3A_305 = tpu.memref_squeeze %dma_wait3A_304 : memref<1x128xi32, #tpu.memory_space<vmem>> -> memref<128xi32, #tpu.memory_space<vmem>>
    %dma_wait3A_306 = arith.constant 0 : i32
    %dma_wait3A_307 = arith.constant 0 : i32
    %dma_wait3A_308 = tpu.memref_slice %arg5[%dma_wait3A_306, %dma_wait3A_307] : memref<409600x128xf32, #tpu.memory_space<hbm>> -> memref<409600x128xf32, #tpu.memory_space<hbm>>
    tpu.wait_indirect_dma semaphore(%arg22 : memref<!tpu.dma_semaphore, #tpu.memory_space<semaphore_mem>>) src(%arg13 : memref<128x128xf32, #tpu.memory_space<vmem>>) dst(%dma_wait3A_308 : memref<409600x128xf32, #tpu.memory_space<hbm>>)
    %dma_start3A_309 = arith.constant 6 : i32
    %dma_start3A_310 = arith.constant 0 : i32
    %dma_start3A_311 = tpu.memref_slice %arg6[%dma_start3A_309, %dma_start3A_310] : memref<14x128xi32, #tpu.memory_space<vmem>> -> memref<1x128xi32, #tpu.memory_space<vmem>>
    %dma_start3A_312 = tpu.memref_squeeze %dma_start3A_311 : memref<1x128xi32, #tpu.memory_space<vmem>> -> memref<128xi32, #tpu.memory_space<vmem>>
    %dma_start3A_313 = arith.constant 0 : i32
    %dma_start3A_314 = arith.constant 0 : i32
    %dma_start3A_315 = tpu.memref_slice %arg3[%dma_start3A_313, %dma_start3A_314] : memref<100000x128xf32, #tpu.memory_space<hbm>> -> memref<100000x128xf32, #tpu.memory_space<hbm>>
    tpu.enqueue_indirect_dma source(%dma_start3A_315 : memref<100000x128xf32, #tpu.memory_space<hbm>>) target(%arg13 : memref<128x128xf32, #tpu.memory_space<vmem>>) offsets(%dma_start3A_312 : memref<128xi32, #tpu.memory_space<vmem>>) semaphore(%arg18 : memref<!tpu.dma_semaphore, #tpu.memory_space<semaphore_mem>>)
    %dma_wait3A_316 = arith.constant 4 : i32
    %dma_wait3A_317 = arith.constant 0 : i32
    %dma_wait3A_318 = tpu.memref_slice %arg6[%dma_wait3A_316, %dma_wait3A_317] : memref<14x128xi32, #tpu.memory_space<vmem>> -> memref<1x128xi32, #tpu.memory_space<vmem>>
    %dma_wait3A_319 = tpu.memref_squeeze %dma_wait3A_318 : memref<1x128xi32, #tpu.memory_space<vmem>> -> memref<128xi32, #tpu.memory_space<vmem>>
    %dma_wait3A_320 = arith.constant 0 : i32
    %dma_wait3A_321 = arith.constant 0 : i32
    %dma_wait3A_322 = tpu.memref_slice %arg3[%dma_wait3A_320, %dma_wait3A_321] : memref<100000x128xf32, #tpu.memory_space<hbm>> -> memref<100000x128xf32, #tpu.memory_space<hbm>>
    tpu.wait_indirect_dma semaphore(%arg16 : memref<!tpu.dma_semaphore, #tpu.memory_space<semaphore_mem>>) src(%dma_wait3A_322 : memref<100000x128xf32, #tpu.memory_space<hbm>>) dst(%arg11 : memref<128x128xf32, #tpu.memory_space<vmem>>)
    %dma_start3A_323 = arith.constant 4 : i32
    %dma_start3A_324 = arith.constant 0 : i32
    %dma_start3A_325 = tpu.memref_slice %arg7[%dma_start3A_323, %dma_start3A_324] : memref<14x128xi32, #tpu.memory_space<vmem>> -> memref<1x128xi32, #tpu.memory_space<vmem>>
    %dma_start3A_326 = tpu.memref_squeeze %dma_start3A_325 : memref<1x128xi32, #tpu.memory_space<vmem>> -> memref<128xi32, #tpu.memory_space<vmem>>
    %dma_start3A_327 = arith.constant 0 : i32
    %dma_start3A_328 = arith.constant 0 : i32
    %dma_start3A_329 = tpu.memref_slice %arg5[%dma_start3A_327, %dma_start3A_328] : memref<409600x128xf32, #tpu.memory_space<hbm>> -> memref<409600x128xf32, #tpu.memory_space<hbm>>
    tpu.enqueue_indirect_dma source(%arg11 : memref<128x128xf32, #tpu.memory_space<vmem>>) target(%dma_start3A_329 : memref<409600x128xf32, #tpu.memory_space<hbm>>) offsets(%dma_start3A_326 : memref<128xi32, #tpu.memory_space<vmem>>) semaphore(%arg20 : memref<!tpu.dma_semaphore, #tpu.memory_space<semaphore_mem>>)
    %dma_wait3A_330 = arith.constant 3 : i32
    %dma_wait3A_331 = arith.constant 0 : i32
    %dma_wait3A_332 = tpu.memref_slice %arg7[%dma_wait3A_330, %dma_wait3A_331] : memref<14x128xi32, #tpu.memory_space<vmem>> -> memref<1x128xi32, #tpu.memory_space<vmem>>
    %dma_wait3A_333 = tpu.memref_squeeze %dma_wait3A_332 : memref<1x128xi32, #tpu.memory_space<vmem>> -> memref<128xi32, #tpu.memory_space<vmem>>
    %dma_wait3A_334 = arith.constant 0 : i32
    %dma_wait3A_335 = arith.constant 0 : i32
    %dma_wait3A_336 = tpu.memref_slice %arg5[%dma_wait3A_334, %dma_wait3A_335] : memref<409600x128xf32, #tpu.memory_space<hbm>> -> memref<409600x128xf32, #tpu.memory_space<hbm>>
    tpu.wait_indirect_dma semaphore(%arg23 : memref<!tpu.dma_semaphore, #tpu.memory_space<semaphore_mem>>) src(%arg14 : memref<128x128xf32, #tpu.memory_space<vmem>>) dst(%dma_wait3A_336 : memref<409600x128xf32, #tpu.memory_space<hbm>>)
    %dma_start3A_337 = arith.constant 7 : i32
    %dma_start3A_338 = arith.constant 0 : i32
    %dma_start3A_339 = tpu.memref_slice %arg6[%dma_start3A_337, %dma_start3A_338] : memref<14x128xi32, #tpu.memory_space<vmem>> -> memref<1x128xi32, #tpu.memory_space<vmem>>
    %dma_start3A_340 = tpu.memref_squeeze %dma_start3A_339 : memref<1x128xi32, #tpu.memory_space<vmem>> -> memref<128xi32, #tpu.memory_space<vmem>>
    %dma_start3A_341 = arith.constant 0 : i32
    %dma_start3A_342 = arith.constant 0 : i32
    %dma_start3A_343 = tpu.memref_slice %arg3[%dma_start3A_341, %dma_start3A_342] : memref<100000x128xf32, #tpu.memory_space<hbm>> -> memref<100000x128xf32, #tpu.memory_space<hbm>>
    tpu.enqueue_indirect_dma source(%dma_start3A_343 : memref<100000x128xf32, #tpu.memory_space<hbm>>) target(%arg14 : memref<128x128xf32, #tpu.memory_space<vmem>>) offsets(%dma_start3A_340 : memref<128xi32, #tpu.memory_space<vmem>>) semaphore(%arg19 : memref<!tpu.dma_semaphore, #tpu.memory_space<semaphore_mem>>)
    %dma_wait3A_344 = arith.constant 5 : i32
    %dma_wait3A_345 = arith.constant 0 : i32
    %dma_wait3A_346 = tpu.memref_slice %arg6[%dma_wait3A_344, %dma_wait3A_345] : memref<14x128xi32, #tpu.memory_space<vmem>> -> memref<1x128xi32, #tpu.memory_space<vmem>>
    %dma_wait3A_347 = tpu.memref_squeeze %dma_wait3A_346 : memref<1x128xi32, #tpu.memory_space<vmem>> -> memref<128xi32, #tpu.memory_space<vmem>>
    %dma_wait3A_348 = arith.constant 0 : i32
    %dma_wait3A_349 = arith.constant 0 : i32
    %dma_wait3A_350 = tpu.memref_slice %arg3[%dma_wait3A_348, %dma_wait3A_349] : memref<100000x128xf32, #tpu.memory_space<hbm>> -> memref<100000x128xf32, #tpu.memory_space<hbm>>
    tpu.wait_indirect_dma semaphore(%arg17 : memref<!tpu.dma_semaphore, #tpu.memory_space<semaphore_mem>>) src(%dma_wait3A_350 : memref<100000x128xf32, #tpu.memory_space<hbm>>) dst(%arg12 : memref<128x128xf32, #tpu.memory_space<vmem>>)
    %dma_start3A_351 = arith.constant 5 : i32
    %dma_start3A_352 = arith.constant 0 : i32
    %dma_start3A_353 = tpu.memref_slice %arg7[%dma_start3A_351, %dma_start3A_352] : memref<14x128xi32, #tpu.memory_space<vmem>> -> memref<1x128xi32, #tpu.memory_space<vmem>>
    %dma_start3A_354 = tpu.memref_squeeze %dma_start3A_353 : memref<1x128xi32, #tpu.memory_space<vmem>> -> memref<128xi32, #tpu.memory_space<vmem>>
    %dma_start3A_355 = arith.constant 0 : i32
    %dma_start3A_356 = arith.constant 0 : i32
    %dma_start3A_357 = tpu.memref_slice %arg5[%dma_start3A_355, %dma_start3A_356] : memref<409600x128xf32, #tpu.memory_space<hbm>> -> memref<409600x128xf32, #tpu.memory_space<hbm>>
    tpu.enqueue_indirect_dma source(%arg12 : memref<128x128xf32, #tpu.memory_space<vmem>>) target(%dma_start3A_357 : memref<409600x128xf32, #tpu.memory_space<hbm>>) offsets(%dma_start3A_354 : memref<128xi32, #tpu.memory_space<vmem>>) semaphore(%arg21 : memref<!tpu.dma_semaphore, #tpu.memory_space<semaphore_mem>>)
    %dma_wait3A_358 = arith.constant 4 : i32
    %dma_wait3A_359 = arith.constant 0 : i32
    %dma_wait3A_360 = tpu.memref_slice %arg7[%dma_wait3A_358, %dma_wait3A_359] : memref<14x128xi32, #tpu.memory_space<vmem>> -> memref<1x128xi32, #tpu.memory_space<vmem>>
    %dma_wait3A_361 = tpu.memref_squeeze %dma_wait3A_360 : memref<1x128xi32, #tpu.memory_space<vmem>> -> memref<128xi32, #tpu.memory_space<vmem>>
    %dma_wait3A_362 = arith.constant 0 : i32
    %dma_wait3A_363 = arith.constant 0 : i32
    %dma_wait3A_364 = tpu.memref_slice %arg5[%dma_wait3A_362, %dma_wait3A_363] : memref<409600x128xf32, #tpu.memory_space<hbm>> -> memref<409600x128xf32, #tpu.memory_space<hbm>>
    tpu.wait_indirect_dma semaphore(%arg20 : memref<!tpu.dma_semaphore, #tpu.memory_space<semaphore_mem>>) src(%arg11 : memref<128x128xf32, #tpu.memory_space<vmem>>) dst(%dma_wait3A_364 : memref<409600x128xf32, #tpu.memory_space<hbm>>)
    %dma_start3A_365 = arith.constant 8 : i32
    %dma_start3A_366 = arith.constant 0 : i32
    %dma_start3A_367 = tpu.memref_slice %arg6[%dma_start3A_365, %dma_start3A_366] : memref<14x128xi32, #tpu.memory_space<vmem>> -> memref<1x128xi32, #tpu.memory_space<vmem>>
    %dma_start3A_368 = tpu.memref_squeeze %dma_start3A_367 : memref<1x128xi32, #tpu.memory_space<vmem>> -> memref<128xi32, #tpu.memory_space<vmem>>
    %dma_start3A_369 = arith.constant 0 : i32
    %dma_start3A_370 = arith.constant 0 : i32
    %dma_start3A_371 = tpu.memref_slice %arg3[%dma_start3A_369, %dma_start3A_370] : memref<100000x128xf32, #tpu.memory_space<hbm>> -> memref<100000x128xf32, #tpu.memory_space<hbm>>
    tpu.enqueue_indirect_dma source(%dma_start3A_371 : memref<100000x128xf32, #tpu.memory_space<hbm>>) target(%arg11 : memref<128x128xf32, #tpu.memory_space<vmem>>) offsets(%dma_start3A_368 : memref<128xi32, #tpu.memory_space<vmem>>) semaphore(%arg16 : memref<!tpu.dma_semaphore, #tpu.memory_space<semaphore_mem>>)
    %dma_wait3A_372 = arith.constant 6 : i32
    %dma_wait3A_373 = arith.constant 0 : i32
    %dma_wait3A_374 = tpu.memref_slice %arg6[%dma_wait3A_372, %dma_wait3A_373] : memref<14x128xi32, #tpu.memory_space<vmem>> -> memref<1x128xi32, #tpu.memory_space<vmem>>
    %dma_wait3A_375 = tpu.memref_squeeze %dma_wait3A_374 : memref<1x128xi32, #tpu.memory_space<vmem>> -> memref<128xi32, #tpu.memory_space<vmem>>
    %dma_wait3A_376 = arith.constant 0 : i32
    %dma_wait3A_377 = arith.constant 0 : i32
    %dma_wait3A_378 = tpu.memref_slice %arg3[%dma_wait3A_376, %dma_wait3A_377] : memref<100000x128xf32, #tpu.memory_space<hbm>> -> memref<100000x128xf32, #tpu.memory_space<hbm>>
    tpu.wait_indirect_dma semaphore(%arg18 : memref<!tpu.dma_semaphore, #tpu.memory_space<semaphore_mem>>) src(%dma_wait3A_378 : memref<100000x128xf32, #tpu.memory_space<hbm>>) dst(%arg13 : memref<128x128xf32, #tpu.memory_space<vmem>>)
    %dma_start3A_379 = arith.constant 6 : i32
    %dma_start3A_380 = arith.constant 0 : i32
    %dma_start3A_381 = tpu.memref_slice %arg7[%dma_start3A_379, %dma_start3A_380] : memref<14x128xi32, #tpu.memory_space<vmem>> -> memref<1x128xi32, #tpu.memory_space<vmem>>
    %dma_start3A_382 = tpu.memref_squeeze %dma_start3A_381 : memref<1x128xi32, #tpu.memory_space<vmem>> -> memref<128xi32, #tpu.memory_space<vmem>>
    %dma_start3A_383 = arith.constant 0 : i32
    %dma_start3A_384 = arith.constant 0 : i32
    %dma_start3A_385 = tpu.memref_slice %arg5[%dma_start3A_383, %dma_start3A_384] : memref<409600x128xf32, #tpu.memory_space<hbm>> -> memref<409600x128xf32, #tpu.memory_space<hbm>>
    tpu.enqueue_indirect_dma source(%arg13 : memref<128x128xf32, #tpu.memory_space<vmem>>) target(%dma_start3A_385 : memref<409600x128xf32, #tpu.memory_space<hbm>>) offsets(%dma_start3A_382 : memref<128xi32, #tpu.memory_space<vmem>>) semaphore(%arg22 : memref<!tpu.dma_semaphore, #tpu.memory_space<semaphore_mem>>)
    %dma_wait3A_386 = arith.constant 5 : i32
    %dma_wait3A_387 = arith.constant 0 : i32
    %dma_wait3A_388 = tpu.memref_slice %arg7[%dma_wait3A_386, %dma_wait3A_387] : memref<14x128xi32, #tpu.memory_space<vmem>> -> memref<1x128xi32, #tpu.memory_space<vmem>>
    %dma_wait3A_389 = tpu.memref_squeeze %dma_wait3A_388 : memref<1x128xi32, #tpu.memory_space<vmem>> -> memref<128xi32, #tpu.memory_space<vmem>>
    %dma_wait3A_390 = arith.constant 0 : i32
    %dma_wait3A_391 = arith.constant 0 : i32
    %dma_wait3A_392 = tpu.memref_slice %arg5[%dma_wait3A_390, %dma_wait3A_391] : memref<409600x128xf32, #tpu.memory_space<hbm>> -> memref<409600x128xf32, #tpu.memory_space<hbm>>
    tpu.wait_indirect_dma semaphore(%arg21 : memref<!tpu.dma_semaphore, #tpu.memory_space<semaphore_mem>>) src(%arg12 : memref<128x128xf32, #tpu.memory_space<vmem>>) dst(%dma_wait3A_392 : memref<409600x128xf32, #tpu.memory_space<hbm>>)
    %dma_start3A_393 = arith.constant 9 : i32
    %dma_start3A_394 = arith.constant 0 : i32
    %dma_start3A_395 = tpu.memref_slice %arg6[%dma_start3A_393, %dma_start3A_394] : memref<14x128xi32, #tpu.memory_space<vmem>> -> memref<1x128xi32, #tpu.memory_space<vmem>>
    %dma_start3A_396 = tpu.memref_squeeze %dma_start3A_395 : memref<1x128xi32, #tpu.memory_space<vmem>> -> memref<128xi32, #tpu.memory_space<vmem>>
    %dma_start3A_397 = arith.constant 0 : i32
    %dma_start3A_398 = arith.constant 0 : i32
    %dma_start3A_399 = tpu.memref_slice %arg3[%dma_start3A_397, %dma_start3A_398] : memref<100000x128xf32, #tpu.memory_space<hbm>> -> memref<100000x128xf32, #tpu.memory_space<hbm>>
    tpu.enqueue_indirect_dma source(%dma_start3A_399 : memref<100000x128xf32, #tpu.memory_space<hbm>>) target(%arg12 : memref<128x128xf32, #tpu.memory_space<vmem>>) offsets(%dma_start3A_396 : memref<128xi32, #tpu.memory_space<vmem>>) semaphore(%arg17 : memref<!tpu.dma_semaphore, #tpu.memory_space<semaphore_mem>>)
    %dma_wait3A_400 = arith.constant 7 : i32
    %dma_wait3A_401 = arith.constant 0 : i32
    %dma_wait3A_402 = tpu.memref_slice %arg6[%dma_wait3A_400, %dma_wait3A_401] : memref<14x128xi32, #tpu.memory_space<vmem>> -> memref<1x128xi32, #tpu.memory_space<vmem>>
    %dma_wait3A_403 = tpu.memref_squeeze %dma_wait3A_402 : memref<1x128xi32, #tpu.memory_space<vmem>> -> memref<128xi32, #tpu.memory_space<vmem>>
    %dma_wait3A_404 = arith.constant 0 : i32
    %dma_wait3A_405 = arith.constant 0 : i32
    %dma_wait3A_406 = tpu.memref_slice %arg3[%dma_wait3A_404, %dma_wait3A_405] : memref<100000x128xf32, #tpu.memory_space<hbm>> -> memref<100000x128xf32, #tpu.memory_space<hbm>>
    tpu.wait_indirect_dma semaphore(%arg19 : memref<!tpu.dma_semaphore, #tpu.memory_space<semaphore_mem>>) src(%dma_wait3A_406 : memref<100000x128xf32, #tpu.memory_space<hbm>>) dst(%arg14 : memref<128x128xf32, #tpu.memory_space<vmem>>)
    %dma_start3A_407 = arith.constant 7 : i32
    %dma_start3A_408 = arith.constant 0 : i32
    %dma_start3A_409 = tpu.memref_slice %arg7[%dma_start3A_407, %dma_start3A_408] : memref<14x128xi32, #tpu.memory_space<vmem>> -> memref<1x128xi32, #tpu.memory_space<vmem>>
    %dma_start3A_410 = tpu.memref_squeeze %dma_start3A_409 : memref<1x128xi32, #tpu.memory_space<vmem>> -> memref<128xi32, #tpu.memory_space<vmem>>
    %dma_start3A_411 = arith.constant 0 : i32
    %dma_start3A_412 = arith.constant 0 : i32
    %dma_start3A_413 = tpu.memref_slice %arg5[%dma_start3A_411, %dma_start3A_412] : memref<409600x128xf32, #tpu.memory_space<hbm>> -> memref<409600x128xf32, #tpu.memory_space<hbm>>
    tpu.enqueue_indirect_dma source(%arg14 : memref<128x128xf32, #tpu.memory_space<vmem>>) target(%dma_start3A_413 : memref<409600x128xf32, #tpu.memory_space<hbm>>) offsets(%dma_start3A_410 : memref<128xi32, #tpu.memory_space<vmem>>) semaphore(%arg23 : memref<!tpu.dma_semaphore, #tpu.memory_space<semaphore_mem>>)
    %dma_wait3A_414 = arith.constant 6 : i32
    %dma_wait3A_415 = arith.constant 0 : i32
    %dma_wait3A_416 = tpu.memref_slice %arg7[%dma_wait3A_414, %dma_wait3A_415] : memref<14x128xi32, #tpu.memory_space<vmem>> -> memref<1x128xi32, #tpu.memory_space<vmem>>
    %dma_wait3A_417 = tpu.memref_squeeze %dma_wait3A_416 : memref<1x128xi32, #tpu.memory_space<vmem>> -> memref<128xi32, #tpu.memory_space<vmem>>
    %dma_wait3A_418 = arith.constant 0 : i32
    %dma_wait3A_419 = arith.constant 0 : i32
    %dma_wait3A_420 = tpu.memref_slice %arg5[%dma_wait3A_418, %dma_wait3A_419] : memref<409600x128xf32, #tpu.memory_space<hbm>> -> memref<409600x128xf32, #tpu.memory_space<hbm>>
    tpu.wait_indirect_dma semaphore(%arg22 : memref<!tpu.dma_semaphore, #tpu.memory_space<semaphore_mem>>) src(%arg13 : memref<128x128xf32, #tpu.memory_space<vmem>>) dst(%dma_wait3A_420 : memref<409600x128xf32, #tpu.memory_space<hbm>>)
    %dma_start3A_421 = arith.constant 10 : i32
    %dma_start3A_422 = arith.constant 0 : i32
    %dma_start3A_423 = tpu.memref_slice %arg6[%dma_start3A_421, %dma_start3A_422] : memref<14x128xi32, #tpu.memory_space<vmem>> -> memref<1x128xi32, #tpu.memory_space<vmem>>
    %dma_start3A_424 = tpu.memref_squeeze %dma_start3A_423 : memref<1x128xi32, #tpu.memory_space<vmem>> -> memref<128xi32, #tpu.memory_space<vmem>>
    %dma_start3A_425 = arith.constant 0 : i32
    %dma_start3A_426 = arith.constant 0 : i32
    %dma_start3A_427 = tpu.memref_slice %arg3[%dma_start3A_425, %dma_start3A_426] : memref<100000x128xf32, #tpu.memory_space<hbm>> -> memref<100000x128xf32, #tpu.memory_space<hbm>>
    tpu.enqueue_indirect_dma source(%dma_start3A_427 : memref<100000x128xf32, #tpu.memory_space<hbm>>) target(%arg13 : memref<128x128xf32, #tpu.memory_space<vmem>>) offsets(%dma_start3A_424 : memref<128xi32, #tpu.memory_space<vmem>>) semaphore(%arg18 : memref<!tpu.dma_semaphore, #tpu.memory_space<semaphore_mem>>)
    %dma_wait3A_428 = arith.constant 8 : i32
    %dma_wait3A_429 = arith.constant 0 : i32
    %dma_wait3A_430 = tpu.memref_slice %arg6[%dma_wait3A_428, %dma_wait3A_429] : memref<14x128xi32, #tpu.memory_space<vmem>> -> memref<1x128xi32, #tpu.memory_space<vmem>>
    %dma_wait3A_431 = tpu.memref_squeeze %dma_wait3A_430 : memref<1x128xi32, #tpu.memory_space<vmem>> -> memref<128xi32, #tpu.memory_space<vmem>>
    %dma_wait3A_432 = arith.constant 0 : i32
    %dma_wait3A_433 = arith.constant 0 : i32
    %dma_wait3A_434 = tpu.memref_slice %arg3[%dma_wait3A_432, %dma_wait3A_433] : memref<100000x128xf32, #tpu.memory_space<hbm>> -> memref<100000x128xf32, #tpu.memory_space<hbm>>
    tpu.wait_indirect_dma semaphore(%arg16 : memref<!tpu.dma_semaphore, #tpu.memory_space<semaphore_mem>>) src(%dma_wait3A_434 : memref<100000x128xf32, #tpu.memory_space<hbm>>) dst(%arg11 : memref<128x128xf32, #tpu.memory_space<vmem>>)
    %dma_start3A_435 = arith.constant 8 : i32
    %dma_start3A_436 = arith.constant 0 : i32
    %dma_start3A_437 = tpu.memref_slice %arg7[%dma_start3A_435, %dma_start3A_436] : memref<14x128xi32, #tpu.memory_space<vmem>> -> memref<1x128xi32, #tpu.memory_space<vmem>>
    %dma_start3A_438 = tpu.memref_squeeze %dma_start3A_437 : memref<1x128xi32, #tpu.memory_space<vmem>> -> memref<128xi32, #tpu.memory_space<vmem>>
    %dma_start3A_439 = arith.constant 0 : i32
    %dma_start3A_440 = arith.constant 0 : i32
    %dma_start3A_441 = tpu.memref_slice %arg5[%dma_start3A_439, %dma_start3A_440] : memref<409600x128xf32, #tpu.memory_space<hbm>> -> memref<409600x128xf32, #tpu.memory_space<hbm>>
    tpu.enqueue_indirect_dma source(%arg11 : memref<128x128xf32, #tpu.memory_space<vmem>>) target(%dma_start3A_441 : memref<409600x128xf32, #tpu.memory_space<hbm>>) offsets(%dma_start3A_438 : memref<128xi32, #tpu.memory_space<vmem>>) semaphore(%arg20 : memref<!tpu.dma_semaphore, #tpu.memory_space<semaphore_mem>>)
    %dma_wait3A_442 = arith.constant 7 : i32
    %dma_wait3A_443 = arith.constant 0 : i32
    %dma_wait3A_444 = tpu.memref_slice %arg7[%dma_wait3A_442, %dma_wait3A_443] : memref<14x128xi32, #tpu.memory_space<vmem>> -> memref<1x128xi32, #tpu.memory_space<vmem>>
    %dma_wait3A_445 = tpu.memref_squeeze %dma_wait3A_444 : memref<1x128xi32, #tpu.memory_space<vmem>> -> memref<128xi32, #tpu.memory_space<vmem>>
    %dma_wait3A_446 = arith.constant 0 : i32
    %dma_wait3A_447 = arith.constant 0 : i32
    %dma_wait3A_448 = tpu.memref_slice %arg5[%dma_wait3A_446, %dma_wait3A_447] : memref<409600x128xf32, #tpu.memory_space<hbm>> -> memref<409600x128xf32, #tpu.memory_space<hbm>>
    tpu.wait_indirect_dma semaphore(%arg23 : memref<!tpu.dma_semaphore, #tpu.memory_space<semaphore_mem>>) src(%arg14 : memref<128x128xf32, #tpu.memory_space<vmem>>) dst(%dma_wait3A_448 : memref<409600x128xf32, #tpu.memory_space<hbm>>)
    %dma_start3A_449 = arith.constant 11 : i32
    %dma_start3A_450 = arith.constant 0 : i32
    %dma_start3A_451 = tpu.memref_slice %arg6[%dma_start3A_449, %dma_start3A_450] : memref<14x128xi32, #tpu.memory_space<vmem>> -> memref<1x128xi32, #tpu.memory_space<vmem>>
    %dma_start3A_452 = tpu.memref_squeeze %dma_start3A_451 : memref<1x128xi32, #tpu.memory_space<vmem>> -> memref<128xi32, #tpu.memory_space<vmem>>
    %dma_start3A_453 = arith.constant 0 : i32
    %dma_start3A_454 = arith.constant 0 : i32
    %dma_start3A_455 = tpu.memref_slice %arg3[%dma_start3A_453, %dma_start3A_454] : memref<100000x128xf32, #tpu.memory_space<hbm>> -> memref<100000x128xf32, #tpu.memory_space<hbm>>
    tpu.enqueue_indirect_dma source(%dma_start3A_455 : memref<100000x128xf32, #tpu.memory_space<hbm>>) target(%arg14 : memref<128x128xf32, #tpu.memory_space<vmem>>) offsets(%dma_start3A_452 : memref<128xi32, #tpu.memory_space<vmem>>) semaphore(%arg19 : memref<!tpu.dma_semaphore, #tpu.memory_space<semaphore_mem>>)
    %dma_wait3A_456 = arith.constant 9 : i32
    %dma_wait3A_457 = arith.constant 0 : i32
    %dma_wait3A_458 = tpu.memref_slice %arg6[%dma_wait3A_456, %dma_wait3A_457] : memref<14x128xi32, #tpu.memory_space<vmem>> -> memref<1x128xi32, #tpu.memory_space<vmem>>
    %dma_wait3A_459 = tpu.memref_squeeze %dma_wait3A_458 : memref<1x128xi32, #tpu.memory_space<vmem>> -> memref<128xi32, #tpu.memory_space<vmem>>
    %dma_wait3A_460 = arith.constant 0 : i32
    %dma_wait3A_461 = arith.constant 0 : i32
    %dma_wait3A_462 = tpu.memref_slice %arg3[%dma_wait3A_460, %dma_wait3A_461] : memref<100000x128xf32, #tpu.memory_space<hbm>> -> memref<100000x128xf32, #tpu.memory_space<hbm>>
    tpu.wait_indirect_dma semaphore(%arg17 : memref<!tpu.dma_semaphore, #tpu.memory_space<semaphore_mem>>) src(%dma_wait3A_462 : memref<100000x128xf32, #tpu.memory_space<hbm>>) dst(%arg12 : memref<128x128xf32, #tpu.memory_space<vmem>>)
    %dma_start3A_463 = arith.constant 9 : i32
    %dma_start3A_464 = arith.constant 0 : i32
    %dma_start3A_465 = tpu.memref_slice %arg7[%dma_start3A_463, %dma_start3A_464] : memref<14x128xi32, #tpu.memory_space<vmem>> -> memref<1x128xi32, #tpu.memory_space<vmem>>
    %dma_start3A_466 = tpu.memref_squeeze %dma_start3A_465 : memref<1x128xi32, #tpu.memory_space<vmem>> -> memref<128xi32, #tpu.memory_space<vmem>>
    %dma_start3A_467 = arith.constant 0 : i32
    %dma_start3A_468 = arith.constant 0 : i32
    %dma_start3A_469 = tpu.memref_slice %arg5[%dma_start3A_467, %dma_start3A_468] : memref<409600x128xf32, #tpu.memory_space<hbm>> -> memref<409600x128xf32, #tpu.memory_space<hbm>>
    tpu.enqueue_indirect_dma source(%arg12 : memref<128x128xf32, #tpu.memory_space<vmem>>) target(%dma_start3A_469 : memref<409600x128xf32, #tpu.memory_space<hbm>>) offsets(%dma_start3A_466 : memref<128xi32, #tpu.memory_space<vmem>>) semaphore(%arg21 : memref<!tpu.dma_semaphore, #tpu.memory_space<semaphore_mem>>)
    %dma_wait3A_470 = arith.constant 8 : i32
    %dma_wait3A_471 = arith.constant 0 : i32
    %dma_wait3A_472 = tpu.memref_slice %arg7[%dma_wait3A_470, %dma_wait3A_471] : memref<14x128xi32, #tpu.memory_space<vmem>> -> memref<1x128xi32, #tpu.memory_space<vmem>>
    %dma_wait3A_473 = tpu.memref_squeeze %dma_wait3A_472 : memref<1x128xi32, #tpu.memory_space<vmem>> -> memref<128xi32, #tpu.memory_space<vmem>>
    %dma_wait3A_474 = arith.constant 0 : i32
    %dma_wait3A_475 = arith.constant 0 : i32
    %dma_wait3A_476 = tpu.memref_slice %arg5[%dma_wait3A_474, %dma_wait3A_475] : memref<409600x128xf32, #tpu.memory_space<hbm>> -> memref<409600x128xf32, #tpu.memory_space<hbm>>
    tpu.wait_indirect_dma semaphore(%arg20 : memref<!tpu.dma_semaphore, #tpu.memory_space<semaphore_mem>>) src(%arg11 : memref<128x128xf32, #tpu.memory_space<vmem>>) dst(%dma_wait3A_476 : memref<409600x128xf32, #tpu.memory_space<hbm>>)
    %dma_wait3A_477 = arith.constant 10 : i32
    %dma_wait3A_478 = arith.constant 0 : i32
    %dma_wait3A_479 = tpu.memref_slice %arg6[%dma_wait3A_477, %dma_wait3A_478] : memref<14x128xi32, #tpu.memory_space<vmem>> -> memref<1x128xi32, #tpu.memory_space<vmem>>
    %dma_wait3A_480 = tpu.memref_squeeze %dma_wait3A_479 : memref<1x128xi32, #tpu.memory_space<vmem>> -> memref<128xi32, #tpu.memory_space<vmem>>
    %dma_wait3A_481 = arith.constant 0 : i32
    %dma_wait3A_482 = arith.constant 0 : i32
    %dma_wait3A_483 = tpu.memref_slice %arg3[%dma_wait3A_481, %dma_wait3A_482] : memref<100000x128xf32, #tpu.memory_space<hbm>> -> memref<100000x128xf32, #tpu.memory_space<hbm>>
    tpu.wait_indirect_dma semaphore(%arg18 : memref<!tpu.dma_semaphore, #tpu.memory_space<semaphore_mem>>) src(%dma_wait3A_483 : memref<100000x128xf32, #tpu.memory_space<hbm>>) dst(%arg13 : memref<128x128xf32, #tpu.memory_space<vmem>>)
    %dma_start3A_484 = arith.constant 10 : i32
    %dma_start3A_485 = arith.constant 0 : i32
    %dma_start3A_486 = tpu.memref_slice %arg7[%dma_start3A_484, %dma_start3A_485] : memref<14x128xi32, #tpu.memory_space<vmem>> -> memref<1x128xi32, #tpu.memory_space<vmem>>
    %dma_start3A_487 = tpu.memref_squeeze %dma_start3A_486 : memref<1x128xi32, #tpu.memory_space<vmem>> -> memref<128xi32, #tpu.memory_space<vmem>>
    %dma_start3A_488 = arith.constant 0 : i32
    %dma_start3A_489 = arith.constant 0 : i32
    %dma_start3A_490 = tpu.memref_slice %arg5[%dma_start3A_488, %dma_start3A_489] : memref<409600x128xf32, #tpu.memory_space<hbm>> -> memref<409600x128xf32, #tpu.memory_space<hbm>>
    tpu.enqueue_indirect_dma source(%arg13 : memref<128x128xf32, #tpu.memory_space<vmem>>) target(%dma_start3A_490 : memref<409600x128xf32, #tpu.memory_space<hbm>>) offsets(%dma_start3A_487 : memref<128xi32, #tpu.memory_space<vmem>>) semaphore(%arg22 : memref<!tpu.dma_semaphore, #tpu.memory_space<semaphore_mem>>)
    %dma_wait3A_491 = arith.constant 9 : i32
    %dma_wait3A_492 = arith.constant 0 : i32
    %dma_wait3A_493 = tpu.memref_slice %arg7[%dma_wait3A_491, %dma_wait3A_492] : memref<14x128xi32, #tpu.memory_space<vmem>> -> memref<1x128xi32, #tpu.memory_space<vmem>>
    %dma_wait3A_494 = tpu.memref_squeeze %dma_wait3A_493 : memref<1x128xi32, #tpu.memory_space<vmem>> -> memref<128xi32, #tpu.memory_space<vmem>>
    %dma_wait3A_495 = arith.constant 0 : i32
    %dma_wait3A_496 = arith.constant 0 : i32
    %dma_wait3A_497 = tpu.memref_slice %arg5[%dma_wait3A_495, %dma_wait3A_496] : memref<409600x128xf32, #tpu.memory_space<hbm>> -> memref<409600x128xf32, #tpu.memory_space<hbm>>
    tpu.wait_indirect_dma semaphore(%arg21 : memref<!tpu.dma_semaphore, #tpu.memory_space<semaphore_mem>>) src(%arg12 : memref<128x128xf32, #tpu.memory_space<vmem>>) dst(%dma_wait3A_497 : memref<409600x128xf32, #tpu.memory_space<hbm>>)
    %dma_wait3A_498 = arith.constant 11 : i32
    %dma_wait3A_499 = arith.constant 0 : i32
    %dma_wait3A_500 = tpu.memref_slice %arg6[%dma_wait3A_498, %dma_wait3A_499] : memref<14x128xi32, #tpu.memory_space<vmem>> -> memref<1x128xi32, #tpu.memory_space<vmem>>
    %dma_wait3A_501 = tpu.memref_squeeze %dma_wait3A_500 : memref<1x128xi32, #tpu.memory_space<vmem>> -> memref<128xi32, #tpu.memory_space<vmem>>
    %dma_wait3A_502 = arith.constant 0 : i32
    %dma_wait3A_503 = arith.constant 0 : i32
    %dma_wait3A_504 = tpu.memref_slice %arg3[%dma_wait3A_502, %dma_wait3A_503] : memref<100000x128xf32, #tpu.memory_space<hbm>> -> memref<100000x128xf32, #tpu.memory_space<hbm>>
    tpu.wait_indirect_dma semaphore(%arg19 : memref<!tpu.dma_semaphore, #tpu.memory_space<semaphore_mem>>) src(%dma_wait3A_504 : memref<100000x128xf32, #tpu.memory_space<hbm>>) dst(%arg14 : memref<128x128xf32, #tpu.memory_space<vmem>>)
    %dma_start3A_505 = arith.constant 11 : i32
    %dma_start3A_506 = arith.constant 0 : i32
    %dma_start3A_507 = tpu.memref_slice %arg7[%dma_start3A_505, %dma_start3A_506] : memref<14x128xi32, #tpu.memory_space<vmem>> -> memref<1x128xi32, #tpu.memory_space<vmem>>
    %dma_start3A_508 = tpu.memref_squeeze %dma_start3A_507 : memref<1x128xi32, #tpu.memory_space<vmem>> -> memref<128xi32, #tpu.memory_space<vmem>>
    %dma_start3A_509 = arith.constant 0 : i32
    %dma_start3A_510 = arith.constant 0 : i32
    %dma_start3A_511 = tpu.memref_slice %arg5[%dma_start3A_509, %dma_start3A_510] : memref<409600x128xf32, #tpu.memory_space<hbm>> -> memref<409600x128xf32, #tpu.memory_space<hbm>>
    tpu.enqueue_indirect_dma source(%arg14 : memref<128x128xf32, #tpu.memory_space<vmem>>) target(%dma_start3A_511 : memref<409600x128xf32, #tpu.memory_space<hbm>>) offsets(%dma_start3A_508 : memref<128xi32, #tpu.memory_space<vmem>>) semaphore(%arg23 : memref<!tpu.dma_semaphore, #tpu.memory_space<semaphore_mem>>)
    %dma_wait3A_512 = arith.constant 10 : i32
    %dma_wait3A_513 = arith.constant 0 : i32
    %dma_wait3A_514 = tpu.memref_slice %arg7[%dma_wait3A_512, %dma_wait3A_513] : memref<14x128xi32, #tpu.memory_space<vmem>> -> memref<1x128xi32, #tpu.memory_space<vmem>>
    %dma_wait3A_515 = tpu.memref_squeeze %dma_wait3A_514 : memref<1x128xi32, #tpu.memory_space<vmem>> -> memref<128xi32, #tpu.memory_space<vmem>>
    %dma_wait3A_516 = arith.constant 0 : i32
    %dma_wait3A_517 = arith.constant 0 : i32
    %dma_wait3A_518 = tpu.memref_slice %arg5[%dma_wait3A_516, %dma_wait3A_517] : memref<409600x128xf32, #tpu.memory_space<hbm>> -> memref<409600x128xf32, #tpu.memory_space<hbm>>
    tpu.wait_indirect_dma semaphore(%arg22 : memref<!tpu.dma_semaphore, #tpu.memory_space<semaphore_mem>>) src(%arg13 : memref<128x128xf32, #tpu.memory_space<vmem>>) dst(%dma_wait3A_518 : memref<409600x128xf32, #tpu.memory_space<hbm>>)
    %dma_wait3A_519 = arith.constant 11 : i32
    %dma_wait3A_520 = arith.constant 0 : i32
    %dma_wait3A_521 = tpu.memref_slice %arg7[%dma_wait3A_519, %dma_wait3A_520] : memref<14x128xi32, #tpu.memory_space<vmem>> -> memref<1x128xi32, #tpu.memory_space<vmem>>
    %dma_wait3A_522 = tpu.memref_squeeze %dma_wait3A_521 : memref<1x128xi32, #tpu.memory_space<vmem>> -> memref<128xi32, #tpu.memory_space<vmem>>
    %dma_wait3A_523 = arith.constant 0 : i32
    %dma_wait3A_524 = arith.constant 0 : i32
    %dma_wait3A_525 = tpu.memref_slice %arg5[%dma_wait3A_523, %dma_wait3A_524] : memref<409600x128xf32, #tpu.memory_space<hbm>> -> memref<409600x128xf32, #tpu.memory_space<hbm>>
    tpu.wait_indirect_dma semaphore(%arg23 : memref<!tpu.dma_semaphore, #tpu.memory_space<semaphore_mem>>) src(%arg14 : memref<128x128xf32, #tpu.memory_space<vmem>>) dst(%dma_wait3A_525 : memref<409600x128xf32, #tpu.memory_space<hbm>>)
    %dma_start3A_526 = arith.constant 0 : i32
    %dma_start3A_527 = arith.constant 0 : i32
    %dma_start3A_528 = arith.constant 0 : i32
    %dma_start3A_529 = tpu.memref_slice %arg11[%dma_start3A_527, %dma_start3A_528] : memref<128x128xf32, #tpu.memory_space<vmem>> -> memref<64x128xf32, #tpu.memory_space<vmem>>
    %dma_start3A_530 = arith.constant 0 : i32
    %dma_start3A_531 = tpu.memref_slice %arg8[%dma_start3A_526, %dma_start3A_530] : memref<1x64xi32, #tpu.memory_space<vmem>> -> memref<1x64xi32, #tpu.memory_space<vmem>>
    %dma_start3A_532 = tpu.memref_squeeze %dma_start3A_531 : memref<1x64xi32, #tpu.memory_space<vmem>> -> memref<64xi32, #tpu.memory_space<vmem>>
    %dma_start3A_533 = arith.constant 0 : i32
    %dma_start3A_534 = arith.constant 0 : i32
    %dma_start3A_535 = tpu.memref_slice %arg3[%dma_start3A_533, %dma_start3A_534] : memref<100000x128xf32, #tpu.memory_space<hbm>> -> memref<100000x128xf32, #tpu.memory_space<hbm>>
    tpu.enqueue_indirect_dma source(%dma_start3A_535 : memref<100000x128xf32, #tpu.memory_space<hbm>>) target(%dma_start3A_529 : memref<64x128xf32, #tpu.memory_space<vmem>>) offsets(%dma_start3A_532 : memref<64xi32, #tpu.memory_space<vmem>>) semaphore(%arg16 : memref<!tpu.dma_semaphore, #tpu.memory_space<semaphore_mem>>)
    %dma_wait3A_536 = arith.constant 0 : i32
    %dma_wait3A_537 = arith.constant 0 : i32
    %dma_wait3A_538 = arith.constant 0 : i32
    %dma_wait3A_539 = tpu.memref_slice %arg11[%dma_wait3A_537, %dma_wait3A_538] : memref<128x128xf32, #tpu.memory_space<vmem>> -> memref<64x128xf32, #tpu.memory_space<vmem>>
    %dma_wait3A_540 = arith.constant 0 : i32
    %dma_wait3A_541 = tpu.memref_slice %arg8[%dma_wait3A_536, %dma_wait3A_540] : memref<1x64xi32, #tpu.memory_space<vmem>> -> memref<1x64xi32, #tpu.memory_space<vmem>>
    %dma_wait3A_542 = tpu.memref_squeeze %dma_wait3A_541 : memref<1x64xi32, #tpu.memory_space<vmem>> -> memref<64xi32, #tpu.memory_space<vmem>>
    %dma_wait3A_543 = arith.constant 0 : i32
    %dma_wait3A_544 = arith.constant 0 : i32
    %dma_wait3A_545 = tpu.memref_slice %arg3[%dma_wait3A_543, %dma_wait3A_544] : memref<100000x128xf32, #tpu.memory_space<hbm>> -> memref<100000x128xf32, #tpu.memory_space<hbm>>
    tpu.wait_indirect_dma semaphore(%arg16 : memref<!tpu.dma_semaphore, #tpu.memory_space<semaphore_mem>>) src(%dma_wait3A_545 : memref<100000x128xf32, #tpu.memory_space<hbm>>) dst(%dma_wait3A_539 : memref<64x128xf32, #tpu.memory_space<vmem>>)
    %dma_start3A_546 = arith.constant 0 : i32
    %dma_start3A_547 = arith.constant 0 : i32
    %dma_start3A_548 = arith.constant 0 : i32
    %dma_start3A_549 = tpu.memref_slice %arg11[%dma_start3A_547, %dma_start3A_548] : memref<128x128xf32, #tpu.memory_space<vmem>> -> memref<64x128xf32, #tpu.memory_space<vmem>>
    %dma_start3A_550 = arith.constant 0 : i32
    %dma_start3A_551 = tpu.memref_slice %arg9[%dma_start3A_546, %dma_start3A_550] : memref<1x64xi32, #tpu.memory_space<vmem>> -> memref<1x64xi32, #tpu.memory_space<vmem>>
    %dma_start3A_552 = tpu.memref_squeeze %dma_start3A_551 : memref<1x64xi32, #tpu.memory_space<vmem>> -> memref<64xi32, #tpu.memory_space<vmem>>
    %dma_start3A_553 = arith.constant 0 : i32
    %dma_start3A_554 = arith.constant 0 : i32
    %dma_start3A_555 = tpu.memref_slice %arg5[%dma_start3A_553, %dma_start3A_554] : memref<409600x128xf32, #tpu.memory_space<hbm>> -> memref<409600x128xf32, #tpu.memory_space<hbm>>
    tpu.enqueue_indirect_dma source(%dma_start3A_549 : memref<64x128xf32, #tpu.memory_space<vmem>>) target(%dma_start3A_555 : memref<409600x128xf32, #tpu.memory_space<hbm>>) offsets(%dma_start3A_552 : memref<64xi32, #tpu.memory_space<vmem>>) semaphore(%arg20 : memref<!tpu.dma_semaphore, #tpu.memory_space<semaphore_mem>>)
    %dma_wait3A_556 = arith.constant 0 : i32
    %dma_wait3A_557 = arith.constant 0 : i32
    %dma_wait3A_558 = arith.constant 0 : i32
    %dma_wait3A_559 = tpu.memref_slice %arg11[%dma_wait3A_557, %dma_wait3A_558] : memref<128x128xf32, #tpu.memory_space<vmem>> -> memref<64x128xf32, #tpu.memory_space<vmem>>
    %dma_wait3A_560 = arith.constant 0 : i32
    %dma_wait3A_561 = tpu.memref_slice %arg9[%dma_wait3A_556, %dma_wait3A_560] : memref<1x64xi32, #tpu.memory_space<vmem>> -> memref<1x64xi32, #tpu.memory_space<vmem>>
    %dma_wait3A_562 = tpu.memref_squeeze %dma_wait3A_561 : memref<1x64xi32, #tpu.memory_space<vmem>> -> memref<64xi32, #tpu.memory_space<vmem>>
    %dma_wait3A_563 = arith.constant 0 : i32
    %dma_wait3A_564 = arith.constant 0 : i32
    %dma_wait3A_565 = tpu.memref_slice %arg5[%dma_wait3A_563, %dma_wait3A_564] : memref<409600x128xf32, #tpu.memory_space<hbm>> -> memref<409600x128xf32, #tpu.memory_space<hbm>>
    tpu.wait_indirect_dma semaphore(%arg20 : memref<!tpu.dma_semaphore, #tpu.memory_space<semaphore_mem>>) src(%dma_wait3A_559 : memref<64x128xf32, #tpu.memory_space<vmem>>) dst(%dma_wait3A_565 : memref<409600x128xf32, #tpu.memory_space<hbm>>)
    return
  }
}

</mosaic_0001>

<sc_bundles>
// kernel: kernel.3.cloned.1.call-start
scs
__scs_entry_jumppad:
0x0: {  	(pc) =	sbr.rel $0x88, $3  }
0x1: {  	(tag) =	ssettag $0x0;
	lr =	simm.s32 $0x1  }
0x2: {  	[smem:$0x3F9F] =	sst lr;
	_ =	strace $0xD0000000  }
0x3: {  	_ = 	snop  }
0x4: {  	_ = 	snop  }
0x5: {  	_ = 	snop  }
0x6: {  	_ = 	snop  }
0x7: {  	_ = 	snop  }
__scs_overlays_trampoline_lowered:
0x8: {  	[smem:$0x3FAE] =	sst s0  }
0x9: {  	[smem:$0x3FAF] =	sst s1  }
0xa: {  	[smem:$0x3FB0] =	sst s2  }
0xb: {  	[smem:$0x3FB1] =	sst s3  }
0xc: {  	[smem:$0x3FB2] =	sst s4  }
0xd: {  	[smem:$0x3FB3] =	sst s5  }
0xe: {  	[smem:$0x3FB4] =	sst s6  }
0xf: {  	[smem:$0x3FB5] =	sst s7  }
0x10: {  	[smem:$0x3FB6] =	sst s8  }
0x11: {  	[smem:$0x3FB7] =	sst s9;
	s0 =	simm.s32 @!p0 $0x0  }
0x12: {  	s1 =	sld [smem:$0x3F9D];
	s0 =	simm.s32 @p0 $0x1  }
0x13: {  	[smem:$0x3FB8] =	sst s0;
	s0 =	simm.s32 @!p1 $0x0  }
0x14: {  	s2 =	sld [smem:$0x3F9C];
	s0 =	simm.s32 @p1 $0x1  }
0x15: {  	[smem:$0x3FB9] =	sst s0;
	s0 =	simm.s32 @!p2 $0x0  }
0x16: {  	s3 =	sld [smem:$0x3FDB];
	s0 =	simm.s32 @p2 $0x1  }
0x17: {  	s4 =	simm.s32 $0x1BF5;
	[smem:$0x3FBB] =	sst s0  }
0x18: {  	s0 =	sld [smem:$0x3F9E];
	_ =	swait.ge [sflag:s4], $0x0  }
0x19: {  	s7 =	sld [smem:$0x3F9F]  }
0x1a: {  	s8 =	sadd.s32 $0xFFFFE003, lr  }
0x1b: {  	s9 =	sadd.s32 $0xFFFFFEF7, lr;
	s5 =	simm.s32 $0xFFFFFFFF;
	p2 =	slt.u32 s8, $0xFFFFF086  }
0x1c: {  	p1 =	slt.u32 s9, $0xF7A;
	s5 =	simm.s32 @!p2 $0x0  }
0x1d: {  	s5 =	simm.s32 @p1 $0x1;
	p0 =	seq.s32 s7, s2  }
0x1e: {  	s7 =	smul.u32 @!p0 $0xF7A, s2;
	p2 =	seq.s32 @!p0 s5, $0x0  }
0x1f: {  	s9 =	smul.u32 $0xF7A, s1;
	s8 =	simm.s32 @!p0 $0x1BF5;
	p2 =	por !p2, p0  }
0x20: {  	[sflag:s8] =	ssyncset.s32 @!p0 $0xFFFFF086;
	s6 =	sadd.s32 @!p0 s3, s7;
	s7 =	simm.s32 @!p0 $0x108  }
0x21: {  	s3 =	sadd.s32 s3, s9;
	s6 =	sadd.s32 @!p0 $0x88, s6;
	s7 =	simm.s32 @p2 $0x1082  }
0x22: {  	[simem:s7], [sflag:s8] =	dma.local @!p0 [hbm:s6], $0xF7A  }
0x23: {  	s9 =	sor.u32 $0xD0000000, s2;
	s6 =	simm.s32 $0x108;
	_ =	swait.ge @!p0 [sflag:s8], $0x0  }
0x24: {  	s3 =	sadd.s32 $0x88, s3;
	s6 =	simm.s32 @!p1 $0x1082;
	[sflag:s4] =	ssyncset.s32 $0xFFFFF086  }
0x25: {  	[simem:s6], [sflag:s4] =	dma.local [hbm:s3], $0xF7A  }
0x26: {  	[smem:$0x3F9F] =	sst s1;
	(tag) =	ssettag s2;
	_ =	strace s9  }
0x27: {  	s1 =	sld [smem:$0x3FAF]  }
0x28: {  	s2 =	sld [smem:$0x3FB0]  }
0x29: {  	s4 =	sld [smem:$0x3FB2]  }
0x2a: {  	p0 =	seq.s32 s5, $0x0;
	s5 =	sld [smem:$0x3FB3]  }
0x2b: {  	s6 =	sld [smem:$0x3FB4]  }
0x2c: {  	s7 =	sld [smem:$0x3FB5]  }
0x2d: {  	s3 =	simm.s32 $0x108;
	s8 =	sld [smem:$0x3FB6]  }
0x2e: {  	s3 =	simm.s32 @!p0 $0x1082;
	s9 =	sld [smem:$0x3FB7]  }
0x2f: {  	lr =	sadd.s32 s0, s3;
	s0 =	sld [smem:$0x3FAE]  }
0x30: {  	s3 =	sld [smem:$0x3FB1]  }
0x31: {  	[smem:$0x3FBA] =	sst s10  }
0x32: {  	s10 =	sld [smem:$0x3FB8];
	_ =	sdelay $0x3  }
0x33: {  	p0 =	seq.s32 s10, $0x1;
	s10 =	sld [smem:$0x3FBA];
	_ =	sdelay $0x3  }
0x34: {  	[smem:$0x3FBA] =	sst s10  }
0x35: {  	s10 =	sld [smem:$0x3FB9];
	_ =	sdelay $0x3  }
0x36: {  	p1 =	seq.s32 s10, $0x1;
	s10 =	sld [smem:$0x3FBA];
	_ =	sdelay $0x3  }
0x37: {  	[smem:$0x3FBA] =	sst s10  }
0x38: {  	s10 =	sld [smem:$0x3FBB]  }
0x39: {  	_ = 	snop;
	(pc) =	sbr.ind lr, $3  }
0x3a: {  	_ = 	snop  }
0x3b: {  	_ = 	snop  }
0x3c: {  	p2 =	seq.s32 s10, $0x1;
	s10 =	sld [smem:$0x3FBA]  }
0x3d: {  	_ =	shalt  }
0x3e: {  	_ =	shalt  }
0x3f: {  	_ =	shalt  }
0x40: {  	_ =	shalt  }
0x41: {  	_ =	shalt  }
0x42: {  	_ =	shalt  }
0x43: {  	_ =	shalt  }
0x44: {  	_ =	shalt  }
0x45: {  	_ =	shalt  }
0x46: {  	_ =	shalt  }
0x47: {  	_ =	shalt  }
0x48: {  	_ =	shalt  }
0x49: {  	_ =	shalt  }
0x4a: {  	_ =	shalt  }
0x4b: {  	_ =	shalt  }
0x4c: {  	_ =	shalt  }
0x4d: {  	_ =	shalt  }
0x4e: {  	_ =	shalt  }
0x4f: {  	_ =	shalt  }
0x50: {  	_ =	shalt  }
0x51: {  	_ =	shalt  }
0x52: {  	_ =	shalt  }
0x53: {  	_ =	shalt  }
0x54: {  	_ =	shalt  }
0x55: {  	_ =	shalt  }
0x56: {  	_ =	shalt  }
0x57: {  	_ =	shalt  }
0x58: {  	_ =	shalt  }
0x59: {  	_ =	shalt  }
0x5a: {  	_ =	shalt  }
0x5b: {  	_ =	shalt  }
0x5c: {  	_ =	shalt  }
0x5d: {  	_ =	shalt  }
0x5e: {  	_ =	shalt  }
0x5f: {  	_ =	shalt  }
0x60: {  	_ =	shalt  }
0x61: {  	_ =	shalt  }
0x62: {  	_ =	shalt  }
0x63: {  	_ =	shalt  }
0x64: {  	_ =	shalt  }
0x65: {  	_ =	shalt  }
0x66: {  	_ =	shalt  }
0x67: {  	_ =	shalt  }
0x68: {  	_ =	shalt  }
0x69: {  	_ =	shalt  }
0x6a: {  	_ =	shalt  }
0x6b: {  	_ =	shalt  }
0x6c: {  	_ =	shalt  }
0x6d: {  	_ =	shalt  }
0x6e: {  	_ =	shalt  }
0x6f: {  	_ =	shalt  }
0x70: {  	_ =	shalt  }
0x71: {  	_ =	shalt  }
0x72: {  	_ =	shalt  }
0x73: {  	_ =	shalt  }
0x74: {  	_ =	shalt  }
0x75: {  	_ =	shalt  }
0x76: {  	_ =	shalt  }
0x77: {  	_ =	shalt  }
0x78: {  	_ =	shalt  }
0x79: {  	_ =	shalt  }
0x7a: {  	_ =	shalt  }
0x7b: {  	_ =	shalt  }
0x7c: {  	_ =	shalt  }
0x7d: {  	_ =	shalt  }
0x7e: {  	_ =	shalt  }
0x7f: {  	_ =	shalt  }
0x80: {  	_ =	shalt  }
0x81: {  	_ =	shalt  }
0x82: {  	_ =	shalt  }
0x83: {  	_ =	shalt  }
0x84: {  	_ =	shalt  }
0x85: {  	_ =	shalt  }
0x86: {  	_ =	shalt  }
0x87: {  	_ =	shalt  }
.Lfunc_end0:
.L_simem_size_0:
called_computation_lowered:
.L_overlay_start_0:
0x88: {  	s2 =	sld [smem:$0x3FD9]  }
0x89: {  	s3 =	sld [smem:$0x3FFE];
	_ =	sdelay $0x1  }
0x8a: {  	s1 =	srdreg.scid  }
0x8b: {  	s0 =	sand.u32 $0x1, s1  }
0x8c: {  	s17 =	sshll.u32 s0, $0xA;
	s2 =	sadd.s32 s3, s2  }
0x8d: {  	s2 =	sadd.s32 s2, s17  }
0x8e: {  	[smem:$0x3FC6] =	sst s2  }
0x8f: {  	_ = 	snop  }
0x90: {  	s2 =	sld [smem:$0x3FC8]  }
0x91: {  	s18 =	sld [smem:$0x3FD0];
	(tm) =	ssettm $0x1  }
0x92: {  	s4 =	sld [smem:$0x3FFB];
	_ =	sdelay $0x3  }
0x93: {  	_ =	strace s4  }
0x94: {  	s4 =	sld [smem:$0x3FFC];
	_ =	sdelay $0x3  }
0x95: {  	_ =	strace s4  }
0x96: {  	s4 =	sld [smem:$0x3FFD];
	_ =	sdelay $0x3  }
0x97: {  	_ =	strace s4  }
0x98: {  	_ =	strace $0x8FFFFFFF  }
0x99: {  	s19 =	sld [smem:$0x3FDB];
	_ =	sdelay $0x1  }
0x9a: {  	s5 =	simm.s32 $_scs_section_size  }
0x9b: {  	s6 =	simm.s32 $_size__tile_overlayer_lowered;
	s7 =	simm.s32 $_tile_overlayer_lowered  }
0x9c: {  	s22 =	simm.s32 $0x1BFF;
	s21 =	sshll.u32 s7, $0x1;
	s4 =	sadd.s32 s5, s19  }
0x9d: {  	s8 =	simm.s32 $0x0;
	s20 =	sshll.u32 s6, $0x1;
	s6 =	sadd.s32 s21, s4  }
0x9e: {  	[timem:s8], [sflag:s22] =	dma.local [hbm:s6], s20  }
0x9f: {  	_ =	swait.ge [sflag:s22], s20  }
0xa0: {  	s5 =	ssub.s32 $0x0, s20;
	[sflag:s22] =	ssyncset.done $0x0  }
0xa1: {  	[sflag:s22] =	ssyncadd.s32 s5;
	_ =	sdelay $0x1  }
0xa2: {  	s23 =	simm.s32 $0x1B8B  }
0xa3: {  	_ =	swait.ge [sflag:s23], $0x1  }
0xa4: {  	[sflag:s23] =	ssyncset.done $0x0  }
0xa5: {  	s25 =	simm.s32 $0x1B8E;
	s24 =	sld [smem:$0x3FFE];
	[sflag:s23] =	ssyncadd.s32 $0xFFFFFFFF  }
0xa6: {  	s26 =	simm.s32 $execute0_lowered;
	[smem:$0x3FD2] =	sst s25  }
0xa7: {  	s6 =	sshll.u32 s26, $0x1;
	_ =	strace $0x80000046;
	[dreg:$0x1] =	wrdreg $0xFFFFFFFF  }
0xa8: {  	s28 =	simm.s32 $_size_execute0_lowered;
	s4 =	sadd.s32 s4, s6;
	[dreg:$0x0] =	wrdreg $0x0  }
0xa9: {  	s6 =	sshll.u32 s28, $0x1;
	[dreg:$0x2] =	wrdreg s4  }
0xaa: {  	[dreg:$0x3] =	wrdreg s6  }
0xab: {  	[dreg:$0x4] =	wrdreg $0xC0  }
0xac: {  	_ =	task [dreg:s8], $0x5FFFF  }
0xad: {  	[dreg:$0x1] =	wrdreg $0xFFFFFFFF  }
0xae: {  	[dreg:$0x0] =	wrdreg $0x60  }
0xaf: {  	[dreg:$0x2] =	wrdreg s24  }
0xb0: {  	[dreg:$0x3] =	wrdreg s2  }
0xb1: {  	[dreg:$0x4] =	wrdreg s18  }
0xb2: {  	[dreg:$0x5] =	wrdreg $0x9  }
0xb3: {  	_ =	task.clear_ibuf [dreg:s8], $0x6FFFF;
	_ =	strace $0x90000046  }
0xb4: {  	s29 =	simm.s32 $0x9;
	_ =	strace $0x80000048  }
0xb5: {  	_ =	swait.ge [sflag:s29], $0x1  }
0xb6: {  	[sflag:s29] =	ssyncadd.s32 $0xFFFFFFFF  }
0xb7: {  	_ =	strace $0x90000048  }
0xb8: {  	_ =	sfence  }
0xb9: {  	s30 =	sld [smem:$0x0];
	_ =	sdelay $0x2  }
0xba: {  	s31 =	sshll.u32 s1, $0xD;
	s1 =	sshrl.u32 s1, $0x2  }
0xbb: {  	s3 =	sand.u32 $0x4000, s31;
	s1 =	sadd.s32 s1, s30  }
0xbc: {  	s0 =	sor.u32 s3, s0;
	s1 =	sshll.u32 s1, $0x11  }
0xbd: {  	s0 =	sor.u32 s1, s0  }
0xbe: {  	s0 =	sadd.s32 $0x8F2B, s0  }
0xbf: {  	[sflag:s0] =	ssyncadd.remote.s32 $0x1  }
0xc0: {  	_ =	sfence.sel $0xFFFF  }
0xc1: {  	[dreg:$0x0] =	wrdreg $0xFFFFFFFF;
	(pc) =	sbr.abs _section_cstart, $3  }
0xc2: {  	[dreg:$0x1] =	wrdreg $0xFFFFFFFF  }
0xc3: {  	_ =	task.clear_ibuf [dreg:s8], $0x2FFFF;
	_ =	strace $0x9FFFFFFF  }
0xc4: {  	(tm) =	ssettm $0x7FFFFFFF  }
0xc5: {  	_ =	shalt  }
tec
execute0_lowered:
.L_overlay_start_1:
0x0: {  	(tag) =	ssettag $0x1  }
0x1: {  	v7 =	vlaneseq.u32;
	v9 =	vimm.s32 $0xECA86420  }
0x2: {  	vm0 =	vcmask $0xB08;
	vm1 =	vcmask $0x1310;
	vm2 =	vcmask $0x1B18  }
0x3: {  	s0 =	rddreg [dreg:$0x0];
	s1 =	srdreg.scid;
	vm3 =	vcmask $0x300;
	vm4 =	vcmask $0x2320;
	vm5 =	vcmask $0x2B28  }
0x4: {  	s4 =	stileid.u32;
	s7 =	rddreg [dreg:$0x2];
	vm6 =	vcmask $0x3330;
	vm7 =	vcmask $0x3B38;
	vm8 =	vmmov $0xff  }
0x5: {  	s9 =	simm.s32 $0x0;
	vm9 =	vcmask $0x704;
	vm10 =	vcmask $0xF0C;
	vm11 =	vcmask $0x1714;
	s1 =	sand.u32 $0x1, s1;
	s2 =	sshll.u32 s4, $0x1  }
0x6: {  	s16 =	simm.s32 $0x1;
	vm12 =	vcmask $0x1F1C;
	vm13 =	vcmask $0x2724;
	vm14 =	vcmask $0x2F2C;
	[smem:$0x7FF] =	sst s9;
	s2 =	sor.u32 s1, s2  }
0x7: {  	vm15 =	vcmask $0x3734;
	s31 =	sshll.u32 s4, $0xD;
	v0 =	vshrl.u32 v7, $0x3;
	v4 =	vand.u32 $0x7, v7;
	s3 =	sshll.u32 s2, $0x8;
	s2 =	sshll.u32 s2, $0x2  }
0x8: {  	s5 =	ssub.s32 $0x2, s1;
	_ =	strace $0x80000047;
	s1 =	sshll.u32 s1, $0xC;
	v0 =	vmul.u32 $0x40, v0;
	v2 =	vor.u32 $0x60000, v4;
	v1 =	vmov s2  }
0x9: {  	v3 =	vor.u32 $0x60080, v4;
	v6 =	vor.u32 $0x62000, v4;
	s6 =	sshrl.u32 s5, $0x1;
	s3 =	sadd.s32 s3, s0;
	s0 =	sadd.s32 $0x2400, s0;
	v1 =	vshll.u32 v1, $0x6  }
0xa: {  	v8 =	vor.u32 $0x62080, v4;
	s30 =	ssub.s32 s5, s6;
	[dreg:$0x4] =	wrdreg s0;
	s3 =	sadd.s32 $0x400, s3;
	v5 =	vor.u32 v0, v1;
	v1 =	vor.u32 $0x80, v4  }
0xb: {  	s5 =	sadd.s32 s31, s7;
	s0 =	smax.u32 s30, $0x1;
	[dreg:$0x5] =	wrdreg s3;
	v0 =	vor.u32 v4, v5;
	v4 =	vadd.s32 v6, v5;
	v6 =	vunpack.c.l.s4.s8 v9  }
0xc: {  	v7 =	vmul.u32 $0x2, v7;
	s2 =	simm.s32 $0x1100;
	s4 =	sadd.s32 s1, s5;
	[dreg:$0x6] =	wrdreg s0;
	v1 =	vor.u32 v1, v5;
	v2 =	vadd.s32 v2, v5  }
0xd: {  	s1 =	simm.s32 $0x0;
	s3 =	simm.s32 $0xA;
	[dreg:$0x9] =	wrdreg s4;
	v3 =	vadd.s32 v3, v5;
	v5 =	vadd.s32 v8, v5;
	v6 =	vunpack.c.0.s8.s32 v6  }
.LBB2_1:
0xe: {  	[dreg:$0x7] =	wrdreg s1  }
0xf: {  	s0 =	rddreg [dreg:$0x4]  }
0x10: {  	[tilespmem:s2], [sflag:$0xA] =	stream.linear.gather [hbm4b:s0+s9], $0x8000, $0x38;
	[tilespmem:$0x19100] =	vst v63  }
0x11: {  	_ =	swait.ge [sflag:s3], $0x8000  }
0x12: {  	[sflag:s3] =	ssyncset.done $0x0  }
0x13: {  	s1 =	sadd.s32 $0x0, s4;
	s0 =	simm.s32 $0x20000;
	[sflag:s3] =	ssyncadd.s32 $0xFFFF8000  }
.LBB2_2:
0x14: {  	[hbm4b:s1+s9] =	stream.linear.scatter [tilespmem:s2], [sflag:$0x1], $0x8000, $0x38;
	[tilespmem:$0x19100] =	vst v63  }
0x15: {  	s1 =	smov.u32 s0;
	p0 =	sne.s32 s0, $0x620000  }
.Ltmp0:
0x16: {  	s0 =	sadd.s32 $0x20000, s0;
	(pc) =	sbr.rel @p0 .LBB2_2-.Ltmp0, $2  }
0x17: {  	_ =	sdelay $0x2  }
0x18: {  	s1 =	sadd.s32 s1, s4  }
0x19: {  	[hbm4b:s1+s9] =	stream.linear.scatter [tilespmem:s2], [sflag:$0x1], $0x8000, $0x38;
	[tilespmem:$0x19100] =	vst v63  }
0x1a: {  	s0 =	rddreg [dreg:$0x5]  }
0x1b: {  	[tilespmem:s9], [sflag:$0xA] =	stream.linear.gather [hbm4b:s0+s9], $0x700, $0x38;
	[tilespmem:$0x19100] =	vst v63  }
0x1c: {  	_ =	swait.ge [sflag:s3], $0x700  }
0x1d: {  	s24 =	simm.s32 $0x6000;
	[sflag:s3] =	ssyncset.done $0x0  }
0x1e: {  	s8 =	simm.s32 $0x840;
	s0 =	simm.s32 $0x40;
	[sflag:s3] =	ssyncadd.s32 $0xFFFFF900  }
.LBB2_4:
0x1f: {  	v8 =	vld [tilespmem:s0+$0xFFFFFFC0];
	_ =	sdelay $0x4  }
0x20: {  	(v2sf) =	vpush v8, $0xD;
	_ =	sdelay $0x1  }
0x21: {  	(v2sf) =	vpush v8, $0xC;
	_ =	sdelay $0x1  }
0x22: {  	(v2sf) =	vpush v8, $0xE;
	_ =	sdelay $0x1  }
0x23: {  	(v2sf) =	vpush v8, $0xF;
	_ =	sdelay $0x1  }
0x24: {  	(v2sf) =	vpush v8, $0x9;
	_ =	sdelay $0x1  }
0x25: {  	(v2sf) =	vpush v8, $0x8;
	_ =	sdelay $0x1  }
0x26: {  	(v2sf) =	vpush v8, $0xA;
	_ =	sdelay $0x1  }
0x27: {  	(v2sf) =	vpush v8, $0xB  }
0x28: {  	s26 =	spop (v2sf)  }
0x29: {  	[dreg:$0x8] =	wrdreg s0;
	(v2sf) =	vpush v8, $0x0;
	s1 =	smulhi.u32 $0x14F8B589, s26;
	s0 =	sshra.s32 s26, $0x1F  }
0x2a: {  	s2 =	spop (v2sf);
	(v2sf) =	vpush v8, $0x1;
	s0 =	smul.u32 $0x14F8B589, s0  }
0x2b: {  	s3 =	smulhi.u32 $0x14F8B589, s2;
	s2 =	sshra.s32 s2, $0x1F;
	(v2sf) =	vpush v8, $0x2  }
0x2c: {  	s5 =	spop (v2sf);
	s2 =	smul.u32 $0x14F8B589, s2;
	(v2sf) =	vpush v8, $0x3  }
0x2d: {  	s6 =	smulhi.u32 $0x14F8B589, s5;
	s5 =	sshra.s32 s5, $0x1F;
	(v2sf) =	vpush v8, $0x4  }
0x2e: {  	s7 =	spop (v2sf);
	s5 =	smul.u32 $0x14F8B589, s5;
	(v2sf) =	vpush v8, $0x5  }
0x2f: {  	s10 =	smulhi.u32 $0x14F8B589, s7;
	s28 =	sshra.s32 s7, $0x1F;
	(v2sf) =	vpush v8, $0x6  }
0x30: {  	s0 =	sadd.s32 s0, s1;
	s29 =	spop (v2sf);
	s7 =	smul.u32 $0x14F8B589, s28;
	(v2sf) =	vpush v8, $0x7  }
0x31: {  	s12 =	sshrl.u32 s0, $0x1F;
	s11 =	smulhi.u32 $0x14F8B589, s29;
	s1 =	sshra.s32 s29, $0x1F  }
0x32: {  	s3 =	sadd.s32 s2, s3;
	s30 =	spop (v2sf);
	s13 =	smul.u32 $0x14F8B589, s1  }
0x33: {  	s17 =	sshrl.u32 s3, $0x1F;
	s1 =	sadd.s32 s5, s6;
	s31 =	smulhi.u32 $0x14F8B589, s30  }
0x34: {  	s2 =	sshra.s32 s30, $0x1F;
	s4 =	spop (v2sf);
	s3 =	sshra.s32 s3, $0xA  }
0x35: {  	s14 =	sshrl.u32 s1, $0x1F;
	s18 =	smul.u32 $0x14F8B589, s2;
	s2 =	sadd.s32 s7, s10  }
0x36: {  	s7 =	smulhi.u32 $0x14F8B589, s4;
	s5 =	sshra.s32 s4, $0x1F;
	s9 =	spop (v2sf)  }
0x37: {  	s15 =	sshrl.u32 s2, $0x1F;
	s20 =	smul.u32 $0x14F8B589, s5;
	s5 =	sadd.s32 s13, s11  }
0x38: {  	s21 =	smulhi.u32 $0x14F8B589, s9;
	s10 =	sshra.s32 s9, $0x1F;
	s11 =	spop (v2sf)  }
0x39: {  	s13 =	sshrl.u32 s5, $0x1F;
	s23 =	smul.u32 $0x14F8B589, s10;
	s26 =	spop (v2sf)  }
0x3a: {  	s25 =	smulhi.u32 $0x14F8B589, s11;
	s19 =	sshra.s32 s11, $0x1F;
	s22 =	spop (v2sf)  }
0x3b: {  	s28 =	smulhi.u32 $0x14F8B589, s26;
	s9 =	sshra.s32 s26, $0x1F;
	s26 =	spop (v2sf)  }
0x3c: {  	s10 =	sadd.s32 s18, s31;
	s18 =	smul.u32 $0x14F8B589, s19;
	s31 =	spop (v2sf)  }
0x3d: {  	s11 =	sadd.s32 s20, s7;
	s30 =	smul.u32 $0x14F8B589, s9;
	s9 =	spop (v2sf)  }
0x3e: {  	s4 =	smulhi.u32 $0x14F8B589, s22;
	s6 =	sshra.s32 s22, $0x1F;
	s20 =	spop (v2sf)  }
0x3f: {  	s29 =	sshrl.u32 s10, $0x1F;
	s7 =	smul.u32 $0x14F8B589, s6;
	s19 =	spop (v2sf)  }
0x40: {  	s6 =	sadd.s32 s23, s21;
	s22 =	smulhi.u32 $0x14F8B589, s19;
	s23 =	sshra.s32 s19, $0x1F  }
0x41: {  	v20 =	vmov s3;
	s10 =	sshra.s32 s10, $0xA;
	s3 =	sshra.s32 s11, $0xA;
	s23 =	smul.u32 $0x14F8B589, s23  }
0x42: {  	s21 =	smulhi.u32 $0x14F8B589, s26;
	s18 =	sadd.s32 s18, s25;
	s26 =	sshra.s32 s26, $0x1F  }
0x43: {  	s26 =	smul.u32 $0x14F8B589, s26;
	s4 =	sadd.s32 s7, s4;
	s7 =	sadd.s32 s23, s22  }
0x44: {  	v9 =	vmov s17;
	s28 =	sadd.s32 s30, s28;
	s25 =	smulhi.u32 $0x14F8B589, s31;
	s22 =	sshra.s32 s7, $0x1F  }
0x45: {  	v9 =	vsel vm0, s12, v9;
	s12 =	smulhi.u32 $0x14F8B589, s9;
	s21 =	sadd.s32 s26, s21;
	v8 =	vmov s22;
	s22 =	sshra.s32 s18, $0xA  }
0x46: {  	s26 =	sshra.s32 s31, $0x1F;
	s23 =	sshrl.u32 s18, $0x1F;
	s18 =	sshra.s32 s18, $0x1F;
	v8 =	vsel vm3, s22, v8  }
0x47: {  	s30 =	sshrl.u32 s11, $0x1F;
	s17 =	smul.u32 $0x14F8B589, s26;
	s26 =	sshra.s32 s28, $0xA;
	v10 =	vmov s23;
	v8 =	vsel vm9, s18, v8  }
0x48: {  	s9 =	sshra.s32 s9, $0x1F;
	s31 =	sshrl.u32 s28, $0x1F;
	v10 =	vnsel vm3, $0x0, v10;
	v8 =	vsel vm0, s26, v8;
	s26 =	sshra.s32 s28, $0x1F  }
0x49: {  	v11 =	vmov s29;
	s9 =	smul.u32 $0x14F8B589, s9;
	s22 =	sshrl.u32 s4, $0x1F;
	v10 =	vsel vm0, s31, v10;
	s31 =	sshra.s32 s4, $0xA;
	v8 =	vsel vm10, s26, v8  }
0x4a: {  	v9 =	vsel vm1, s14, v9;
	v11 =	vsel vm0, s13, v11;
	s4 =	sshra.s32 s4, $0x1F;
	s28 =	smulhi.u32 $0x14F8B589, s20;
	s20 =	sshra.s32 s20, $0x1F;
	v8 =	vsel vm1, s31, v8  }
0x4b: {  	v11 =	vsel vm1, s30, v11;
	s30 =	sshra.s32 s5, $0xA;
	v10 =	vsel vm1, s22, v10;
	s22 =	sshra.s32 s21, $0xA;
	s20 =	smul.u32 $0x14F8B589, s20;
	v8 =	vsel vm11, s4, v8  }
0x4c: {  	v9 =	vsel vm2, s15, v9;
	v12 =	vmov s10;
	s17 =	sadd.s32 s17, s25;
	s25 =	sshra.s32 s21, $0x1F;
	s23 =	sshrl.u32 s21, $0x1F;
	v8 =	vsel vm2, s22, v8  }
0x4d: {  	v12 =	vsel vm0, s30, v12;
	s19 =	sshrl.u32 s6, $0x1F;
	v10 =	vsel vm2, s23, v10;
	s23 =	sadd.s32 s20, s28;
	s28 =	sshra.s32 s17, $0xA;
	v8 =	vsel vm12, s25, v8  }
0x4e: {  	s0 =	sshra.s32 s0, $0xA;
	v12 =	vsel vm1, s3, v12;
	s9 =	sadd.s32 s9, s12;
	v11 =	vsel vm2, s19, v11;
	s29 =	sshra.s32 s17, $0x1F;
	v8 =	vsel vm4, s28, v8  }
0x4f: {  	s1 =	sshra.s32 s1, $0xA;
	s6 =	sshra.s32 s6, $0xA;
	v9 =	vcombine.low v11, v9;
	v11 =	vsel vm0, s0, v20;
	s31 =	sshra.s32 s9, $0xA;
	v8 =	vsel vm13, s29, v8  }
0x50: {  	s5 =	sshra.s32 s2, $0xA;
	v12 =	vsel vm2, s6, v12;
	v11 =	vsel vm1, s1, v11;
	s18 =	sshrl.u32 s17, $0x1F;
	s4 =	sshra.s32 s9, $0x1F;
	v8 =	vsel vm5, s31, v8  }
0x51: {  	s12 =	sshrl.u32 s9, $0x1F;
	v11 =	vsel vm2, s5, v11;
	v10 =	vsel vm4, s18, v10;
	s9 =	sshra.s32 s23, $0xA;
	v8 =	vsel vm14, s4, v8  }
0x52: {  	v11 =	vcombine.low v12, v11;
	v10 =	vsel vm5, s12, v10;
	s26 =	sshrl.u32 s23, $0x1F;
	s11 =	sshra.s32 s23, $0x1F;
	v8 =	vsel vm6, s9, v8  }
0x53: {  	s10 =	sshrl.u32 s7, $0x1F;
	v9 =	vperm.xlane v9, v6;
	s12 =	sshra.s32 s7, $0xA;
	v10 =	vsel vm6, s26, v10;
	v8 =	vsel vm15, s11, v8  }
0x54: {  	v11 =	vperm.xlane v11, v6;
	v10 =	vsel vm7, s10, v10;
	v8 =	vsel vm7, s12, v8  }
0x55: {  	v10 =	vperm.xlane v10, v7;
	v8 =	vperm.xlane v8, v7;
	_ =	sdelay $0x1  }
0x56: {  	v9 =	vsel vm8, v10, v9;
	v8 =	vsel vm8, v8, v11  }
0x57: {  	s0 =	sadd.s32 $0xFFFFA000, s24;
	v8 =	vadd.s32 v9, v8  }
0x58: {  	v21 =	vadd.s32 s0, v0;
	v8 =	vshll.u32 v8, $0x3  }
0x59: {  	v8 =	vadd.s32 v8, v21  }
0x5a: {  	s13 =	rddreg [dreg:$0x8];
	[tilespmem:s8+$0xFFFFFFC0] =	vst v8  }
0x5b: {  	v8 =	vld [tilespmem:s13+$0xFFFFFFD0];
	_ =	sdelay $0x4  }
0x5c: {  	(v2sf) =	vpush v8, $0xD;
	_ =	sdelay $0x1  }
0x5d: {  	(v2sf) =	vpush v8, $0xC;
	_ =	sdelay $0x1  }
0x5e: {  	(v2sf) =	vpush v8, $0xE;
	_ =	sdelay $0x1  }
0x5f: {  	(v2sf) =	vpush v8, $0xF;
	_ =	sdelay $0x1  }
0x60: {  	(v2sf) =	vpush v8, $0x9;
	_ =	sdelay $0x1  }
0x61: {  	(v2sf) =	vpush v8, $0x8;
	_ =	sdelay $0x1  }
0x62: {  	(v2sf) =	vpush v8, $0xA;
	_ =	sdelay $0x1  }
0x63: {  	(v2sf) =	vpush v8, $0xB  }
0x64: {  	s14 =	spop (v2sf)  }
0x65: {  	(v2sf) =	vpush v8, $0x0;
	s15 =	smulhi.u32 $0x14F8B589, s14;
	s1 =	sshra.s32 s14, $0x1F  }
0x66: {  	s17 =	spop (v2sf);
	s1 =	smul.u32 $0x14F8B589, s1  }
0x67: {  	(v2sf) =	vpush v8, $0x1;
	s18 =	smulhi.u32 $0x14F8B589, s17;
	s3 =	sshra.s32 s17, $0x1F  }
0x68: {  	(v2sf) =	vpush v8, $0x2;
	s19 =	spop (v2sf);
	s3 =	smul.u32 $0x14F8B589, s3  }
0x69: {  	(v2sf) =	vpush v8, $0x3;
	s20 =	smulhi.u32 $0x14F8B589, s19;
	s5 =	sshra.s32 s19, $0x1F  }
0x6a: {  	(v2sf) =	vpush v8, $0x4;
	s22 =	spop (v2sf);
	s21 =	smul.u32 $0x14F8B589, s5  }
0x6b: {  	(v2sf) =	vpush v8, $0x5;
	s23 =	smulhi.u32 $0x14F8B589, s22;
	s5 =	sshra.s32 s22, $0x1F  }
0x6c: {  	(v2sf) =	vpush v8, $0x6;
	s11 =	spop (v2sf);
	s31 =	smul.u32 $0x14F8B589, s5  }
0x6d: {  	(v2sf) =	vpush v8, $0x7;
	s12 =	smulhi.u32 $0x14F8B589, s11;
	s5 =	sshra.s32 s11, $0x1F  }
0x6e: {  	s25 =	spop (v2sf);
	s22 =	smul.u32 $0x14F8B589, s5  }
0x6f: {  	s1 =	sadd.s32 s1, s15;
	s14 =	smulhi.u32 $0x14F8B589, s25;
	s2 =	sshra.s32 s25, $0x1F  }
0x70: {  	s13 =	sshrl.u32 s1, $0x1F;
	s26 =	spop (v2sf);
	s4 =	smul.u32 $0x14F8B589, s2  }
0x71: {  	s1 =	sshra.s32 s1, $0xA;
	s17 =	smulhi.u32 $0x14F8B589, s26;
	s28 =	sshra.s32 s26, $0x1F  }
0x72: {  	s5 =	sadd.s32 s3, s18;
	s29 =	spop (v2sf);
	s7 =	smul.u32 $0x14F8B589, s28  }
0x73: {  	s15 =	sshrl.u32 s5, $0x1F;
	s19 =	smulhi.u32 $0x14F8B589, s29;
	s30 =	sshra.s32 s29, $0x1F  }
0x74: {  	s3 =	sadd.s32 s31, s23;
	s23 =	spop (v2sf);
	s31 =	smul.u32 $0x14F8B589, s30  }
0x75: {  	s2 =	sadd.s32 s21, s20;
	s21 =	smulhi.u32 $0x14F8B589, s23;
	s25 =	sshra.s32 s23, $0x1F  }
0x76: {  	s6 =	sadd.s32 s22, s12;
	s26 =	spop (v2sf);
	s11 =	smul.u32 $0x14F8B589, s25  }
0x77: {  	s22 =	smulhi.u32 $0x14F8B589, s26;
	s10 =	sshra.s32 s26, $0x1F;
	s28 =	spop (v2sf)  }
0x78: {  	s12 =	sadd.s32 s4, s14;
	s4 =	smul.u32 $0x14F8B589, s10;
	s29 =	spop (v2sf)  }
0x79: {  	s14 =	smulhi.u32 $0x14F8B589, s28;
	s23 =	sshra.s32 s28, $0x1F;
	s25 =	spop (v2sf)  }
0x7a: {  	s7 =	sadd.s32 s7, s17;
	s17 =	smul.u32 $0x14F8B589, s23;
	s23 =	spop (v2sf)  }
0x7b: {  	s26 =	smulhi.u32 $0x14F8B589, s29;
	s30 =	sshra.s32 s29, $0x1F;
	s29 =	spop (v2sf)  }
0x7c: {  	s10 =	sadd.s32 s31, s19;
	s31 =	smul.u32 $0x14F8B589, s30;
	s28 =	spop (v2sf)  }
0x7d: {  	s5 =	sshra.s32 s5, $0xA;
	s30 =	smulhi.u32 $0x14F8B589, s28;
	s19 =	sshra.s32 s28, $0x1F  }
0x7e: {  	s18 =	sshrl.u32 s2, $0x1F;
	s20 =	sshrl.u32 s3, $0x1F;
	s19 =	smul.u32 $0x14F8B589, s19  }
0x7f: {  	v22 =	vmov s15;
	s21 =	sadd.s32 s11, s21;
	s4 =	sadd.s32 s4, s22;
	s22 =	sshrl.u32 s12, $0x1F  }
0x80: {  	v9 =	vsel vm0, s13, v22;
	s15 =	sshra.s32 s21, $0x1F;
	s14 =	sadd.s32 s17, s14;
	s11 =	sadd.s32 s19, s30  }
0x81: {  	v9 =	vsel vm1, s18, v9;
	s13 =	smulhi.u32 $0x14F8B589, s23;
	s9 =	sadd.s32 s31, s26;
	s31 =	sshra.s32 s11, $0x1F  }
0x82: {  	v9 =	vsel vm2, s20, v9;
	s17 =	sshrl.u32 s7, $0x1F;
	s20 =	smulhi.u32 $0x14F8B589, s29;
	v8 =	vmov s31;
	s31 =	sshra.s32 s21, $0xA  }
0x83: {  	s19 =	smulhi.u32 $0x14F8B589, s25;
	s25 =	sshra.s32 s25, $0x1F;
	s30 =	sshrl.u32 s21, $0x1F;
	v8 =	vsel vm3, s31, v8  }
0x84: {  	s26 =	sshrl.u32 s10, $0x1F;
	s25 =	smul.u32 $0x14F8B589, s25;
	v23 =	vmov s30;
	s30 =	sshra.s32 s4, $0xA;
	v8 =	vsel vm9, s15, v8  }
0x85: {  	s28 =	sshrl.u32 s6, $0x1F;
	s21 =	sshrl.u32 s4, $0x1F;
	s4 =	sshra.s32 s4, $0x1F;
	v8 =	vsel vm0, s30, v8  }
0x86: {  	v25 =	vmov s5;
	v24 =	vmov s22;
	s19 =	sadd.s32 s25, s19;
	s15 =	sshra.s32 s23, $0x1F;
	s23 =	sshra.s32 s14, $0xA;
	v8 =	vsel vm10, s4, v8  }
0x87: {  	v11 =	vsel vm0, s28, v24;
	v10 =	vnsel vm3, $0x0, v23;
	s25 =	sshra.s32 s14, $0x1F;
	s15 =	smul.u32 $0x14F8B589, s15;
	s30 =	sshra.s32 s29, $0x1F;
	v8 =	vsel vm1, s23, v8  }
0x88: {  	v11 =	vsel vm1, s17, v11;
	s31 =	sshrl.u32 s14, $0x1F;
	v10 =	vsel vm0, s21, v10;
	s21 =	smul.u32 $0x14F8B589, s30;
	s30 =	sshra.s32 s9, $0xA;
	v8 =	vsel vm11, s25, v8  }
0x89: {  	s18 =	sshrl.u32 s9, $0x1F;
	v11 =	vsel vm2, s26, v11;
	v10 =	vsel vm1, s31, v10;
	s17 =	sshra.s32 s19, $0xA;
	s9 =	sshra.s32 s9, $0x1F;
	v8 =	vsel vm2, s30, v8  }
0x8a: {  	v9 =	vcombine.low v11, v9;
	v10 =	vsel vm2, s18, v10;
	s29 =	sshrl.u32 s19, $0x1F;
	s18 =	sshra.s32 s12, $0xA;
	s13 =	sadd.s32 s15, s13;
	v8 =	vsel vm12, s9, v8  }
0x8b: {  	v11 =	vsel vm0, s1, v25;
	v10 =	vsel vm4, s29, v10;
	s23 =	sshra.s32 s2, $0xA;
	s15 =	sadd.s32 s21, s20;
	s20 =	sshra.s32 s19, $0x1F;
	v8 =	vsel vm4, s17, v8  }
0x8c: {  	v26 =	vmov s18;
	s31 =	sshrl.u32 s13, $0x1F;
	s21 =	sshra.s32 s6, $0xA;
	s22 =	sshra.s32 s13, $0xA;
	v11 =	vsel vm1, s23, v11;
	v8 =	vsel vm13, s20, v8  }
0x8d: {  	s28 =	sshra.s32 s3, $0xA;
	s25 =	sshra.s32 s7, $0xA;
	s26 =	sshra.s32 s13, $0x1F;
	v10 =	vsel vm5, s31, v10;
	v12 =	vsel vm0, s21, v26;
	v8 =	vsel vm5, s22, v8  }
0x8e: {  	s29 =	sshra.s32 s10, $0xA;
	s14 =	sshrl.u32 s15, $0x1F;
	s30 =	sshra.s32 s15, $0xA;
	v11 =	vsel vm2, s28, v11;
	v12 =	vsel vm1, s25, v12;
	v8 =	vsel vm14, s26, v8  }
0x8f: {  	s31 =	sshrl.u32 s11, $0x1F;
	s5 =	sshra.s32 s15, $0x1F;
	v10 =	vsel vm6, s14, v10;
	v12 =	vsel vm2, s29, v12;
	v8 =	vsel vm6, s30, v8  }
0x90: {  	s6 =	sshra.s32 s11, $0xA;
	v10 =	vsel vm7, s31, v10;
	v11 =	vcombine.low v12, v11;
	v8 =	vsel vm15, s5, v8  }
0x91: {  	v9 =	vperm.xlane v9, v6;
	v10 =	vperm.xlane v10, v7;
	v8 =	vsel vm7, s6, v8  }
0x92: {  	v11 =	vperm.xlane v11, v6;
	v8 =	vperm.xlane v8, v7;
	_ =	sdelay $0x1  }
0x93: {  	v9 =	vsel vm8, v10, v9;
	v8 =	vsel vm8, v8, v11  }
0x94: {  	v8 =	vadd.s32 v9, v8  }
0x95: {  	v27 =	vadd.s32 s0, v1;
	v8 =	vshll.u32 v8, $0x3  }
0x96: {  	v8 =	vadd.s32 v8, v27  }
0x97: {  	s7 =	rddreg [dreg:$0x8];
	[tilespmem:s8+$0xFFFFFFD0] =	vst v8  }
0x98: {  	v8 =	vld [tilespmem:s7+$0xFFFFFFE0];
	_ =	sdelay $0x4  }
0x99: {  	(v2sf) =	vpush v8, $0xD;
	_ =	sdelay $0x1  }
0x9a: {  	(v2sf) =	vpush v8, $0xC;
	_ =	sdelay $0x1  }
0x9b: {  	(v2sf) =	vpush v8, $0xE;
	_ =	sdelay $0x1  }
0x9c: {  	(v2sf) =	vpush v8, $0xF;
	_ =	sdelay $0x1  }
0x9d: {  	(v2sf) =	vpush v8, $0x9;
	_ =	sdelay $0x1  }
0x9e: {  	(v2sf) =	vpush v8, $0x8;
	_ =	sdelay $0x1  }
0x9f: {  	(v2sf) =	vpush v8, $0xA;
	_ =	sdelay $0x2  }
0xa0: {  	[dreg:$0xa] =	wrdreg s24;
	s24 =	smov.u32 s8;
	(v2sf) =	vpush v8, $0xB;
	s8 =	spop (v2sf)  }
0xa1: {  	(v2sf) =	vpush v8, $0x0;
	s9 =	smulhi.u32 $0x14F8B589, s8;
	s0 =	sshra.s32 s8, $0x1F  }
0xa2: {  	(v2sf) =	vpush v8, $0x1;
	s10 =	spop (v2sf);
	s0 =	smul.u32 $0x14F8B589, s0  }
0xa3: {  	(v2sf) =	vpush v8, $0x2;
	s11 =	smulhi.u32 $0x14F8B589, s10;
	s2 =	sshra.s32 s10, $0x1F  }
0xa4: {  	(v2sf) =	vpush v8, $0x3;
	s12 =	spop (v2sf);
	s2 =	smul.u32 $0x14F8B589, s2  }
0xa5: {  	(v2sf) =	vpush v8, $0x4;
	s13 =	smulhi.u32 $0x14F8B589, s12;
	s4 =	sshra.s32 s12, $0x1F  }
0xa6: {  	(v2sf) =	vpush v8, $0x5;
	s14 =	spop (v2sf);
	s4 =	smul.u32 $0x14F8B589, s4  }
0xa7: {  	(v2sf) =	vpush v8, $0x6;
	s15 =	smulhi.u32 $0x14F8B589, s14;
	s17 =	sshra.s32 s14, $0x1F  }
0xa8: {  	s0 =	sadd.s32 s0, s9;
	s18 =	spop (v2sf);
	(v2sf) =	vpush v8, $0x7;
	s6 =	smul.u32 $0x14F8B589, s17  }
0xa9: {  	s12 =	sshrl.u32 s0, $0x1F;
	s3 =	sadd.s32 s2, s11;
	s19 =	smulhi.u32 $0x14F8B589, s18  }
0xaa: {  	s1 =	sshra.s32 s18, $0x1F;
	s21 =	spop (v2sf);
	s0 =	sshra.s32 s0, $0xA  }
0xab: {  	s17 =	sshrl.u32 s3, $0x1F;
	s20 =	smul.u32 $0x14F8B589, s1;
	s1 =	sadd.s32 s4, s13  }
0xac: {  	s22 =	smulhi.u32 $0x14F8B589, s21;
	s2 =	sshra.s32 s21, $0x1F;
	s25 =	spop (v2sf)  }
0xad: {  	s3 =	sshra.s32 s3, $0xA;
	s14 =	sshrl.u32 s1, $0x1F;
	s23 =	smul.u32 $0x14F8B589, s2  }
0xae: {  	s2 =	sadd.s32 s6, s15;
	s6 =	smulhi.u32 $0x14F8B589, s25;
	s5 =	sshra.s32 s25, $0x1F  }
0xaf: {  	s26 =	spop (v2sf);
	s1 =	sshra.s32 s1, $0xA;
	s7 =	smul.u32 $0x14F8B589, s5  }
0xb0: {  	s9 =	smulhi.u32 $0x14F8B589, s26;
	s28 =	sshra.s32 s26, $0x1F;
	s29 =	spop (v2sf)  }
0xb1: {  	s5 =	sadd.s32 s20, s19;
	s18 =	smul.u32 $0x14F8B589, s28;
	s31 =	spop (v2sf)  }
0xb2: {  	s19 =	smulhi.u32 $0x14F8B589, s29;
	s30 =	sshra.s32 s29, $0x1F;
	s29 =	spop (v2sf)  }
0xb3: {  	s10 =	sadd.s32 s23, s22;
	s8 =	smul.u32 $0x14F8B589, s30;
	s22 =	spop (v2sf)  }
0xb4: {  	s20 =	smulhi.u32 $0x14F8B589, s31;
	s21 =	sshra.s32 s31, $0x1F;
	s25 =	spop (v2sf)  }
0xb5: {  	s26 =	smulhi.u32 $0x14F8B589, s29;
	s30 =	sshra.s32 s29, $0x1F;
	s29 =	spop (v2sf)  }
0xb6: {  	s11 =	sadd.s32 s7, s6;
	s21 =	smul.u32 $0x14F8B589, s21;
	s28 =	spop (v2sf)  }
0xb7: {  	s6 =	sadd.s32 s18, s9;
	s7 =	smul.u32 $0x14F8B589, s30;
	s31 =	spop (v2sf)  }
0xb8: {  	s4 =	sadd.s32 s8, s19;
	s8 =	smulhi.u32 $0x14F8B589, s31;
	s18 =	sshra.s32 s31, $0x1F  }
0xb9: {  	s15 =	sshrl.u32 s2, $0x1F;
	s13 =	sshrl.u32 s5, $0x1F;
	s18 =	smul.u32 $0x14F8B589, s18  }
0xba: {  	s23 =	sshrl.u32 s10, $0x1F;
	s20 =	sadd.s32 s21, s20;
	s26 =	sadd.s32 s7, s26  }
0xbb: {  	s9 =	smulhi.u32 $0x14F8B589, s22;
	s30 =	sshra.s32 s22, $0x1F;
	s7 =	sadd.s32 s18, s8  }
0xbc: {  	v30 =	vmov s23;
	s22 =	sshrl.u32 s11, $0x1F;
	s21 =	smul.u32 $0x14F8B589, s30;
	s31 =	sshra.s32 s7, $0x1F  }
0xbd: {  	v28 =	vmov s17;
	v11 =	vsel vm0, s13, v30;
	s30 =	sshrl.u32 s6, $0x1F;
	s19 =	smulhi.u32 $0x14F8B589, s25;
	s8 =	sshra.s32 s4, $0xA;
	v8 =	vmov s31  }
0xbe: {  	v9 =	vsel vm0, s12, v28;
	v11 =	vsel vm1, s22, v11;
	s12 =	smulhi.u32 $0x14F8B589, s29;
	s18 =	sshrl.u32 s4, $0x1F;
	s4 =	sshra.s32 s4, $0x1F;
	v8 =	vsel vm3, s8, v8  }
0xbf: {  	v11 =	vsel vm2, s30, v11;
	s30 =	sshra.s32 s5, $0xA;
	s9 =	sadd.s32 s21, s9;
	s8 =	sshra.s32 s20, $0xA;
	v8 =	vsel vm9, s4, v8  }
0xc0: {  	s21 =	sshra.s32 s25, $0x1F;
	s25 =	sshrl.u32 s20, $0x1F;
	s20 =	sshra.s32 s20, $0x1F;
	v8 =	vsel vm0, s8, v8  }
0xc1: {  	v31 =	vmov s3;
	v9 =	vsel vm1, s14, v9;
	s5 =	sshra.s32 s2, $0xA;
	s31 =	sshra.s32 s29, $0x1F;
	s29 =	sshra.s32 s26, $0xA;
	v8 =	vsel vm10, s20, v8  }
0xc2: {  	v9 =	vsel vm2, s15, v9;
	s17 =	smul.u32 $0x14F8B589, s21;
	s21 =	sshrl.u32 s26, $0x1F;
	v29 =	vmov s18;
	s8 =	sshra.s32 s26, $0x1F;
	v8 =	vsel vm1, s29, v8  }
0xc3: {  	v9 =	vcombine.low v11, v9;
	s23 =	sshra.s32 s9, $0x1F;
	v10 =	vnsel vm3, $0x0, v29;
	s18 =	smul.u32 $0x14F8B589, s31;
	s20 =	sshra.s32 s9, $0xA;
	v8 =	vsel vm11, s8, v8  }
0xc4: {  	v11 =	vsel vm0, s0, v31;
	s17 =	sadd.s32 s17, s19;
	v10 =	vsel vm0, s25, v10;
	s25 =	smulhi.u32 $0x14F8B589, s28;
	s28 =	sshra.s32 s28, $0x1F;
	v8 =	vsel vm2, s20, v8  }
0xc5: {  	s14 =	sshrl.u32 s9, $0x1F;
	v11 =	vsel vm1, s1, v11;
	s31 =	smul.u32 $0x14F8B589, s28;
	s26 =	sshra.s32 s17, $0xA;
	v8 =	vsel vm12, s23, v8  }
0xc6: {  	v11 =	vsel vm2, s5, v11;
	v10 =	vsel vm1, s21, v10;
	s28 =	sshra.s32 s10, $0xA;
	s12 =	sadd.s32 s18, s12;
	s29 =	sshra.s32 s17, $0x1F;
	v8 =	vsel vm4, s26, v8  }
0xc7: {  	v10 =	vsel vm2, s14, v10;
	s14 =	sshrl.u32 s17, $0x1F;
	v32 =	vmov s28;
	s22 =	sadd.s32 s31, s25;
	s31 =	sshra.s32 s12, $0xA;
	v8 =	vsel vm13, s29, v8  }
0xc8: {  	s3 =	sshra.s32 s11, $0xA;
	v10 =	vsel vm4, s14, v10;
	s21 =	sshrl.u32 s12, $0x1F;
	v12 =	vsel vm0, s30, v32;
	s4 =	sshra.s32 s12, $0x1F;
	v8 =	vsel vm5, s31, v8  }
0xc9: {  	v10 =	vsel vm5, s21, v10;
	s25 =	sshrl.u32 s22, $0x1F;
	v12 =	vsel vm1, s3, v12;
	s9 =	sshra.s32 s22, $0xA;
	s8 =	sshra.s32 s6, $0xA;
	v8 =	vsel vm14, s4, v8  }
0xca: {  	s10 =	sshrl.u32 s7, $0x1F;
	s11 =	sshra.s32 s22, $0x1F;
	v10 =	vsel vm6, s25, v10;
	v12 =	vsel vm2, s8, v12;
	v8 =	vsel vm6, s9, v8  }
0xcb: {  	s12 =	sshra.s32 s7, $0xA;
	v10 =	vsel vm7, s10, v10;
	v11 =	vcombine.low v12, v11;
	v8 =	vsel vm15, s11, v8  }
0xcc: {  	v9 =	vperm.xlane v9, v6;
	v10 =	vperm.xlane v10, v7;
	v8 =	vsel vm7, s12, v8  }
0xcd: {  	v11 =	vperm.xlane v11, v6;
	v8 =	vperm.xlane v8, v7;
	_ =	sdelay $0x1  }
0xce: {  	s8 =	rddreg [dreg:$0xa];
	v9 =	vsel vm8, v10, v9;
	v8 =	vsel vm8, v8, v11  }
0xcf: {  	s0 =	sadd.s32 $0xFFFFC000, s8;
	v8 =	vadd.s32 v9, v8  }
0xd0: {  	v33 =	vadd.s32 s0, v0;
	v8 =	vshll.u32 v8, $0x3  }
0xd1: {  	v8 =	vadd.s32 v8, v33  }
0xd2: {  	s13 =	rddreg [dreg:$0x8];
	[tilespmem:s24+$0xFFFFFFE0] =	vst v8  }
0xd3: {  	v8 =	vld [tilespmem:s13+$0xFFFFFFF0];
	_ =	sdelay $0x4  }
0xd4: {  	(v2sf) =	vpush v8, $0xD;
	_ =	sdelay $0x1  }
0xd5: {  	(v2sf) =	vpush v8, $0xC;
	_ =	sdelay $0x1  }
0xd6: {  	(v2sf) =	vpush v8, $0xE;
	_ =	sdelay $0x1  }
0xd7: {  	(v2sf) =	vpush v8, $0xF;
	_ =	sdelay $0x1  }
0xd8: {  	(v2sf) =	vpush v8, $0x9;
	_ =	sdelay $0x1  }
0xd9: {  	(v2sf) =	vpush v8, $0x8;
	_ =	sdelay $0x1  }
0xda: {  	(v2sf) =	vpush v8, $0xA;
	_ =	sdelay $0x1  }
0xdb: {  	(v2sf) =	vpush v8, $0xB  }
0xdc: {  	s14 =	spop (v2sf)  }
0xdd: {  	(v2sf) =	vpush v8, $0x0;
	s15 =	smulhi.u32 $0x14F8B589, s14;
	s1 =	sshra.s32 s14, $0x1F  }
0xde: {  	s17 =	spop (v2sf);
	s1 =	smul.u32 $0x14F8B589, s1  }
0xdf: {  	(v2sf) =	vpush v8, $0x1;
	s18 =	smulhi.u32 $0x14F8B589, s17;
	s3 =	sshra.s32 s17, $0x1F  }
0xe0: {  	(v2sf) =	vpush v8, $0x2;
	s19 =	spop (v2sf);
	s3 =	smul.u32 $0x14F8B589, s3  }
0xe1: {  	(v2sf) =	vpush v8, $0x3;
	s20 =	smulhi.u32 $0x14F8B589, s19;
	s5 =	sshra.s32 s19, $0x1F  }
0xe2: {  	(v2sf) =	vpush v8, $0x4;
	s22 =	spop (v2sf);
	s21 =	smul.u32 $0x14F8B589, s5  }
0xe3: {  	(v2sf) =	vpush v8, $0x5;
	s23 =	smulhi.u32 $0x14F8B589, s22;
	s5 =	sshra.s32 s22, $0x1F  }
0xe4: {  	(v2sf) =	vpush v8, $0x6;
	s11 =	spop (v2sf);
	s31 =	smul.u32 $0x14F8B589, s5  }
0xe5: {  	(v2sf) =	vpush v8, $0x7;
	s12 =	smulhi.u32 $0x14F8B589, s11;
	s5 =	sshra.s32 s11, $0x1F  }
0xe6: {  	s25 =	spop (v2sf);
	s22 =	smul.u32 $0x14F8B589, s5  }
0xe7: {  	s1 =	sadd.s32 s1, s15;
	s14 =	smulhi.u32 $0x14F8B589, s25;
	s2 =	sshra.s32 s25, $0x1F  }
0xe8: {  	s13 =	sshrl.u32 s1, $0x1F;
	s26 =	spop (v2sf);
	s4 =	smul.u32 $0x14F8B589, s2  }
0xe9: {  	s1 =	sshra.s32 s1, $0xA;
	s17 =	smulhi.u32 $0x14F8B589, s26;
	s28 =	sshra.s32 s26, $0x1F  }
0xea: {  	s5 =	sadd.s32 s3, s18;
	s29 =	spop (v2sf);
	s7 =	smul.u32 $0x14F8B589, s28  }
0xeb: {  	s15 =	sshrl.u32 s5, $0x1F;
	s19 =	smulhi.u32 $0x14F8B589, s29;
	s30 =	sshra.s32 s29, $0x1F  }
0xec: {  	s3 =	sadd.s32 s31, s23;
	s23 =	spop (v2sf);
	s31 =	smul.u32 $0x14F8B589, s30  }
0xed: {  	s2 =	sadd.s32 s21, s20;
	s21 =	smulhi.u32 $0x14F8B589, s23;
	s25 =	sshra.s32 s23, $0x1F  }
0xee: {  	s6 =	sadd.s32 s22, s12;
	s26 =	spop (v2sf);
	s11 =	smul.u32 $0x14F8B589, s25  }
0xef: {  	s22 =	smulhi.u32 $0x14F8B589, s26;
	s10 =	sshra.s32 s26, $0x1F;
	s28 =	spop (v2sf)  }
0xf0: {  	s12 =	sadd.s32 s4, s14;
	s4 =	smul.u32 $0x14F8B589, s10;
	s29 =	spop (v2sf)  }
0xf1: {  	s14 =	smulhi.u32 $0x14F8B589, s28;
	s23 =	sshra.s32 s28, $0x1F;
	s25 =	spop (v2sf)  }
0xf2: {  	s7 =	sadd.s32 s7, s17;
	s17 =	smul.u32 $0x14F8B589, s23;
	s23 =	spop (v2sf)  }
0xf3: {  	s26 =	smulhi.u32 $0x14F8B589, s29;
	s30 =	sshra.s32 s29, $0x1F;
	s29 =	spop (v2sf)  }
0xf4: {  	s10 =	sadd.s32 s31, s19;
	s31 =	smul.u32 $0x14F8B589, s30;
	s28 =	spop (v2sf)  }
0xf5: {  	s5 =	sshra.s32 s5, $0xA;
	s30 =	smulhi.u32 $0x14F8B589, s28;
	s19 =	sshra.s32 s28, $0x1F  }
0xf6: {  	s18 =	sshrl.u32 s2, $0x1F;
	s20 =	sshrl.u32 s3, $0x1F;
	s19 =	smul.u32 $0x14F8B589, s19  }
0xf7: {  	v34 =	vmov s15;
	s21 =	sadd.s32 s11, s21;
	s4 =	sadd.s32 s4, s22;
	s22 =	sshrl.u32 s12, $0x1F  }
0xf8: {  	v9 =	vsel vm0, s13, v34;
	s15 =	sshra.s32 s21, $0x1F;
	s14 =	sadd.s32 s17, s14;
	s11 =	sadd.s32 s19, s30  }
0xf9: {  	v9 =	vsel vm1, s18, v9;
	s13 =	smulhi.u32 $0x14F8B589, s23;
	s9 =	sadd.s32 s31, s26;
	s31 =	sshra.s32 s11, $0x1F  }
0xfa: {  	v9 =	vsel vm2, s20, v9;
	s17 =	sshrl.u32 s7, $0x1F;
	s20 =	smulhi.u32 $0x14F8B589, s29;
	v8 =	vmov s31;
	s31 =	sshra.s32 s21, $0xA  }
0xfb: {  	s19 =	smulhi.u32 $0x14F8B589, s25;
	s25 =	sshra.s32 s25, $0x1F;
	s30 =	sshrl.u32 s21, $0x1F;
	v8 =	vsel vm3, s31, v8  }
0xfc: {  	s28 =	sshrl.u32 s6, $0x1F;
	s25 =	smul.u32 $0x14F8B589, s25;
	v35 =	vmov s30;
	s30 =	sshra.s32 s4, $0xA;
	v8 =	vsel vm9, s15, v8  }
0xfd: {  	s21 =	sshrl.u32 s4, $0x1F;
	v10 =	vnsel vm3, $0x0, v35;
	s4 =	sshra.s32 s4, $0x1F;
	s31 =	sshrl.u32 s14, $0x1F;
	v8 =	vsel vm0, s30, v8  }
0xfe: {  	v36 =	vmov s22;
	v10 =	vsel vm0, s21, v10;
	s15 =	sshra.s32 s23, $0x1F;
	s23 =	sshra.s32 s29, $0x1F;
	s29 =	sshra.s32 s14, $0xA;
	v8 =	vsel vm10, s4, v8  }
0xff: {  	s26 =	sshrl.u32 s10, $0x1F;
	s18 =	sshrl.u32 s9, $0x1F;
	v11 =	vsel vm0, s28, v36;
	v10 =	vsel vm1, s31, v10;
	s30 =	sshra.s32 s14, $0x1F;
	v8 =	vsel vm1, s29, v8  }
0x100: {  	v11 =	vsel vm1, s17, v11;
	s17 =	sshra.s32 s3, $0xA;
	s19 =	sadd.s32 s25, s19;
	v10 =	vsel vm2, s18, v10;
	s18 =	sshra.s32 s9, $0xA;
	v8 =	vsel vm11, s30, v8  }
0x101: {  	v11 =	vsel vm2, s26, v11;
	s25 =	sshra.s32 s9, $0x1F;
	s31 =	sshrl.u32 s19, $0x1F;
	s15 =	smul.u32 $0x14F8B589, s15;
	v8 =	vsel vm2, s18, v8  }
0x102: {  	v37 =	vmov s5;
	v9 =	vcombine.low v11, v9;
	s28 =	sshra.s32 s19, $0xA;
	s21 =	smul.u32 $0x14F8B589, s23;
	s9 =	sshra.s32 s2, $0xA;
	v8 =	vsel vm12, s25, v8  }
0x103: {  	v11 =	vsel vm0, s1, v37;
	v10 =	vsel vm4, s31, v10;
	s13 =	sadd.s32 s15, s13;
	s29 =	sshra.s32 s12, $0xA;
	s30 =	sshra.s32 s19, $0x1F;
	v8 =	vsel vm4, s28, v8  }
0x104: {  	s31 =	sshra.s32 s6, $0xA;
	v11 =	vsel vm1, s9, v11;
	s23 =	sadd.s32 s21, s20;
	v38 =	vmov s29;
	s6 =	sshra.s32 s13, $0xA;
	v8 =	vsel vm13, s30, v8  }
0x105: {  	s12 =	sshra.s32 s7, $0xA;
	v11 =	vsel vm2, s17, v11;
	s22 =	sshrl.u32 s13, $0x1F;
	s14 =	sshra.s32 s13, $0x1F;
	v12 =	vsel vm0, s31, v38;
	v8 =	vsel vm5, s6, v8  }
0x106: {  	s26 =	sshrl.u32 s23, $0x1F;
	s19 =	sshra.s32 s23, $0xA;
	v10 =	vsel vm5, s22, v10;
	s18 =	sshra.s32 s10, $0xA;
	v12 =	vsel vm1, s12, v12;
	v8 =	vsel vm14, s14, v8  }
0x107: {  	s20 =	sshrl.u32 s11, $0x1F;
	s21 =	sshra.s32 s23, $0x1F;
	v10 =	vsel vm6, s26, v10;
	v12 =	vsel vm2, s18, v12;
	v8 =	vsel vm6, s19, v8  }
0x108: {  	s22 =	sshra.s32 s11, $0xA;
	v10 =	vsel vm7, s20, v10;
	v11 =	vcombine.low v12, v11;
	v8 =	vsel vm15, s21, v8  }
0x109: {  	v9 =	vperm.xlane v9, v6;
	v10 =	vperm.xlane v10, v7;
	v8 =	vsel vm7, s22, v8  }
0x10a: {  	v11 =	vperm.xlane v11, v6;
	v8 =	vperm.xlane v8, v7;
	_ =	sdelay $0x1  }
0x10b: {  	v9 =	vsel vm8, v10, v9;
	v8 =	vsel vm8, v8, v11  }
0x10c: {  	v8 =	vadd.s32 v9, v8  }
0x10d: {  	v39 =	vadd.s32 s0, v1;
	v8 =	vshll.u32 v8, $0x3  }
0x10e: {  	v8 =	vadd.s32 v8, v39  }
0x10f: {  	s23 =	rddreg [dreg:$0x8];
	[tilespmem:s24+$0xFFFFFFF0] =	vst v8  }
0x110: {  	v8 =	vld [tilespmem:s23+$0x0];
	_ =	sdelay $0x4  }
0x111: {  	(v2sf) =	vpush v8, $0xD;
	_ =	sdelay $0x1  }
0x112: {  	(v2sf) =	vpush v8, $0xC;
	_ =	sdelay $0x1  }
0x113: {  	(v2sf) =	vpush v8, $0xE;
	_ =	sdelay $0x1  }
0x114: {  	(v2sf) =	vpush v8, $0xF;
	_ =	sdelay $0x1  }
0x115: {  	(v2sf) =	vpush v8, $0x9;
	_ =	sdelay $0x1  }
0x116: {  	(v2sf) =	vpush v8, $0x8;
	_ =	sdelay $0x1  }
0x117: {  	(v2sf) =	vpush v8, $0xA;
	_ =	sdelay $0x1  }
0x118: {  	(v2sf) =	vpush v8, $0xB  }
0x119: {  	s25 =	spop (v2sf)  }
0x11a: {  	(v2sf) =	vpush v8, $0x0;
	s26 =	smulhi.u32 $0x14F8B589, s25;
	s0 =	sshra.s32 s25, $0x1F  }
0x11b: {  	(v2sf) =	vpush v8, $0x1;
	s28 =	spop (v2sf);
	s0 =	smul.u32 $0x14F8B589, s0  }
0x11c: {  	(v2sf) =	vpush v8, $0x2;
	s29 =	smulhi.u32 $0x14F8B589, s28;
	s2 =	sshra.s32 s28, $0x1F  }
0x11d: {  	(v2sf) =	vpush v8, $0x3;
	s30 =	spop (v2sf);
	s2 =	smul.u32 $0x14F8B589, s2  }
0x11e: {  	(v2sf) =	vpush v8, $0x4;
	s31 =	smulhi.u32 $0x14F8B589, s30;
	s4 =	sshra.s32 s30, $0x1F  }
0x11f: {  	(v2sf) =	vpush v8, $0x5;
	s7 =	spop (v2sf);
	s4 =	smul.u32 $0x14F8B589, s4  }
0x120: {  	(v2sf) =	vpush v8, $0x6;
	s0 =	sadd.s32 s0, s26;
	s9 =	smulhi.u32 $0x14F8B589, s7;
	s10 =	sshra.s32 s7, $0x1F  }
0x121: {  	s11 =	spop (v2sf);
	(v2sf) =	vpush v8, $0x7;
	s12 =	sshrl.u32 s0, $0x1F;
	s6 =	smul.u32 $0x14F8B589, s10  }
0x122: {  	s3 =	sadd.s32 s2, s29;
	s13 =	smulhi.u32 $0x14F8B589, s11;
	s1 =	sshra.s32 s11, $0x1F  }
0x123: {  	s19 =	spop (v2sf);
	s0 =	sshra.s32 s0, $0xA;
	s18 =	smul.u32 $0x14F8B589, s1  }
0x124: {  	s17 =	sshrl.u32 s3, $0x1F;
	s20 =	smulhi.u32 $0x14F8B589, s19;
	s2 =	sshra.s32 s19, $0x1F  }
0x125: {  	s1 =	sadd.s32 s4, s31;
	s22 =	spop (v2sf);
	s21 =	smul.u32 $0x14F8B589, s2  }
0x126: {  	s2 =	sadd.s32 s6, s9;
	s6 =	smulhi.u32 $0x14F8B589, s22;
	s5 =	sshra.s32 s22, $0x1F  }
0x127: {  	s3 =	sshra.s32 s3, $0xA;
	s23 =	spop (v2sf);
	s7 =	smul.u32 $0x14F8B589, s5  }
0x128: {  	s14 =	sshrl.u32 s1, $0x1F;
	s9 =	smulhi.u32 $0x14F8B589, s23;
	s25 =	sshra.s32 s23, $0x1F  }
0x129: {  	s5 =	sadd.s32 s18, s13;
	s26 =	spop (v2sf);
	s18 =	smul.u32 $0x14F8B589, s25  }
0x12a: {  	s19 =	smulhi.u32 $0x14F8B589, s26;
	s28 =	sshra.s32 s26, $0x1F;
	s29 =	spop (v2sf)  }
0x12b: {  	s10 =	sadd.s32 s21, s20;
	s4 =	smul.u32 $0x14F8B589, s28;
	s30 =	spop (v2sf)  }
0x12c: {  	s20 =	smulhi.u32 $0x14F8B589, s29;
	s21 =	sshra.s32 s29, $0x1F;
	s22 =	spop (v2sf)  }
0x12d: {  	s1 =	sshra.s32 s1, $0xA;
	s21 =	smul.u32 $0x14F8B589, s21;
	s25 =	spop (v2sf)  }
0x12e: {  	s26 =	smulhi.u32 $0x14F8B589, s30;
	s31 =	sshra.s32 s30, $0x1F;
	s29 =	spop (v2sf)  }
0x12f: {  	s11 =	sadd.s32 s7, s6;
	s7 =	smul.u32 $0x14F8B589, s31;
	s28 =	spop (v2sf)  }
0x130: {  	s6 =	sadd.s32 s18, s9;
	s9 =	smulhi.u32 $0x14F8B589, s22;
	s30 =	spop (v2sf)  }
0x131: {  	s15 =	sshrl.u32 s2, $0x1F;
	s31 =	smulhi.u32 $0x14F8B589, s30;
	s18 =	sshra.s32 s30, $0x1F  }
0x132: {  	v40 =	vmov s17;
	s13 =	sshrl.u32 s5, $0x1F;
	s23 =	sshrl.u32 s10, $0x1F;
	s18 =	smul.u32 $0x14F8B589, s18  }
0x133: {  	v9 =	vsel vm0, s12, v40;
	s4 =	sadd.s32 s4, s19;
	s20 =	sadd.s32 s21, s20;
	s19 =	smulhi.u32 $0x14F8B589, s25  }
0x134: {  	v9 =	vsel vm1, s14, v9;
	s26 =	sadd.s32 s7, s26;
	s12 =	smulhi.u32 $0x14F8B589, s29;
	s7 =	sadd.s32 s18, s31  }
0x135: {  	v9 =	vsel vm2, s15, v9;
	s15 =	smulhi.u32 $0x14F8B589, s28;
	s30 =	sshra.s32 s22, $0x1F;
	s31 =	sshra.s32 s7, $0x1F  }
0x136: {  	s29 =	sshra.s32 s29, $0x1F;
	s21 =	smul.u32 $0x14F8B589, s30;
	v8 =	vmov s31;
	s31 =	sshra.s32 s4, $0xA  }
0x137: {  	v42 =	vmov s23;
	s22 =	sshrl.u32 s11, $0x1F;
	s18 =	sshrl.u32 s4, $0x1F;
	s4 =	sshra.s32 s4, $0x1F;
	v8 =	vsel vm3, s31, v8  }
0x138: {  	v11 =	vsel vm0, s13, v42;
	s30 =	sshrl.u32 s6, $0x1F;
	s9 =	sadd.s32 s21, s9;
	v41 =	vmov s18;
	s31 =	sshra.s32 s20, $0xA;
	v8 =	vsel vm9, s4, v8  }
0x139: {  	v11 =	vsel vm1, s22, v11;
	s21 =	sshra.s32 s25, $0x1F;
	s25 =	sshrl.u32 s20, $0x1F;
	v10 =	vnsel vm3, $0x0, v41;
	s20 =	sshra.s32 s20, $0x1F;
	v8 =	vsel vm0, s31, v8  }
0x13a: {  	v11 =	vsel vm2, s30, v11;
	s30 =	sshra.s32 s5, $0xA;
	v10 =	vsel vm0, s25, v10;
	s25 =	sshra.s32 s28, $0x1F;
	s28 =	sshra.s32 s26, $0xA;
	v8 =	vsel vm10, s20, v8  }
0x13b: {  	s5 =	sshra.s32 s2, $0xA;
	s17 =	smul.u32 $0x14F8B589, s21;
	s31 =	sshra.s32 s26, $0x1F;
	v8 =	vsel vm1, s28, v8  }
0x13c: {  	v43 =	vmov s3;
	s21 =	sshrl.u32 s26, $0x1F;
	s18 =	smul.u32 $0x14F8B589, s29;
	s20 =	sshra.s32 s9, $0xA;
	v8 =	vsel vm11, s31, v8  }
0x13d: {  	v9 =	vcombine.low v11, v9;
	v11 =	vsel vm0, s0, v43;
	s23 =	sshra.s32 s9, $0x1F;
	s17 =	sadd.s32 s17, s19;
	s29 =	smul.u32 $0x14F8B589, s25;
	v8 =	vsel vm2, s20, v8  }
0x13e: {  	s14 =	sshrl.u32 s9, $0x1F;
	v11 =	vsel vm1, s1, v11;
	s12 =	sadd.s32 s18, s12;
	s26 =	sshra.s32 s17, $0xA;
	v8 =	vsel vm12, s23, v8  }
0x13f: {  	v11 =	vsel vm2, s5, v11;
	v10 =	vsel vm1, s21, v10;
	s22 =	sadd.s32 s29, s15;
	s29 =	sshra.s32 s17, $0x1F;
	s28 =	sshra.s32 s10, $0xA;
	v8 =	vsel vm4, s26, v8  }
0x140: {  	v10 =	vsel vm2, s14, v10;
	s14 =	sshrl.u32 s17, $0x1F;
	v44 =	vmov s28;
	s31 =	sshra.s32 s12, $0xA;
	v8 =	vsel vm13, s29, v8  }
0x141: {  	s3 =	sshra.s32 s11, $0xA;
	s21 =	sshrl.u32 s12, $0x1F;
	s4 =	sshra.s32 s12, $0x1F;
	v10 =	vsel vm4, s14, v10;
	v12 =	vsel vm0, s30, v44;
	v8 =	vsel vm5, s31, v8  }
0x142: {  	s6 =	sshra.s32 s6, $0xA;
	v10 =	vsel vm5, s21, v10;
	s25 =	sshrl.u32 s22, $0x1F;
	s9 =	sshra.s32 s22, $0xA;
	v12 =	vsel vm1, s3, v12;
	v8 =	vsel vm14, s4, v8  }
0x143: {  	s10 =	sshrl.u32 s7, $0x1F;
	s11 =	sshra.s32 s22, $0x1F;
	v10 =	vsel vm6, s25, v10;
	v12 =	vsel vm2, s6, v12;
	v8 =	vsel vm6, s9, v8  }
0x144: {  	s12 =	sshra.s32 s7, $0xA;
	v10 =	vsel vm7, s10, v10;
	v11 =	vcombine.low v12, v11;
	v8 =	vsel vm15, s11, v8  }
0x145: {  	v9 =	vperm.xlane v9, v6;
	v10 =	vperm.xlane v10, v7;
	v8 =	vsel vm7, s12, v8  }
0x146: {  	v11 =	vperm.xlane v11, v6;
	v8 =	vperm.xlane v8, v7;
	_ =	sdelay $0x1  }
0x147: {  	v9 =	vsel vm8, v10, v9;
	v8 =	vsel vm8, v8, v11  }
0x148: {  	s0 =	sadd.s32 $0xFFFFE000, s8;
	v8 =	vadd.s32 v9, v8  }
0x149: {  	v45 =	vadd.s32 s0, v0;
	v8 =	vshll.u32 v8, $0x3  }
0x14a: {  	v8 =	vadd.s32 v8, v45  }
0x14b: {  	s13 =	rddreg [dreg:$0x8];
	[tilespmem:s24+$0x0] =	vst v8  }
0x14c: {  	v8 =	vld [tilespmem:s13+$0x10];
	_ =	sdelay $0x4  }
0x14d: {  	(v2sf) =	vpush v8, $0xD;
	_ =	sdelay $0x1  }
0x14e: {  	(v2sf) =	vpush v8, $0xC;
	_ =	sdelay $0x1  }
0x14f: {  	(v2sf) =	vpush v8, $0xE;
	_ =	sdelay $0x1  }
0x150: {  	(v2sf) =	vpush v8, $0xF;
	_ =	sdelay $0x1  }
0x151: {  	(v2sf) =	vpush v8, $0x9;
	_ =	sdelay $0x1  }
0x152: {  	(v2sf) =	vpush v8, $0x8;
	_ =	sdelay $0x1  }
0x153: {  	(v2sf) =	vpush v8, $0xA;
	_ =	sdelay $0x1  }
0x154: {  	(v2sf) =	vpush v8, $0xB  }
0x155: {  	s14 =	spop (v2sf)  }
0x156: {  	(v2sf) =	vpush v8, $0x0;
	s15 =	smulhi.u32 $0x14F8B589, s14;
	s1 =	sshra.s32 s14, $0x1F  }
0x157: {  	s17 =	spop (v2sf);
	s1 =	smul.u32 $0x14F8B589, s1  }
0x158: {  	(v2sf) =	vpush v8, $0x1;
	s18 =	smulhi.u32 $0x14F8B589, s17;
	s3 =	sshra.s32 s17, $0x1F  }
0x159: {  	(v2sf) =	vpush v8, $0x2;
	s19 =	spop (v2sf);
	s3 =	smul.u32 $0x14F8B589, s3  }
0x15a: {  	(v2sf) =	vpush v8, $0x3;
	s20 =	smulhi.u32 $0x14F8B589, s19;
	s5 =	sshra.s32 s19, $0x1F  }
0x15b: {  	(v2sf) =	vpush v8, $0x4;
	s22 =	spop (v2sf);
	s21 =	smul.u32 $0x14F8B589, s5  }
0x15c: {  	(v2sf) =	vpush v8, $0x5;
	s23 =	smulhi.u32 $0x14F8B589, s22;
	s5 =	sshra.s32 s22, $0x1F  }
0x15d: {  	(v2sf) =	vpush v8, $0x6;
	s11 =	spop (v2sf);
	s31 =	smul.u32 $0x14F8B589, s5  }
0x15e: {  	(v2sf) =	vpush v8, $0x7;
	s12 =	smulhi.u32 $0x14F8B589, s11;
	s5 =	sshra.s32 s11, $0x1F  }
0x15f: {  	s25 =	spop (v2sf);
	s22 =	smul.u32 $0x14F8B589, s5  }
0x160: {  	s1 =	sadd.s32 s1, s15;
	s14 =	smulhi.u32 $0x14F8B589, s25;
	s2 =	sshra.s32 s25, $0x1F  }
0x161: {  	s13 =	sshrl.u32 s1, $0x1F;
	s26 =	spop (v2sf);
	s4 =	smul.u32 $0x14F8B589, s2  }
0x162: {  	s1 =	sshra.s32 s1, $0xA;
	s17 =	smulhi.u32 $0x14F8B589, s26;
	s28 =	sshra.s32 s26, $0x1F  }
0x163: {  	s5 =	sadd.s32 s3, s18;
	s29 =	spop (v2sf);
	s7 =	smul.u32 $0x14F8B589, s28  }
0x164: {  	s15 =	sshrl.u32 s5, $0x1F;
	s19 =	smulhi.u32 $0x14F8B589, s29;
	s30 =	sshra.s32 s29, $0x1F  }
0x165: {  	s3 =	sadd.s32 s31, s23;
	s23 =	spop (v2sf);
	s31 =	smul.u32 $0x14F8B589, s30  }
0x166: {  	s2 =	sadd.s32 s21, s20;
	s21 =	smulhi.u32 $0x14F8B589, s23;
	s25 =	sshra.s32 s23, $0x1F  }
0x167: {  	s6 =	sadd.s32 s22, s12;
	s26 =	spop (v2sf);
	s11 =	smul.u32 $0x14F8B589, s25  }
0x168: {  	s22 =	smulhi.u32 $0x14F8B589, s26;
	s10 =	sshra.s32 s26, $0x1F;
	s28 =	spop (v2sf)  }
0x169: {  	s12 =	sadd.s32 s4, s14;
	s4 =	smul.u32 $0x14F8B589, s10;
	s29 =	spop (v2sf)  }
0x16a: {  	s14 =	smulhi.u32 $0x14F8B589, s28;
	s23 =	sshra.s32 s28, $0x1F;
	s25 =	spop (v2sf)  }
0x16b: {  	s7 =	sadd.s32 s7, s17;
	s17 =	smul.u32 $0x14F8B589, s23;
	s23 =	spop (v2sf)  }
0x16c: {  	s26 =	smulhi.u32 $0x14F8B589, s29;
	s30 =	sshra.s32 s29, $0x1F;
	s29 =	spop (v2sf)  }
0x16d: {  	s10 =	sadd.s32 s31, s19;
	s31 =	smul.u32 $0x14F8B589, s30;
	s28 =	spop (v2sf)  }
0x16e: {  	s5 =	sshra.s32 s5, $0xA;
	s30 =	smulhi.u32 $0x14F8B589, s28;
	s19 =	sshra.s32 s28, $0x1F  }
0x16f: {  	s18 =	sshrl.u32 s2, $0x1F;
	s20 =	sshrl.u32 s3, $0x1F;
	s19 =	smul.u32 $0x14F8B589, s19  }
0x170: {  	v46 =	vmov s15;
	s21 =	sadd.s32 s11, s21;
	s4 =	sadd.s32 s4, s22;
	s22 =	sshrl.u32 s12, $0x1F  }
0x171: {  	v9 =	vsel vm0, s13, v46;
	s15 =	sshra.s32 s21, $0x1F;
	s14 =	sadd.s32 s17, s14;
	s11 =	sadd.s32 s19, s30  }
0x172: {  	v9 =	vsel vm1, s18, v9;
	s13 =	smulhi.u32 $0x14F8B589, s23;
	s9 =	sadd.s32 s31, s26;
	s31 =	sshra.s32 s11, $0x1F  }
0x173: {  	v9 =	vsel vm2, s20, v9;
	s17 =	sshrl.u32 s7, $0x1F;
	s20 =	smulhi.u32 $0x14F8B589, s29;
	v8 =	vmov s31;
	s31 =	sshra.s32 s21, $0xA  }
0x174: {  	s19 =	smulhi.u32 $0x14F8B589, s25;
	s25 =	sshra.s32 s25, $0x1F;
	s30 =	sshrl.u32 s21, $0x1F;
	v8 =	vsel vm3, s31, v8  }
0x175: {  	s28 =	sshrl.u32 s6, $0x1F;
	s25 =	smul.u32 $0x14F8B589, s25;
	v47 =	vmov s30;
	s30 =	sshra.s32 s4, $0xA;
	v8 =	vsel vm9, s15, v8  }
0x176: {  	s21 =	sshrl.u32 s4, $0x1F;
	v10 =	vnsel vm3, $0x0, v47;
	s4 =	sshra.s32 s4, $0x1F;
	s31 =	sshrl.u32 s14, $0x1F;
	v8 =	vsel vm0, s30, v8  }
0x177: {  	v48 =	vmov s22;
	v10 =	vsel vm0, s21, v10;
	s15 =	sshra.s32 s23, $0x1F;
	s23 =	sshra.s32 s29, $0x1F;
	s29 =	sshra.s32 s14, $0xA;
	v8 =	vsel vm10, s4, v8  }
0x178: {  	s26 =	sshrl.u32 s10, $0x1F;
	s18 =	sshrl.u32 s9, $0x1F;
	v11 =	vsel vm0, s28, v48;
	v10 =	vsel vm1, s31, v10;
	s30 =	sshra.s32 s14, $0x1F;
	v8 =	vsel vm1, s29, v8  }
0x179: {  	v11 =	vsel vm1, s17, v11;
	s17 =	sshra.s32 s3, $0xA;
	s19 =	sadd.s32 s25, s19;
	v10 =	vsel vm2, s18, v10;
	s18 =	sshra.s32 s9, $0xA;
	v8 =	vsel vm11, s30, v8  }
0x17a: {  	v11 =	vsel vm2, s26, v11;
	s25 =	sshra.s32 s9, $0x1F;
	s31 =	sshrl.u32 s19, $0x1F;
	s15 =	smul.u32 $0x14F8B589, s15;
	v8 =	vsel vm2, s18, v8  }
0x17b: {  	v49 =	vmov s5;
	v9 =	vcombine.low v11, v9;
	s28 =	sshra.s32 s19, $0xA;
	s21 =	smul.u32 $0x14F8B589, s23;
	s9 =	sshra.s32 s2, $0xA;
	v8 =	vsel vm12, s25, v8  }
0x17c: {  	v11 =	vsel vm0, s1, v49;
	v10 =	vsel vm4, s31, v10;
	s13 =	sadd.s32 s15, s13;
	s29 =	sshra.s32 s12, $0xA;
	s30 =	sshra.s32 s19, $0x1F;
	v8 =	vsel vm4, s28, v8  }
0x17d: {  	s31 =	sshra.s32 s6, $0xA;
	v11 =	vsel vm1, s9, v11;
	s23 =	sadd.s32 s21, s20;
	v50 =	vmov s29;
	s6 =	sshra.s32 s13, $0xA;
	v8 =	vsel vm13, s30, v8  }
0x17e: {  	s12 =	sshra.s32 s7, $0xA;
	v11 =	vsel vm2, s17, v11;
	s22 =	sshrl.u32 s13, $0x1F;
	s14 =	sshra.s32 s13, $0x1F;
	v12 =	vsel vm0, s31, v50;
	v8 =	vsel vm5, s6, v8  }
0x17f: {  	s26 =	sshrl.u32 s23, $0x1F;
	s19 =	sshra.s32 s23, $0xA;
	v10 =	vsel vm5, s22, v10;
	s18 =	sshra.s32 s10, $0xA;
	v12 =	vsel vm1, s12, v12;
	v8 =	vsel vm14, s14, v8  }
0x180: {  	s20 =	sshrl.u32 s11, $0x1F;
	s21 =	sshra.s32 s23, $0x1F;
	v10 =	vsel vm6, s26, v10;
	v12 =	vsel vm2, s18, v12;
	v8 =	vsel vm6, s19, v8  }
0x181: {  	s22 =	sshra.s32 s11, $0xA;
	v10 =	vsel vm7, s20, v10;
	v11 =	vcombine.low v12, v11;
	v8 =	vsel vm15, s21, v8  }
0x182: {  	v9 =	vperm.xlane v9, v6;
	v10 =	vperm.xlane v10, v7;
	v8 =	vsel vm7, s22, v8  }
0x183: {  	v11 =	vperm.xlane v11, v6;
	v8 =	vperm.xlane v8, v7;
	_ =	sdelay $0x1  }
0x184: {  	v9 =	vsel vm8, v10, v9;
	v8 =	vsel vm8, v8, v11  }
0x185: {  	v8 =	vadd.s32 v9, v8  }
0x186: {  	v51 =	vadd.s32 s0, v1;
	v8 =	vshll.u32 v8, $0x3  }
0x187: {  	v8 =	vadd.s32 v8, v51  }
0x188: {  	s23 =	rddreg [dreg:$0x8];
	[tilespmem:s24+$0x10] =	vst v8  }
0x189: {  	v8 =	vld [tilespmem:s23+$0x20];
	_ =	sdelay $0x4  }
0x18a: {  	(v2sf) =	vpush v8, $0xD;
	_ =	sdelay $0x1  }
0x18b: {  	(v2sf) =	vpush v8, $0xC;
	_ =	sdelay $0x1  }
0x18c: {  	(v2sf) =	vpush v8, $0xE;
	_ =	sdelay $0x1  }
0x18d: {  	(v2sf) =	vpush v8, $0xF;
	_ =	sdelay $0x1  }
0x18e: {  	(v2sf) =	vpush v8, $0x9;
	_ =	sdelay $0x1  }
0x18f: {  	(v2sf) =	vpush v8, $0x8;
	_ =	sdelay $0x1  }
0x190: {  	(v2sf) =	vpush v8, $0xA;
	_ =	sdelay $0x1  }
0x191: {  	(v2sf) =	vpush v8, $0xB  }
0x192: {  	s25 =	spop (v2sf)  }
0x193: {  	(v2sf) =	vpush v8, $0x0;
	s26 =	smulhi.u32 $0x14F8B589, s25;
	s0 =	sshra.s32 s25, $0x1F  }
0x194: {  	s28 =	spop (v2sf);
	s0 =	smul.u32 $0x14F8B589, s0  }
0x195: {  	(v2sf) =	vpush v8, $0x1;
	s29 =	smulhi.u32 $0x14F8B589, s28;
	s2 =	sshra.s32 s28, $0x1F  }
0x196: {  	(v2sf) =	vpush v8, $0x2;
	s30 =	spop (v2sf);
	s2 =	smul.u32 $0x14F8B589, s2  }
0x197: {  	(v2sf) =	vpush v8, $0x3;
	s31 =	smulhi.u32 $0x14F8B589, s30;
	s4 =	sshra.s32 s30, $0x1F  }
0x198: {  	(v2sf) =	vpush v8, $0x4;
	s7 =	spop (v2sf);
	s4 =	smul.u32 $0x14F8B589, s4  }
0x199: {  	(v2sf) =	vpush v8, $0x5;
	s9 =	smulhi.u32 $0x14F8B589, s7;
	s10 =	sshra.s32 s7, $0x1F  }
0x19a: {  	(v2sf) =	vpush v8, $0x6;
	s11 =	spop (v2sf);
	s6 =	smul.u32 $0x14F8B589, s10  }
0x19b: {  	(v2sf) =	vpush v8, $0x7;
	s13 =	smulhi.u32 $0x14F8B589, s11;
	s1 =	sshra.s32 s11, $0x1F  }
0x19c: {  	s0 =	sadd.s32 s0, s26;
	s19 =	spop (v2sf);
	s18 =	smul.u32 $0x14F8B589, s1  }
0x19d: {  	s3 =	sadd.s32 s2, s29;
	s20 =	smulhi.u32 $0x14F8B589, s19;
	s2 =	sshra.s32 s19, $0x1F  }
0x19e: {  	s12 =	sshrl.u32 s0, $0x1F;
	s22 =	spop (v2sf);
	s21 =	smul.u32 $0x14F8B589, s2  }
0x19f: {  	s2 =	sadd.s32 s6, s9;
	s6 =	smulhi.u32 $0x14F8B589, s22;
	s5 =	sshra.s32 s22, $0x1F  }
0x1a0: {  	s0 =	sshra.s32 s0, $0xA;
	s23 =	spop (v2sf);
	s7 =	smul.u32 $0x14F8B589, s5  }
0x1a1: {  	s17 =	sshrl.u32 s3, $0x1F;
	s9 =	smulhi.u32 $0x14F8B589, s23;
	s25 =	sshra.s32 s23, $0x1F  }
0x1a2: {  	s5 =	sadd.s32 s18, s13;
	s26 =	spop (v2sf);
	s18 =	smul.u32 $0x14F8B589, s25  }
0x1a3: {  	s1 =	sadd.s32 s4, s31;
	s19 =	smulhi.u32 $0x14F8B589, s26;
	s28 =	sshra.s32 s26, $0x1F  }
0x1a4: {  	s29 =	spop (v2sf);
	s10 =	sadd.s32 s21, s20;
	s4 =	smul.u32 $0x14F8B589, s28  }
0x1a5: {  	s20 =	smulhi.u32 $0x14F8B589, s29;
	s21 =	sshra.s32 s29, $0x1F;
	s30 =	spop (v2sf)  }
0x1a6: {  	s3 =	sshra.s32 s3, $0xA;
	s21 =	smul.u32 $0x14F8B589, s21;
	s22 =	spop (v2sf)  }
0x1a7: {  	s26 =	smulhi.u32 $0x14F8B589, s30;
	s31 =	sshra.s32 s30, $0x1F;
	s25 =	spop (v2sf)  }
0x1a8: {  	s11 =	sadd.s32 s7, s6;
	s7 =	smul.u32 $0x14F8B589, s31;
	s29 =	spop (v2sf)  }
0x1a9: {  	s6 =	sadd.s32 s18, s9;
	s9 =	smulhi.u32 $0x14F8B589, s22;
	s28 =	spop (v2sf)  }
0x1aa: {  	s4 =	sadd.s32 s4, s19;
	s19 =	smulhi.u32 $0x14F8B589, s25;
	s30 =	spop (v2sf)  }
0x1ab: {  	s14 =	sshrl.u32 s1, $0x1F;
	s31 =	smulhi.u32 $0x14F8B589, s30;
	s18 =	sshra.s32 s30, $0x1F  }
0x1ac: {  	v52 =	vmov s17;
	s15 =	sshrl.u32 s2, $0x1F;
	s13 =	sshrl.u32 s5, $0x1F;
	s18 =	smul.u32 $0x14F8B589, s18  }
0x1ad: {  	v9 =	vsel vm0, s12, v52;
	s23 =	sshrl.u32 s10, $0x1F;
	s12 =	smulhi.u32 $0x14F8B589, s29;
	s29 =	sshra.s32 s29, $0x1F  }
0x1ae: {  	v9 =	vsel vm1, s14, v9;
	s26 =	sadd.s32 s7, s26;
	s14 =	smul.u32 $0x14F8B589, s29;
	s7 =	sadd.s32 s18, s31  }
0x1af: {  	v9 =	vsel vm2, s15, v9;
	s15 =	smulhi.u32 $0x14F8B589, s28;
	s30 =	sshra.s32 s22, $0x1F;
	s31 =	sshra.s32 s7, $0x1F  }
0x1b0: {  	s20 =	sadd.s32 s21, s20;
	s21 =	smul.u32 $0x14F8B589, s30;
	v8 =	vmov s31;
	s31 =	sshra.s32 s4, $0xA  }
0x1b1: {  	s29 =	sshra.s32 s28, $0x1F;
	s18 =	sshrl.u32 s4, $0x1F;
	s4 =	sshra.s32 s4, $0x1F;
	v8 =	vsel vm3, s31, v8  }
0x1b2: {  	s22 =	sshrl.u32 s11, $0x1F;
	s9 =	sadd.s32 s21, s9;
	s31 =	sshra.s32 s20, $0xA;
	v8 =	vsel vm9, s4, v8  }
0x1b3: {  	v54 =	vmov s23;
	s21 =	sshra.s32 s25, $0x1F;
	s25 =	sshrl.u32 s20, $0x1F;
	v53 =	vmov s18;
	s20 =	sshra.s32 s20, $0x1F;
	v8 =	vsel vm0, s31, v8  }
0x1b4: {  	v11 =	vsel vm0, s13, v54;
	s23 =	smul.u32 $0x14F8B589, s29;
	s30 =	sshrl.u32 s6, $0x1F;
	v10 =	vnsel vm3, $0x0, v53;
	s31 =	sshra.s32 s26, $0xA;
	v8 =	vsel vm10, s20, v8  }
0x1b5: {  	s12 =	sadd.s32 s14, s12;
	v11 =	vsel vm1, s22, v11;
	s17 =	smul.u32 $0x14F8B589, s21;
	v10 =	vsel vm0, s25, v10;
	s25 =	sshra.s32 s26, $0x1F;
	v8 =	vsel vm1, s31, v8  }
0x1b6: {  	s14 =	sadd.s32 s23, s15;
	v11 =	vsel vm2, s30, v11;
	s15 =	sshra.s32 s10, $0xA;
	s28 =	sshra.s32 s9, $0xA;
	v8 =	vsel vm11, s25, v8  }
0x1b7: {  	v55 =	vmov s3;
	v9 =	vcombine.low v11, v9;
	s17 =	sadd.s32 s17, s19;
	s4 =	sshrl.u32 s9, $0x1F;
	s9 =	sshra.s32 s9, $0x1F;
	v8 =	vsel vm2, s28, v8  }
0x1b8: {  	v56 =	vmov s15;
	v11 =	vsel vm0, s0, v55;
	s21 =	sshrl.u32 s26, $0x1F;
	s19 =	sshra.s32 s5, $0xA;
	s13 =	sshra.s32 s17, $0xA;
	v8 =	vsel vm12, s9, v8  }
0x1b9: {  	v10 =	vsel vm1, s21, v10;
	s18 =	sshra.s32 s17, $0x1F;
	s21 =	sshra.s32 s1, $0xA;
	v12 =	vsel vm0, s19, v56;
	v8 =	vsel vm4, s13, v8  }
0x1ba: {  	s22 =	sshra.s32 s11, $0xA;
	v10 =	vsel vm2, s4, v10;
	s26 =	sshrl.u32 s17, $0x1F;
	v11 =	vsel vm1, s21, v11;
	s20 =	sshra.s32 s12, $0xA;
	v8 =	vsel vm13, s18, v8  }
0x1bb: {  	s29 =	sshrl.u32 s12, $0x1F;
	s23 =	sshra.s32 s12, $0x1F;
	v12 =	vsel vm1, s22, v12;
	v10 =	vsel vm4, s26, v10;
	s26 =	sshra.s32 s6, $0xA;
	v8 =	vsel vm5, s20, v8  }
0x1bc: {  	v10 =	vsel vm5, s29, v10;
	s31 =	sshrl.u32 s14, $0x1F;
	v12 =	vsel vm2, s26, v12;
	s25 =	sshra.s32 s2, $0xA;
	s28 =	sshra.s32 s14, $0xA;
	v8 =	vsel vm14, s23, v8  }
0x1bd: {  	s30 =	sshra.s32 s14, $0x1F;
	s29 =	sshrl.u32 s7, $0x1F;
	v10 =	vsel vm6, s31, v10;
	v11 =	vsel vm2, s25, v11;
	v8 =	vsel vm6, s28, v8  }
0x1be: {  	s31 =	sshra.s32 s7, $0xA;
	v10 =	vsel vm7, s29, v10;
	v11 =	vcombine.low v12, v11;
	v8 =	vsel vm15, s30, v8  }
0x1bf: {  	v9 =	vperm.xlane v9, v6;
	v10 =	vperm.xlane v10, v7;
	v8 =	vsel vm7, s31, v8  }
0x1c0: {  	v11 =	vperm.xlane v11, v6;
	v8 =	vperm.xlane v8, v7;
	_ =	sdelay $0x1  }
0x1c1: {  	v9 =	vsel vm8, v10, v9;
	v8 =	vsel vm8, v8, v11  }
0x1c2: {  	v8 =	vadd.s32 v9, v8  }
0x1c3: {  	v57 =	vadd.s32 s8, v0;
	v8 =	vshll.u32 v8, $0x3  }
0x1c4: {  	v8 =	vadd.s32 v8, v57  }
0x1c5: {  	s1 =	rddreg [dreg:$0x8];
	[tilespmem:s24+$0x20] =	vst v8  }
0x1c6: {  	v8 =	vld [tilespmem:s1+$0x30];
	_ =	sdelay $0x4  }
0x1c7: {  	(v2sf) =	vpush v8, $0xD;
	_ =	sdelay $0x1  }
0x1c8: {  	(v2sf) =	vpush v8, $0xC;
	_ =	sdelay $0x1  }
0x1c9: {  	(v2sf) =	vpush v8, $0xE;
	_ =	sdelay $0x1  }
0x1ca: {  	(v2sf) =	vpush v8, $0xF;
	_ =	sdelay $0x1  }
0x1cb: {  	(v2sf) =	vpush v8, $0x9;
	_ =	sdelay $0x1  }
0x1cc: {  	(v2sf) =	vpush v8, $0x8;
	_ =	sdelay $0x1  }
0x1cd: {  	(v2sf) =	vpush v8, $0xA;
	_ =	sdelay $0x1  }
0x1ce: {  	(v2sf) =	vpush v8, $0xB  }
0x1cf: {  	s2 =	spop (v2sf)  }
0x1d0: {  	(v2sf) =	vpush v8, $0x0;
	s3 =	smulhi.u32 $0x14F8B589, s2;
	s0 =	sshra.s32 s2, $0x1F  }
0x1d1: {  	(v2sf) =	vpush v8, $0x1;
	s13 =	spop (v2sf);
	s0 =	smul.u32 $0x14F8B589, s0  }
0x1d2: {  	(v2sf) =	vpush v8, $0x2;
	s14 =	smulhi.u32 $0x14F8B589, s13;
	s2 =	sshra.s32 s13, $0x1F  }
0x1d3: {  	s22 =	spop (v2sf);
	s2 =	smul.u32 $0x14F8B589, s2  }
0x1d4: {  	(v2sf) =	vpush v8, $0x3;
	s6 =	smulhi.u32 $0x14F8B589, s22;
	s4 =	sshra.s32 s22, $0x1F  }
0x1d5: {  	(v2sf) =	vpush v8, $0x4;
	s23 =	spop (v2sf);
	s4 =	smul.u32 $0x14F8B589, s4  }
0x1d6: {  	(v2sf) =	vpush v8, $0x5;
	s10 =	smulhi.u32 $0x14F8B589, s23;
	s5 =	sshra.s32 s23, $0x1F  }
0x1d7: {  	(v2sf) =	vpush v8, $0x6;
	s25 =	spop (v2sf);
	s5 =	smul.u32 $0x14F8B589, s5  }
0x1d8: {  	(v2sf) =	vpush v8, $0x7;
	s13 =	smulhi.u32 $0x14F8B589, s25;
	s7 =	sshra.s32 s25, $0x1F  }
0x1d9: {  	s26 =	spop (v2sf);
	s7 =	smul.u32 $0x14F8B589, s7  }
0x1da: {  	s1 =	sadd.s32 s0, s3;
	s17 =	smulhi.u32 $0x14F8B589, s26;
	s9 =	sshra.s32 s26, $0x1F  }
0x1db: {  	s3 =	sadd.s32 s2, s14;
	s28 =	spop (v2sf);
	s9 =	smul.u32 $0x14F8B589, s9  }
0x1dc: {  	s14 =	sshrl.u32 s1, $0x1F;
	s20 =	smulhi.u32 $0x14F8B589, s28;
	s11 =	sshra.s32 s28, $0x1F  }
0x1dd: {  	s1 =	sshra.s32 s1, $0xA;
	s29 =	spop (v2sf);
	s22 =	smul.u32 $0x14F8B589, s11  }
0x1de: {  	s0 =	sadd.s32 s5, s10;
	s25 =	smulhi.u32 $0x14F8B589, s29;
	s31 =	sshra.s32 s29, $0x1F  }
0x1df: {  	s30 =	spop (v2sf);
	s29 =	sshrl.u32 s3, $0x1F;
	s26 =	smul.u32 $0x14F8B589, s31  }
0x1e0: {  	s15 =	spop (v2sf);
	s28 =	smulhi.u32 $0x14F8B589, s30;
	s2 =	sshra.s32 s30, $0x1F  }
0x1e1: {  	s10 =	sadd.s32 s7, s13;
	s18 =	spop (v2sf);
	s30 =	smul.u32 $0x14F8B589, s2  }
0x1e2: {  	s2 =	sadd.s32 s4, s6;
	s4 =	smulhi.u32 $0x14F8B589, s15;
	s11 =	sshra.s32 s15, $0x1F  }
0x1e3: {  	s6 =	sadd.s32 s22, s20;
	s19 =	spop (v2sf);
	s31 =	smul.u32 $0x14F8B589, s11  }
0x1e4: {  	s7 =	smulhi.u32 $0x14F8B589, s18;
	s18 =	sshra.s32 s18, $0x1F;
	s21 =	spop (v2sf)  }
0x1e5: {  	s11 =	sadd.s32 s9, s17;
	s9 =	smul.u32 $0x14F8B589, s18;
	s23 =	spop (v2sf)  }
0x1e6: {  	s17 =	smulhi.u32 $0x14F8B589, s19;
	s22 =	sshra.s32 s19, $0x1F;
	s12 =	spop (v2sf)  }
0x1e7: {  	s5 =	sadd.s32 s26, s25;
	s18 =	smul.u32 $0x14F8B589, s22;
	s26 =	spop (v2sf)  }
0x1e8: {  	s13 =	sshrl.u32 s0, $0x1F;
	s22 =	smulhi.u32 $0x14F8B589, s26;
	s19 =	sshra.s32 s26, $0x1F  }
0x1e9: {  	s20 =	sadd.s32 s30, s28;
	s30 =	sshra.s32 s21, $0x1F;
	s19 =	smul.u32 $0x14F8B589, s19  }
0x1ea: {  	s3 =	sshra.s32 s3, $0xA;
	s4 =	sadd.s32 s31, s4;
	s31 =	smul.u32 $0x14F8B589, s30  }
0x1eb: {  	s9 =	sadd.s32 s9, s7;
	s26 =	smulhi.u32 $0x14F8B589, s21;
	s7 =	sadd.s32 s19, s22  }
0x1ec: {  	s0 =	sshra.s32 s0, $0xA;
	s15 =	sshrl.u32 s2, $0x1F;
	s30 =	sshra.s32 s7, $0x1F  }
0x1ed: {  	v58 =	vmov s29;
	s25 =	sshrl.u32 s10, $0x1F;
	s22 =	sadd.s32 s31, s26;
	s31 =	sshra.s32 s20, $0xA;
	v8 =	vmov s30  }
0x1ee: {  	v9 =	vsel vm0, s14, v58;
	s14 =	smulhi.u32 $0x14F8B589, s23;
	s30 =	sshrl.u32 s20, $0x1F;
	s20 =	sshra.s32 s20, $0x1F;
	v8 =	vsel vm3, s31, v8  }
0x1ef: {  	s28 =	sshra.s32 s4, $0xA;
	s17 =	sadd.s32 s18, s17;
	s29 =	sshrl.u32 s9, $0x1F;
	v59 =	vmov s30;
	v8 =	vsel vm9, s20, v8  }
0x1f0: {  	v61 =	vmov s3;
	s21 =	sshrl.u32 s11, $0x1F;
	s31 =	sshrl.u32 s4, $0x1F;
	s4 =	sshra.s32 s4, $0x1F;
	v10 =	vnsel vm3, $0x0, v59;
	v8 =	vsel vm0, s28, v8  }
0x1f1: {  	s18 =	sshra.s32 s9, $0xA;
	v60 =	vmov s21;
	v10 =	vsel vm0, s31, v10;
	s31 =	smulhi.u32 $0x14F8B589, s12;
	s12 =	sshra.s32 s12, $0x1F;
	v8 =	vsel vm10, s4, v8  }
0x1f2: {  	v9 =	vsel vm1, s15, v9;
	s9 =	sshra.s32 s9, $0x1F;
	v11 =	vsel vm0, s25, v60;
	s19 =	sshrl.u32 s6, $0x1F;
	s12 =	smul.u32 $0x14F8B589, s12;
	v8 =	vsel vm1, s18, v8  }
0x1f3: {  	s23 =	sshra.s32 s23, $0x1F;
	s26 =	sshrl.u32 s5, $0x1F;
	v11 =	vsel vm1, s19, v11;
	v10 =	vsel vm1, s29, v10;
	s29 =	sshra.s32 s17, $0xA;
	v8 =	vsel vm11, s9, v8  }
0x1f4: {  	v9 =	vsel vm2, s13, v9;
	v11 =	vsel vm2, s26, v11;
	s30 =	smul.u32 $0x14F8B589, s23;
	s12 =	sadd.s32 s12, s31;
	s31 =	sshra.s32 s17, $0x1F;
	v8 =	vsel vm2, s29, v8  }
0x1f5: {  	s11 =	sshra.s32 s11, $0xA;
	s15 =	sshra.s32 s22, $0xA;
	v9 =	vcombine.low v11, v9;
	v11 =	vsel vm0, s1, v61;
	s20 =	sshra.s32 s2, $0xA;
	v8 =	vsel vm12, s31, v8  }
0x1f6: {  	v62 =	vmov s11;
	s23 =	sshrl.u32 s17, $0x1F;
	s25 =	sadd.s32 s30, s14;
	v11 =	vsel vm1, s20, v11;
	s17 =	sshra.s32 s22, $0x1F;
	v8 =	vsel vm4, s15, v8  }
0x1f7: {  	s28 =	sshrl.u32 s22, $0x1F;
	s19 =	sshra.s32 s25, $0xA;
	v11 =	vsel vm2, s0, v11;
	v10 =	vsel vm2, s23, v10;
	s18 =	sshra.s32 s10, $0xA;
	v8 =	vsel vm13, s17, v8  }
0x1f8: {  	s21 =	sshra.s32 s6, $0xA;
	s30 =	sshrl.u32 s25, $0x1F;
	v10 =	vsel vm4, s28, v10;
	v12 =	vsel vm0, s18, v62;
	s22 =	sshra.s32 s25, $0x1F;
	v8 =	vsel vm5, s19, v8  }
0x1f9: {  	s23 =	sshra.s32 s5, $0xA;
	v10 =	vsel vm5, s30, v10;
	s13 =	sshrl.u32 s12, $0x1F;
	v12 =	vsel vm1, s21, v12;
	s25 =	sshra.s32 s12, $0xA;
	v8 =	vsel vm14, s22, v8  }
0x1fa: {  	s26 =	sshrl.u32 s7, $0x1F;
	s28 =	sshra.s32 s12, $0x1F;
	v10 =	vsel vm6, s13, v10;
	v12 =	vsel vm2, s23, v12;
	v8 =	vsel vm6, s25, v8  }
0x1fb: {  	s29 =	sshra.s32 s7, $0xA;
	v11 =	vcombine.low v12, v11;
	v10 =	vsel vm7, s26, v10;
	v8 =	vsel vm15, s28, v8  }
0x1fc: {  	v9 =	vperm.xlane v9, v6;
	v10 =	vperm.xlane v10, v7;
	v8 =	vsel vm7, s29, v8  }
0x1fd: {  	v11 =	vperm.xlane v11, v6;
	v8 =	vperm.xlane v8, v7  }
0x1fe: {  	p0 =	sne.s32 s8, $0x5E000  }
.Ltmp1:
0x1ff: {  	v9 =	vsel vm8, v10, v9;
	v8 =	vsel vm8, v8, v11;
	(pc) =	sbr.rel @p0 .LBB2_4-.Ltmp1, $4  }
0x200: {  	v8 =	vadd.s32 v9, v8  }
0x201: {  	v63 =	vadd.s32 s8, v1;
	v8 =	vshll.u32 v8, $0x3  }
0x202: {  	s30 =	rddreg [dreg:$0x8];
	s31 =	smov.u32 s8;
	v8 =	vadd.s32 v8, v63  }
0x203: {  	s0 =	sadd.s32 $0x80, s30;
	s8 =	sadd.s32 $0x80, s24;
	[tilespmem:s24+$0x30] =	vst v8;
	s24 =	sadd.s32 $0x8000, s31  }
0x204: {  	v8 =	vld [tilespmem:$0x600];
	_ =	sdelay $0x4  }
0x205: {  	(v2sf) =	vpush v8, $0xD;
	_ =	sdelay $0x1  }
0x206: {  	(v2sf) =	vpush v8, $0xC;
	_ =	sdelay $0x1  }
0x207: {  	(v2sf) =	vpush v8, $0xE;
	_ =	sdelay $0x1  }
0x208: {  	(v2sf) =	vpush v8, $0xF;
	_ =	sdelay $0x1  }
0x209: {  	(v2sf) =	vpush v8, $0x9;
	_ =	sdelay $0x1  }
0x20a: {  	(v2sf) =	vpush v8, $0x8  }
0x20b: {  	(v2sf) =	vpush v8, $0xA;
	_ =	sdelay $0x2  }
0x20c: {  	(v2sf) =	vpush v8, $0xB  }
0x20d: {  	s0 =	spop (v2sf)  }
0x20e: {  	(v2sf) =	vpush v8, $0x0;
	s1 =	smulhi.u32 $0x14F8B589, s0;
	s0 =	sshra.s32 s0, $0x1F  }
0x20f: {  	s21 =	spop (v2sf);
	(v2sf) =	vpush v8, $0x1;
	s14 =	smul.u32 $0x14F8B589, s0  }
0x210: {  	s13 =	smulhi.u32 $0x14F8B589, s21;
	s0 =	sshra.s32 s21, $0x1F  }
0x211: {  	s22 =	spop (v2sf);
	(v2sf) =	vpush v8, $0x2;
	s31 =	smul.u32 $0x14F8B589, s0  }
0x212: {  	s17 =	smulhi.u32 $0x14F8B589, s22;
	s0 =	sshra.s32 s22, $0x1F  }
0x213: {  	s23 =	spop (v2sf);
	(v2sf) =	vpush v8, $0x3;
	s10 =	smul.u32 $0x14F8B589, s0  }
0x214: {  	s18 =	smulhi.u32 $0x14F8B589, s23;
	s0 =	sshra.s32 s23, $0x1F  }
0x215: {  	s24 =	spop (v2sf);
	(v2sf) =	vpush v8, $0x4;
	s15 =	smul.u32 $0x14F8B589, s0  }
0x216: {  	[smem:$0x7B6] =	sst s1;
	s20 =	smulhi.u32 $0x14F8B589, s24;
	s0 =	sshra.s32 s24, $0x1F  }
0x217: {  	s25 =	spop (v2sf);
	(v2sf) =	vpush v8, $0x5;
	s1 =	smul.u32 $0x14F8B589, s0  }
0x218: {  	s22 =	smulhi.u32 $0x14F8B589, s25;
	s0 =	sshra.s32 s25, $0x1F;
	s26 =	spop (v2sf);
	(v2sf) =	vpush v8, $0x6  }
0x219: {  	v9 =	vld [tilespmem:$0x610];
	s2 =	smul.u32 $0x14F8B589, s0  }
0x21a: {  	s23 =	smulhi.u32 $0x14F8B589, s26;
	s0 =	sshra.s32 s26, $0x1F  }
0x21b: {  	s28 =	spop (v2sf);
	s12 =	smul.u32 $0x14F8B589, s0  }
0x21c: {  	(v2sf) =	vpush v8, $0x7;
	s24 =	smulhi.u32 $0x14F8B589, s28;
	s0 =	sshra.s32 s28, $0x1F  }
0x21d: {  	s19 =	smul.u32 $0x14F8B589, s0;
	s29 =	spop (v2sf)  }
0x21e: {  	(v2sf) =	vpush v9, $0xD;
	s25 =	smulhi.u32 $0x14F8B589, s29;
	s3 =	spop (v2sf)  }
0x21f: {  	s26 =	smulhi.u32 $0x14F8B589, s3;
	s3 =	sshra.s32 s3, $0x1F  }
0x220: {  	s4 =	spop (v2sf);
	s5 =	smul.u32 $0x14F8B589, s3  }
0x221: {  	s28 =	smulhi.u32 $0x14F8B589, s4;
	s4 =	sshra.s32 s4, $0x1F  }
0x222: {  	(v2sf) =	vpush v9, $0xC;
	s30 =	spop (v2sf);
	s3 =	smul.u32 $0x14F8B589, s4  }
0x223: {  	s0 =	sshra.s32 s29, $0x1F;
	s29 =	smulhi.u32 $0x14F8B589, s30;
	s4 =	sshra.s32 s30, $0x1F  }
0x224: {  	s6 =	spop (v2sf);
	s9 =	smul.u32 $0x14F8B589, s4  }
0x225: {  	s30 =	smulhi.u32 $0x14F8B589, s6;
	s4 =	sshra.s32 s6, $0x1F  }
0x226: {  	(v2sf) =	vpush v9, $0xE;
	s7 =	spop (v2sf);
	s21 =	smul.u32 $0x14F8B589, s4  }
0x227: {  	s6 =	smulhi.u32 $0x14F8B589, s7;
	s8 =	spop (v2sf)  }
0x228: {  	s4 =	sshra.s32 s7, $0x1F;
	s7 =	smulhi.u32 $0x14F8B589, s8;
	_ =	sdelay $0x1  }
0x229: {  	(v2sf) =	vpush v9, $0xF;
	s11 =	smul.u32 $0x14F8B589, s4;
	s4 =	sshra.s32 s8, $0x1F;
	[smem:$0x7B8] =	sst s7  }
0x22a: {  	s7 =	smul.u32 $0x14F8B589, s4;
	s4 =	spop (v2sf)  }
0x22b: {  	[smem:$0x7B7] =	sst s6;
	s8 =	smulhi.u32 $0x14F8B589, s4;
	s4 =	sshra.s32 s4, $0x1F  }
0x22c: {  	s6 =	smul.u32 $0x14F8B589, s4;
	s4 =	spop (v2sf)  }
0x22d: {  	(v2sf) =	vpush v9, $0x9;
	[smem:$0x7B9] =	sst s8;
	s8 =	smulhi.u32 $0x14F8B589, s4;
	s4 =	sshra.s32 s4, $0x1F  }
0x22e: {  	s4 =	smul.u32 $0x14F8B589, s4;
	_ =	sdelay $0x1  }
0x22f: {  	[smem:$0x7BB] =	sst s4;
	s4 =	spop (v2sf)  }
0x230: {  	(v2sf) =	vpush v9, $0x8;
	[smem:$0x7BA] =	sst s8;
	s8 =	smulhi.u32 $0x14F8B589, s4;
	s4 =	sshra.s32 s4, $0x1F  }
0x231: {  	s4 =	smul.u32 $0x14F8B589, s4;
	_ =	sdelay $0x1  }
0x232: {  	[smem:$0x7BD] =	sst s4;
	s4 =	spop (v2sf)  }
0x233: {  	(v2sf) =	vpush v9, $0xA;
	[smem:$0x7BC] =	sst s8;
	s8 =	smulhi.u32 $0x14F8B589, s4;
	s4 =	sshra.s32 s4, $0x1F  }
0x234: {  	s4 =	smul.u32 $0x14F8B589, s4;
	_ =	sdelay $0x1  }
0x235: {  	[smem:$0x7BF] =	sst s4;
	s4 =	spop (v2sf)  }
0x236: {  	(v2sf) =	vpush v9, $0xB;
	[smem:$0x7BE] =	sst s8;
	s8 =	smulhi.u32 $0x14F8B589, s4;
	s4 =	sshra.s32 s4, $0x1F  }
0x237: {  	s4 =	smul.u32 $0x14F8B589, s4;
	_ =	sdelay $0x1  }
0x238: {  	[smem:$0x7C1] =	sst s4;
	s4 =	spop (v2sf)  }
0x239: {  	(v2sf) =	vpush v9, $0x0;
	[smem:$0x7C0] =	sst s8;
	s8 =	smulhi.u32 $0x14F8B589, s4;
	s4 =	sshra.s32 s4, $0x1F  }
0x23a: {  	s4 =	smul.u32 $0x14F8B589, s4;
	_ =	sdelay $0x1  }
0x23b: {  	[smem:$0x7C3] =	sst s4;
	s4 =	spop (v2sf)  }
0x23c: {  	(v2sf) =	vpush v9, $0x1;
	[smem:$0x7C2] =	sst s8;
	s8 =	smulhi.u32 $0x14F8B589, s4;
	s4 =	sshra.s32 s4, $0x1F  }
0x23d: {  	s4 =	smul.u32 $0x14F8B589, s4;
	_ =	sdelay $0x1  }
0x23e: {  	[smem:$0x7C5] =	sst s4;
	s4 =	spop (v2sf)  }
0x23f: {  	(v2sf) =	vpush v9, $0x2;
	[smem:$0x7C4] =	sst s8;
	s8 =	smulhi.u32 $0x14F8B589, s4;
	s4 =	sshra.s32 s4, $0x1F  }
0x240: {  	s4 =	smul.u32 $0x14F8B589, s4;
	_ =	sdelay $0x1  }
0x241: {  	[smem:$0x7C7] =	sst s4;
	s4 =	spop (v2sf)  }
0x242: {  	(v2sf) =	vpush v9, $0x3;
	[smem:$0x7C6] =	sst s8;
	s8 =	smulhi.u32 $0x14F8B589, s4;
	s4 =	sshra.s32 s4, $0x1F  }
0x243: {  	s4 =	smul.u32 $0x14F8B589, s4;
	_ =	sdelay $0x1  }
0x244: {  	[smem:$0x7C9] =	sst s4;
	s4 =	spop (v2sf)  }
0x245: {  	(v2sf) =	vpush v9, $0x4;
	[smem:$0x7C8] =	sst s8;
	s8 =	smulhi.u32 $0x14F8B589, s4;
	s4 =	sshra.s32 s4, $0x1F  }
0x246: {  	s4 =	smul.u32 $0x14F8B589, s4;
	_ =	sdelay $0x1  }
0x247: {  	[smem:$0x7CB] =	sst s4;
	s4 =	spop (v2sf)  }
0x248: {  	(v2sf) =	vpush v9, $0x5;
	[smem:$0x7CA] =	sst s8;
	s8 =	smulhi.u32 $0x14F8B589, s4;
	s4 =	sshra.s32 s4, $0x1F  }
0x249: {  	s4 =	smul.u32 $0x14F8B589, s4;
	_ =	sdelay $0x1  }
0x24a: {  	[smem:$0x7CD] =	sst s4;
	s4 =	spop (v2sf)  }
0x24b: {  	[smem:$0x7CC] =	sst s8;
	s8 =	smulhi.u32 $0x14F8B589, s4;
	s4 =	sshra.s32 s4, $0x1F  }
0x24c: {  	s4 =	smul.u32 $0x14F8B589, s4  }
0x24d: {  	(v2sf) =	vpush v9, $0x6  }
0x24e: {  	[smem:$0x7CF] =	sst s4;
	s4 =	spop (v2sf)  }
0x24f: {  	[smem:$0x7CE] =	sst s8;
	s8 =	smulhi.u32 $0x14F8B589, s4;
	s4 =	sshra.s32 s4, $0x1F  }
0x250: {  	s4 =	smul.u32 $0x14F8B589, s4;
	_ =	sdelay $0x1  }
0x251: {  	[smem:$0x7D1] =	sst s4;
	s4 =	spop (v2sf)  }
0x252: {  	[smem:$0x7D0] =	sst s8;
	s8 =	smulhi.u32 $0x14F8B589, s4;
	s4 =	sshra.s32 s4, $0x1F  }
0x253: {  	v10 =	vld [tilespmem:$0x620];
	s15 =	sadd.s32 s15, s18;
	s4 =	smul.u32 $0x14F8B589, s4  }
0x254: {  	[smem:$0x7E6] =	sst s15  }
0x255: {  	[smem:$0x7D3] =	sst s4;
	s4 =	spop (v2sf)  }
0x256: {  	s1 =	sadd.s32 s1, s20;
	(v2sf) =	vpush v9, $0x7;
	[smem:$0x7D2] =	sst s8;
	s8 =	smulhi.u32 $0x14F8B589, s4  }
0x257: {  	[smem:$0x7E7] =	sst s1  }
0x258: {  	(v2sf) =	vpush v10, $0xD;
	s4 =	sshra.s32 s4, $0x1F;
	[smem:$0x7D4] =	sst s8  }
0x259: {  	s2 =	sadd.s32 s2, s22;
	s4 =	smul.u32 $0x14F8B589, s4;
	s8 =	sld [smem:$0x7B6]  }
0x25a: {  	[smem:$0x7E8] =	sst s2;
	(v2sf) =	vpush v10, $0xC  }
0x25b: {  	[smem:$0x7D5] =	sst s4;
	s4 =	spop (v2sf)  }
0x25c: {  	s2 =	sld [smem:$0x7C7];
	s8 =	sadd.s32 s14, s8;
	s14 =	smulhi.u32 $0x14F8B589, s4  }
0x25d: {  	(v2sf) =	vpush v10, $0xE;
	[smem:$0x7E3] =	sst s8  }
0x25e: {  	[smem:$0x7D6] =	sst s14;
	s14 =	sadd.s32 s31, s13;
	s13 =	sadd.s32 s10, s17  }
0x25f: {  	s10 =	sadd.s32 s19, s24;
	s19 =	sadd.s32 s21, s30;
	s21 =	sld [smem:$0x7B7]  }
0x260: {  	s24 =	sadd.s32 s5, s26;
	s26 =	sadd.s32 s9, s29;
	s29 =	sld [smem:$0x7B9]  }
0x261: {  	s4 =	sshra.s32 s4, $0x1F;
	s5 =	sld [smem:$0x7BC]  }
0x262: {  	s4 =	smul.u32 $0x14F8B589, s4;
	s9 =	sld [smem:$0x7BE]  }
0x263: {  	(v2sf) =	vpush v10, $0xF;
	[smem:$0x7E4] =	sst s14  }
0x264: {  	[smem:$0x7D7] =	sst s4  }
0x265: {  	s31 =	spop (v2sf);
	[smem:$0x7E5] =	sst s13  }
0x266: {  	s14 =	smulhi.u32 $0x14F8B589, s31;
	[smem:$0x7EB] =	sst s10  }
0x267: {  	(v2sf) =	vpush v10, $0x9;
	s4 =	sshra.s32 s31, $0x1F;
	s17 =	spop (v2sf);
	[smem:$0x7EC] =	sst s19  }
0x268: {  	s31 =	sadd.s32 s12, s23;
	s10 =	sld [smem:$0x7BF];
	s8 =	smul.u32 $0x14F8B589, s4  }
0x269: {  	s18 =	smulhi.u32 $0x14F8B589, s17;
	s20 =	sshra.s32 s17, $0x1F;
	s22 =	spop (v2sf)  }
0x26a: {  	[smem:$0x7EA] =	sst s31;
	s1 =	smul.u32 $0x14F8B589, s20  }
0x26b: {  	[smem:$0x7D8] =	sst s14;
	s4 =	smulhi.u32 $0x14F8B589, s22  }
0x26c: {  	s12 =	spop (v2sf);
	[smem:$0x7D9] =	sst s18  }
0x26d: {  	s13 =	smulhi.u32 $0x14F8B589, s12;
	s14 =	sshra.s32 s12, $0x1F;
	s12 =	sld [smem:$0x7C1]  }
0x26e: {  	s0 =	smul.u32 $0x14F8B589, s0;
	[smem:$0x7DA] =	sst s1  }
0x26f: {  	[smem:$0x7DB] =	sst s4;
	s1 =	sshra.s32 s22, $0x1F  }
0x270: {  	s22 =	sadd.s32 s0, s25;
	s25 =	sadd.s32 s3, s28;
	s28 =	sld [smem:$0x7B8]  }
0x271: {  	(v2sf) =	vpush v10, $0x8;
	s3 =	sld [smem:$0x7BA]  }
0x272: {  	s15 =	spop (v2sf);
	s4 =	sld [smem:$0x7BB]  }
0x273: {  	s0 =	smul.u32 $0x14F8B589, s14;
	s14 =	sld [smem:$0x7C2]  }
0x274: {  	(v2sf) =	vpush v10, $0xA;
	s17 =	smulhi.u32 $0x14F8B589, s15;
	[smem:$0x7DD] =	sst s13  }
0x275: {  	[smem:$0x7DE] =	sst s0  }
0x276: {  	s18 =	spop (v2sf);
	[smem:$0x7DF] =	sst s17  }
0x277: {  	s1 =	smul.u32 $0x14F8B589, s1;
	s0 =	sshra.s32 s15, $0x1F;
	s15 =	sld [smem:$0x7C3]  }
0x278: {  	s20 =	smulhi.u32 $0x14F8B589, s18;
	s17 =	sld [smem:$0x7C4]  }
0x279: {  	[smem:$0x7DC] =	sst s1  }
0x27a: {  	(v2sf) =	vpush v10, $0xB;
	[smem:$0x7E1] =	sst s20  }
0x27b: {  	s0 =	smul.u32 $0x14F8B589, s0;
	s1 =	sadd.s32 s11, s21;
	s11 =	sld [smem:$0x7C0]  }
0x27c: {  	(v2sf) =	vpush v10, $0x0;
	[smem:$0x7ED] =	sst s1  }
0x27d: {  	s1 =	sadd.s32 s7, s28;
	[smem:$0x7E0] =	sst s0  }
0x27e: {  	[smem:$0x7EE] =	sst s1  }
0x27f: {  	s1 =	sadd.s32 s6, s29;
	s6 =	sld [smem:$0x7BD]  }
0x280: {  	(v2sf) =	vpush v10, $0x1;
	s23 =	spop (v2sf);
	s0 =	sshra.s32 s18, $0x1F;
	s18 =	sld [smem:$0x7C5]  }
0x281: {  	s31 =	smulhi.u32 $0x14F8B589, s23;
	[smem:$0x7E9] =	sst s1  }
0x282: {  	s0 =	smul.u32 $0x14F8B589, s0;
	s1 =	sadd.s32 s4, s3;
	s3 =	sld [smem:$0x7C8]  }
0x283: {  	s30 =	spop (v2sf);
	[smem:$0x7EF] =	sst s1  }
0x284: {  	s28 =	smulhi.u32 $0x14F8B589, s30;
	[smem:$0x7E2] =	sst s0  }
0x285: {  	s0 =	sshra.s32 s23, $0x1F;
	s1 =	sadd.s32 s6, s5;
	s6 =	sld [smem:$0x7CA]  }
0x286: {  	(v2sf) =	vpush v10, $0x2;
	s29 =	smul.u32 $0x14F8B589, s0;
	[smem:$0x7F0] =	sst s1  }
0x287: {  	(v2sf) =	vpush v10, $0x3;
	s0 =	sshra.s32 s30, $0x1F;
	s1 =	sadd.s32 s10, s9;
	s10 =	sld [smem:$0x7CD]  }
0x288: {  	s21 =	smul.u32 $0x14F8B589, s0;
	[smem:$0x7F1] =	sst s1;
	s1 =	sadd.s32 s12, s11  }
0x289: {  	s7 =	spop (v2sf);
	[smem:$0x7F2] =	sst s1  }
0x28a: {  	s23 =	smulhi.u32 $0x14F8B589, s7;
	s0 =	sshra.s32 s7, $0x1F;
	s1 =	sld [smem:$0x7C6]  }
0x28b: {  	s13 =	spop (v2sf);
	s7 =	sld [smem:$0x7CB];
	s31 =	sadd.s32 s29, s31  }
0x28c: {  	s20 =	smul.u32 $0x14F8B589, s0;
	s0 =	sadd.s32 s15, s14;
	[dreg:$0x18] =	wrdreg s31  }
0x28d: {  	s4 =	sshra.s32 s13, $0x1F;
	s28 =	sadd.s32 s21, s28;
	[smem:$0x7F3] =	sst s0  }
0x28e: {  	s0 =	sadd.s32 s18, s17;
	s17 =	smul.u32 $0x14F8B589, s4;
	s4 =	sld [smem:$0x7C9]  }
0x28f: {  	s30 =	spop (v2sf);
	[dreg:$0x17] =	wrdreg s28  }
0x290: {  	s9 =	sshra.s32 s30, $0x1F;
	[smem:$0x7F4] =	sst s0  }
0x291: {  	s14 =	smul.u32 $0x14F8B589, s9;
	s9 =	sld [smem:$0x7CC]  }
0x292: {  	s0 =	sadd.s32 s2, s1;
	s2 =	sld [smem:$0x7CE]  }
0x293: {  	s1 =	sadd.s32 s7, s6;
	s6 =	sld [smem:$0x7D1]  }
0x294: {  	[smem:$0x7F5] =	sst s0  }
0x295: {  	(v2sf) =	vpush v10, $0x4;
	s5 =	spop (v2sf);
	[smem:$0x7F7] =	sst s1  }
0x296: {  	s11 =	spop (v2sf);
	s0 =	sadd.s32 s4, s3;
	s3 =	sld [smem:$0x7CF]  }
0x297: {  	(v2sf) =	vpush v10, $0x5;
	s12 =	smulhi.u32 $0x14F8B589, s11;
	s4 =	sshra.s32 s11, $0x1F;
	s11 =	sld [smem:$0x7D3]  }
0x298: {  	s18 =	smulhi.u32 $0x14F8B589, s30;
	[smem:$0x7F6] =	sst s0  }
0x299: {  	(v2sf) =	vpush v10, $0x6;
	s15 =	smulhi.u32 $0x14F8B589, s5;
	s0 =	sshra.s32 s5, $0x1F;
	s5 =	sld [smem:$0x7D0]  }
0x29a: {  	s1 =	sadd.s32 s10, s9;
	s9 =	sld [smem:$0x7D2]  }
0x29b: {  	s18 =	sadd.s32 s14, s18;
	s10 =	smul.u32 $0x14F8B589, s4;
	s4 =	sld [smem:$0x7D5]  }
0x29c: {  	[dreg:$0x15] =	wrdreg s18  }
0x29d: {  	s19 =	smulhi.u32 $0x14F8B589, s13;
	[smem:$0x7F8] =	sst s1  }
0x29e: {  	s13 =	smul.u32 $0x14F8B589, s0;
	s0 =	sadd.s32 s3, s2;
	s3 =	sld [smem:$0x7D4]  }
0x29f: {  	s2 =	sld [smem:$0x7DB]  }
0x2a0: {  	[smem:$0x7FA] =	sst s0  }
0x2a1: {  	s30 =	sadd.s32 s6, s5;
	s6 =	sld [smem:$0x7D6]  }
0x2a2: {  	v11 =	vld [tilespmem:$0x630];
	s1 =	sadd.s32 s11, s9;
	s9 =	sld [smem:$0x7D7]  }
0x2a3: {  	[smem:$0x7FB] =	sst s1  }
0x2a4: {  	s7 =	spop (v2sf);
	s1 =	sadd.s32 s4, s3;
	s3 =	sld [smem:$0x7D8]  }
0x2a5: {  	(v2sf) =	vpush v10, $0x7;
	s11 =	smulhi.u32 $0x14F8B589, s7;
	s0 =	sshra.s32 s7, $0x1F;
	[dreg:$0x1f] =	wrdreg s1  }
0x2a6: {  	s5 =	spop (v2sf);
	s1 =	sadd.s32 s9, s6;
	s6 =	sld [smem:$0x7D9]  }
0x2a7: {  	(v2sf) =	vpush v11, $0xD;
	s7 =	smul.u32 $0x14F8B589, s0;
	[dreg:$0x1e] =	wrdreg s1  }
0x2a8: {  	(v2sf) =	vpush v11, $0xC;
	s4 =	spop (v2sf);
	s1 =	sadd.s32 s8, s3;
	s8 =	sld [smem:$0x7DA]  }
0x2a9: {  	s0 =	sshra.s32 s5, $0x1F;
	s9 =	smulhi.u32 $0x14F8B589, s5;
	s3 =	sld [smem:$0x7DC]  }
0x2aa: {  	s5 =	smul.u32 $0x14F8B589, s0;
	s0 =	sshra.s32 s4, $0x1F;
	[smem:$0x7F9] =	sst s1  }
0x2ab: {  	s1 =	sadd.s32 s8, s6;
	s6 =	smulhi.u32 $0x14F8B589, s4;
	s4 =	sld [smem:$0x7DD]  }
0x2ac: {  	s8 =	sld [smem:$0x7DE]  }
0x2ad: {  	[dreg:$0x1d] =	wrdreg s1  }
0x2ae: {  	(v2sf) =	vpush v11, $0xE;
	s1 =	sadd.s32 s3, s2;
	s2 =	sld [smem:$0x7DF]  }
0x2af: {  	[dreg:$0x1c] =	wrdreg s1  }
0x2b0: {  	(v2sf) =	vpush v11, $0xF;
	s7 =	sadd.s32 s7, s11;
	s1 =	sadd.s32 s8, s4;
	s8 =	sld [smem:$0x7E0]  }
0x2b1: {  	[dreg:$0x13] =	wrdreg s7  }
0x2b2: {  	(v2sf) =	vpush v11, $0x9;
	[dreg:$0x1b] =	wrdreg s1  }
0x2b3: {  	(v2sf) =	vpush v11, $0x8;
	s3 =	smul.u32 $0x14F8B589, s0;
	s1 =	sadd.s32 s8, s2;
	s8 =	sld [smem:$0x7E2]  }
0x2b4: {  	s0 =	spop (v2sf);
	[dreg:$0x1a] =	wrdreg s1  }
0x2b5: {  	s4 =	smulhi.u32 $0x14F8B589, s0;
	s0 =	sshra.s32 s0, $0x1F;
	s1 =	sld [smem:$0x7E1]  }
0x2b6: {  	s9 =	sadd.s32 s5, s9;
	s2 =	smul.u32 $0x14F8B589, s0;
	s0 =	spop (v2sf)  }
0x2b7: {  	[dreg:$0x12] =	wrdreg s9;
	s29 =	spop (v2sf)  }
0x2b8: {  	s9 =	sld [smem:$0x7E4];
	s21 =	smulhi.u32 $0x14F8B589, s29;
	s1 =	sadd.s32 s8, s1  }
0x2b9: {  	[dreg:$0x19] =	wrdreg s1;
	s1 =	smulhi.u32 $0x14F8B589, s0;
	s0 =	sshra.s32 s0, $0x1F  }
0x2ba: {  	s31 =	smul.u32 $0x14F8B589, s0;
	s0 =	sshra.s32 s29, $0x1F;
	s29 =	sadd.s32 s20, s23  }
0x2bb: {  	s15 =	sadd.s32 s13, s15;
	s23 =	sadd.s32 s10, s12;
	[dreg:$0x16] =	wrdreg s29  }
0x2bc: {  	s12 =	sadd.s32 s3, s6;
	s20 =	smul.u32 $0x14F8B589, s0;
	[dreg:$0x14] =	wrdreg s23  }
0x2bd: {  	s0 =	spop (v2sf);
	s29 =	sadd.s32 s17, s19;
	[dreg:$0x11] =	wrdreg s12  }
0x2be: {  	s12 =	sld [smem:$0x7E7];
	s17 =	smulhi.u32 $0x14F8B589, s0;
	s8 =	sshra.s32 s0, $0x1F  }
0x2bf: {  	s19 =	spop (v2sf);
	s23 =	sadd.s32 s31, s1;
	s14 =	smul.u32 $0x14F8B589, s8  }
0x2c0: {  	s13 =	smulhi.u32 $0x14F8B589, s19;
	s18 =	sshra.s32 s19, $0x1F;
	[dreg:$0xe] =	wrdreg s23  }
0x2c1: {  	s28 =	spop (v2sf);
	s31 =	sadd.s32 s20, s21;
	s20 =	sld [smem:$0x7E9]  }
0x2c2: {  	s10 =	smul.u32 $0x14F8B589, s18;
	s8 =	sshra.s32 s28, $0x1F;
	s11 =	spop (v2sf)  }
0x2c3: {  	[dreg:$0xf] =	wrdreg s31;
	s5 =	smul.u32 $0x14F8B589, s8  }
0x2c4: {  	s18 =	smulhi.u32 $0x14F8B589, s11;
	s19 =	sshra.s32 s11, $0x1F;
	s11 =	sld [smem:$0x7E6]  }
0x2c5: {  	s8 =	sadd.s32 s2, s4;
	s2 =	sadd.s32 s14, s17;
	s17 =	sld [smem:$0x7EA]  }
0x2c6: {  	s23 =	sshra.s32 s22, $0x1F;
	s7 =	smulhi.u32 $0x14F8B589, s28;
	[dreg:$0xc] =	wrdreg s2  }
0x2c7: {  	s3 =	sshra.s32 s12, $0xA;
	s4 =	sadd.s32 s10, s13;
	s10 =	sld [smem:$0x7E5]  }
0x2c8: {  	s28 =	smul.u32 $0x14F8B589, s19;
	s2 =	sshra.s32 s9, $0xA;
	s13 =	sld [smem:$0x7E8]  }
0x2c9: {  	s14 =	sshra.s32 s20, $0x1F;
	s19 =	sshrl.u32 s22, $0x1F;
	[dreg:$0x10] =	wrdreg s4  }
0x2ca: {  	s5 =	sadd.s32 s5, s7;
	s7 =	sld [smem:$0x7E3];
	v14 =	vmov s19;
	s19 =	sshrl.u32 s24, $0x1F  }
0x2cb: {  	[dreg:$0xd] =	wrdreg s5;
	s6 =	sadd.s32 s28, s18;
	s5 =	sshra.s32 s11, $0xA  }
0x2cc: {  	s31 =	sshra.s32 s17, $0xA;
	s18 =	sshra.s32 s22, $0xA;
	s28 =	sld [smem:$0x7EB]  }
0x2cd: {  	v12 =	vmov s14;
	s22 =	sshra.s32 s24, $0xA;
	[dreg:$0xb] =	wrdreg s6;
	s1 =	sshra.s32 s10, $0xA  }
0x2ce: {  	s21 =	sshra.s32 s13, $0xA;
	v12 =	vsel vm3, s18, v12;
	s6 =	sshrl.u32 s7, $0x1F;
	s4 =	sshra.s32 s7, $0xA  }
0x2cf: {  	s7 =	sshrl.u32 s9, $0x1F;
	s9 =	sshrl.u32 s10, $0x1F;
	s10 =	sshrl.u32 s11, $0x1F;
	v12 =	vsel vm9, s23, v12  }
0x2d0: {  	v14 =	vnsel vm3, $0x0, v14;
	s11 =	sshrl.u32 s12, $0x1F;
	s12 =	sshrl.u32 s13, $0x1F;
	s23 =	sshra.s32 s24, $0x1F;
	v17 =	vmov s21;
	v12 =	vsel vm0, s22, v12  }
0x2d1: {  	s13 =	sshrl.u32 s17, $0x1F;
	s18 =	sshrl.u32 s28, $0x1F;
	v13 =	vmov s7;
	v17 =	vsel vm0, s3, v17;
	v15 =	vsel vm10, s23, v12;
	s23 =	sld [smem:$0x7ED]  }
0x2d2: {  	s14 =	sshra.s32 s28, $0xA;
	s28 =	sshra.s32 s25, $0xA;
	v62 =	vmov s12;
	v13 =	vsel vm0, s6, v13;
	v17 =	vsel vm1, s31, v17;
	s31 =	sld [smem:$0x7FA]  }
0x2d3: {  	s24 =	sshrl.u32 s25, $0x1F;
	s22 =	sshra.s32 s26, $0xA;
	v13 =	vsel vm1, s9, v13;
	v61 =	vsel vm1, s28, v15;
	v15 =	vsel vm0, s11, v62;
	s11 =	sld [smem:$0x7EE]  }
0x2d4: {  	v14 =	vsel vm0, s19, v14;
	s9 =	sshrl.u32 s26, $0x1F;
	v59 =	vsel vm2, s10, v13;
	s10 =	sshra.s32 s26, $0x1F;
	s26 =	sld [smem:$0x7EC]  }
0x2d5: {  	s0 =	sshra.s32 s25, $0x1F;
	v60 =	vsel vm1, s24, v14;
	v15 =	vsel vm1, s13, v15;
	s13 =	sld [smem:$0x7EF]  }
0x2d6: {  	v13 =	vsel vm2, s9, v60;
	v14 =	vsel vm11, s0, v61;
	s9 =	sld [smem:$0x7F5];
	s24 =	sshrl.u32 s23, $0x1F;
	s25 =	sshra.s32 s23, $0xA  }
0x2d7: {  	v14 =	vsel vm2, s22, v14;
	v63 =	vsel vm2, s18, v15;
	s18 =	sld [smem:$0x7F0];
	s17 =	sshrl.u32 s11, $0x1F;
	s22 =	sshra.s32 s11, $0xA  }
0x2d8: {  	s28 =	sshrl.u32 s26, $0x1F;
	s19 =	sshra.s32 s26, $0xA;
	s12 =	sshra.s32 s26, $0x1F  }
0x2d9: {  	s26 =	sshra.s32 s23, $0x1F;
	s0 =	sshra.s32 s13, $0xA;
	s23 =	sld [smem:$0x7F1]  }
0x2da: {  	v16 =	vsel vm12, s10, v14;
	s7 =	sshra.s32 s11, $0x1F;
	s11 =	sshrl.u32 s13, $0x1F;
	[smem:$0x7FC] =	sst s0  }
0x2db: {  	v13 =	vsel vm4, s28, v13;
	v34 =	vsel vm4, s19, v16;
	s19 =	sshrl.u32 s18, $0x1F;
	s13 =	sshra.s32 s18, $0xA;
	s18 =	sld [smem:$0x7F7]  }
0x2dc: {  	v13 =	vsel vm5, s24, v13;
	s24 =	sld [smem:$0x7F2]  }
0x2dd: {  	v35 =	vmov s2;
	v15 =	vsel vm13, s12, v34;
	v38 =	vmov s13;
	s13 =	rddreg [dreg:$0x16]  }
0x2de: {  	s28 =	sshrl.u32 s20, $0x1F;
	v16 =	vsel vm0, s4, v35;
	v15 =	vsel vm5, s25, v15;
	s25 =	sld [smem:$0x7F3]  }
0x2df: {  	s20 =	sshra.s32 s20, $0xA;
	v16 =	vsel vm1, s1, v16;
	v13 =	vsel vm6, s17, v13;
	s2 =	sshrl.u32 s23, $0x1F;
	s17 =	sld [smem:$0x7F6]  }
0x2e0: {  	v18 =	vmov s19;
	s6 =	sshra.s32 s23, $0xA;
	v16 =	vsel vm2, s5, v16;
	s5 =	sshrl.u32 s9, $0x1F;
	s23 =	sld [smem:$0x7F8]  }
0x2e1: {  	v17 =	vsel vm2, s14, v17;
	v18 =	vsel vm0, s11, v18;
	s11 =	sshra.s32 s30, $0x1F;
	v15 =	vsel vm14, s26, v15;
	s26 =	sld [smem:$0x7F4];
	s14 =	sshra.s32 s18, $0xA  }
0x2e2: {  	s10 =	sshrl.u32 s24, $0x1F;
	s4 =	sshra.s32 s24, $0xA;
	v15 =	vsel vm6, s22, v15;
	s22 =	sshra.s32 s9, $0xA  }
0x2e3: {  	s24 =	sld [smem:$0x7F9];
	s12 =	sshrl.u32 s25, $0x1F;
	s1 =	sshra.s32 s25, $0xA  }
0x2e4: {  	v18 =	vsel vm1, s2, v18;
	s9 =	sshrl.u32 s17, $0x1F;
	v15 =	vsel vm15, s7, v15;
	s19 =	sshra.s32 s17, $0xA;
	s7 =	sshrl.u32 s18, $0x1F  }
0x2e5: {  	v13 =	vsel vm7, s28, v13;
	s17 =	sshrl.u32 s23, $0x1F;
	v18 =	vsel vm2, s10, v18;
	s10 =	sshra.s32 s31, $0xA;
	s28 =	sshrl.u32 s26, $0x1F  }
0x2e6: {  	s21 =	sshra.s32 s26, $0xA;
	v15 =	vsel vm7, s20, v15;
	s20 =	sshra.s32 s18, $0x1F;
	s26 =	sshra.s32 s23, $0xA;
	v21 =	vmov s7  }
0x2e7: {  	s18 =	sshrl.u32 s31, $0x1F;
	s7 =	sshra.s32 s30, $0xA;
	s25 =	sshra.s32 s24, $0x1F;
	v19 =	vmov s28;
	v21 =	vnsel vm3, $0x0, v21  }
0x2e8: {  	s28 =	sshra.s32 s23, $0x1F;
	v23 =	vmov s21;
	v20 =	vmov s25;
	v19 =	vsel vm0, s12, v19;
	s12 =	sshra.s32 s31, $0x1F;
	s31 =	rddreg [dreg:$0x1f]  }
0x2e9: {  	s21 =	sshra.s32 s29, $0xA;
	v21 =	vsel vm0, s17, v21;
	s17 =	sshrl.u32 s24, $0x1F;
	v20 =	vsel vm3, s14, v20;
	v19 =	vsel vm1, s5, v19;
	s5 =	rddreg [dreg:$0x1e]  }
0x2ea: {  	(v2sf) =	vpush v11, $0xA;
	s14 =	sshrl.u32 s30, $0x1F;
	s2 =	sshrl.u32 s31, $0x1F;
	v21 =	vsel vm1, s18, v21;
	v20 =	vsel vm9, s20, v20;
	s20 =	sld [smem:$0x7FB]  }
0x2eb: {  	v19 =	vsel vm2, s9, v19;
	s9 =	sshra.s32 s31, $0xA;
	s3 =	sshrl.u32 s5, $0x1F;
	v21 =	vsel vm2, s14, v21;
	s14 =	rddreg [dreg:$0x1d];
	v20 =	vsel vm0, s26, v20  }
0x2ec: {  	s30 =	sshra.s32 s5, $0x1F;
	s18 =	sshrl.u32 s14, $0x1F;
	v20 =	vsel vm10, s28, v20;
	s28 =	sshra.s32 s31, $0x1F  }
0x2ed: {  	(v2sf) =	vpush v11, $0xB;
	s31 =	sshra.s32 s24, $0xA;
	s24 =	rddreg [dreg:$0x1c];
	s25 =	sshrl.u32 s20, $0x1F;
	v20 =	vsel vm1, s10, v20  }
0x2ee: {  	s10 =	sshra.s32 s5, $0xA;
	s5 =	sshra.s32 s14, $0xA;
	s14 =	rddreg [dreg:$0x19];
	v20 =	vsel vm11, s12, v20  }
0x2ef: {  	(v2sf) =	vpush v11, $0x0;
	s23 =	sshra.s32 s20, $0xA;
	s26 =	sshra.s32 s20, $0x1F;
	v20 =	vsel vm2, s7, v20;
	s7 =	rddreg [dreg:$0x1a]  }
0x2f0: {  	(v2sf) =	vpush v11, $0x1;
	v23 =	vsel vm0, s1, v23;
	s20 =	sshrl.u32 s24, $0x1F;
	v21 =	vsel vm4, s25, v21;
	s25 =	rddreg [dreg:$0x1b];
	s0 =	sshra.s32 s7, $0xA  }
0x2f1: {  	v23 =	vsel vm1, s22, v23;
	s22 =	sshra.s32 s15, $0xA;
	s24 =	sshra.s32 s24, $0xA;
	v24 =	vmov s20;
	v20 =	vsel vm12, s11, v20;
	[smem:$0x7FD] =	sst s0  }
0x2f2: {  	s12 =	sshrl.u32 s25, $0x1F;
	v21 =	vsel vm5, s2, v21;
	v24 =	vsel vm0, s18, v24;
	s11 =	sshra.s32 s25, $0xA;
	v22 =	vsel vm4, s23, v20;
	s23 =	rddreg [dreg:$0x18]  }
0x2f3: {  	s25 =	sshrl.u32 s7, $0x1F;
	v21 =	vsel vm6, s3, v21;
	s7 =	sshrl.u32 s14, $0x1F;
	v24 =	vsel vm1, s12, v24;
	s0 =	sld [smem:$0x7FC]  }
0x2f4: {  	v28 =	vmov s24;
	s3 =	sshra.s32 s14, $0xA;
	v36 =	vsel vm7, s17, v21;
	s17 =	sshrl.u32 s13, $0x1F;
	v24 =	vsel vm2, s25, v24;
	s25 =	rddreg [dreg:$0x11]  }
0x2f5: {  	(v2sf) =	vpush v11, $0x2;
	v28 =	vsel vm0, s5, v28;
	s13 =	sshra.s32 s13, $0xA;
	s2 =	sshrl.u32 s23, $0x1F;
	v37 =	vsel vm13, s26, v22;
	s26 =	rddreg [dreg:$0x17]  }
0x2f6: {  	(v2sf) =	vpush v11, $0x3;
	v28 =	vsel vm1, s11, v28;
	s14 =	sshra.s32 s23, $0xA;
	s11 =	sld [smem:$0x7FD];
	s23 =	sshrl.u32 s26, $0x1F  }
0x2f7: {  	(v2sf) =	vpush v11, $0x4;
	s26 =	sshra.s32 s26, $0xA;
	v21 =	vsel vm5, s9, v37;
	s9 =	sshrl.u32 s29, $0x1F;
	v22 =	vsel vm0, s0, v38;
	s0 =	rddreg [dreg:$0x15]  }
0x2f8: {  	v29 =	vmov s14;
	v21 =	vsel vm14, s28, v21;
	s28 =	sshra.s32 s29, $0x1F;
	s29 =	sshrl.u32 s0, $0x1F;
	v22 =	vsel vm1, s6, v22;
	s6 =	sshra.s32 s0, $0xA  }
0x2f9: {  	(v2sf) =	vpush v11, $0x5;
	v29 =	vsel vm0, s3, v29;
	v21 =	vsel vm6, s10, v21;
	s1 =	sshra.s32 s0, $0x1F;
	s10 =	sshrl.u32 s15, $0x1F;
	s0 =	rddreg [dreg:$0x14]  }
0x2fa: {  	v29 =	vsel vm1, s26, v29;
	s26 =	rddreg [dreg:$0xd];
	v21 =	vsel vm15, s30, v21;
	s30 =	sshra.s32 s15, $0x1F;
	s15 =	spop (v2sf)  }
0x2fb: {  	v23 =	vsel vm2, s19, v23;
	v25 =	vmov s9;
	v22 =	vsel vm2, s4, v22;
	s19 =	sshrl.u32 s0, $0x1F;
	s4 =	sshra.s32 s8, $0x1F;
	s20 =	sshra.s32 s0, $0x1F  }
0x2fc: {  	(v2sf) =	vpush v11, $0x6;
	v25 =	vnsel vm3, $0x0, v25;
	v26 =	vmov s4;
	s4 =	smulhi.u32 $0x14F8B589, s15;
	s15 =	sshra.s32 s15, $0x1F;
	s18 =	spop (v2sf)  }
0x2fd: {  	(v2sf) =	vpush v11, $0x7;
	v25 =	vsel vm0, s29, v25;
	v21 =	vsel vm7, s31, v21;
	s31 =	sshra.s32 s0, $0xA;
	s0 =	rddreg [dreg:$0x13];
	s15 =	smul.u32 $0x14F8B589, s15  }
0x2fe: {  	v25 =	vsel vm1, s10, v25;
	v26 =	vsel vm3, s21, v26;
	s21 =	sshrl.u32 s0, $0x1F;
	s12 =	sshra.s32 s0, $0xA;
	s9 =	smulhi.u32 $0x14F8B589, s18  }
0x2ff: {  	v27 =	vmov s2;
	s29 =	sshra.s32 s18, $0x1F;
	v25 =	vsel vm2, s19, v25;
	s19 =	spop (v2sf);
	v26 =	vsel vm9, s28, v26;
	s28 =	sshra.s32 s0, $0x1F  }
0x300: {  	v27 =	vsel vm0, s7, v27;
	s0 =	rddreg [dreg:$0x12];
	v25 =	vsel vm4, s21, v25;
	s2 =	spop (v2sf);
	s21 =	sshra.s32 s25, $0xA  }
0x301: {  	v27 =	vsel vm1, s23, v27;
	s23 =	smulhi.u32 $0x14F8B589, s19;
	v26 =	vsel vm0, s6, v26;
	s10 =	sshrl.u32 s0, $0x1F;
	s18 =	sshra.s32 s0, $0xA  }
0x302: {  	s0 =	sshra.s32 s0, $0x1F;
	s6 =	smul.u32 $0x14F8B589, s29;
	s29 =	sshrl.u32 s25, $0x1F;
	v26 =	vsel vm10, s1, v26  }
0x303: {  	s14 =	sshra.s32 s2, $0x1F;
	v25 =	vsel vm5, s10, v25;
	s10 =	sshra.s32 s25, $0x1F;
	s25 =	rddreg [dreg:$0xc];
	v26 =	vsel vm1, s22, v26  }
0x304: {  	v29 =	vsel vm2, s13, v29;
	s1 =	sshra.s32 s19, $0x1F;
	s13 =	smul.u32 $0x14F8B589, s14;
	s22 =	spop (v2sf);
	v26 =	vsel vm11, s30, v26  }
0x305: {  	v25 =	vsel vm6, s29, v25;
	s1 =	smul.u32 $0x14F8B589, s1;
	s29 =	rddreg [dreg:$0xf];
	s24 =	sshrl.u32 s25, $0x1F;
	v26 =	vsel vm2, s31, v26  }
0x306: {  	v27 =	vsel vm2, s17, v27;
	s17 =	spop (v2sf);
	s30 =	sshrl.u32 s8, $0x1F;
	s19 =	smulhi.u32 $0x14F8B589, s22;
	v26 =	vsel vm12, s20, v26  }
0x307: {  	v12 =	vcombine.low v63, v59;
	v25 =	vsel vm7, s30, v25;
	s7 =	spop (v2sf);
	s31 =	sshrl.u32 s29, $0x1F;
	s30 =	sshrl.u32 s26, $0x1F;
	v26 =	vsel vm4, s12, v26  }
0x308: {  	v39 =	vcombine.low v17, v16;
	s20 =	sshra.s32 s8, $0xA;
	s5 =	spop (v2sf);
	s8 =	rddreg [dreg:$0x10];
	v26 =	vsel vm13, s28, v26  }
0x309: {  	v12 =	vperm.xlane v12, v6;
	v13 =	vperm.xlane v13, v7;
	s14 =	sshra.s32 s17, $0x1F;
	s12 =	smulhi.u32 $0x14F8B589, s2;
	s28 =	rddreg [dreg:$0xe];
	v26 =	vsel vm5, s18, v26  }
0x30a: {  	v14 =	vperm.xlane v39, v6;
	v30 =	vmov s31;
	s3 =	sshrl.u32 s28, $0x1F;
	v26 =	vsel vm14, s0, v26;
	s0 =	sadd.s32 s15, s4;
	s15 =	rddreg [dreg:$0xb]  }
0x30b: {  	v15 =	vperm.xlane v15, v7;
	s2 =	spop (v2sf);
	v30 =	vsel vm0, s3, v30;
	s31 =	sshrl.u32 s15, $0x1F;
	v26 =	vsel vm6, s21, v26;
	s21 =	sshra.s32 s22, $0x1F  }
0x30c: {  	v12 =	vsel vm8, v13, v12;
	v30 =	vsel vm1, s24, v30;
	s22 =	sadd.s32 s1, s23;
	v31 =	vmov s31;
	s23 =	smul.u32 $0x14F8B589, s21;
	s24 =	spop (v2sf)  }
0x30d: {  	v14 =	vsel vm8, v15, v14;
	v28 =	vsel vm2, s11, v28;
	v31 =	vsel vm0, s30, v31;
	s30 =	sshrl.u32 s22, $0x1F;
	s31 =	smulhi.u32 $0x14F8B589, s24;
	s11 =	sshra.s32 s24, $0x1F  }
0x30e: {  	v12 =	vadd.s32 v12, v14;
	v40 =	vcombine.low v19, v18;
	s12 =	sadd.s32 s13, s12;
	s4 =	sshrl.u32 s0, $0x1F;
	v32 =	vmov s30;
	s11 =	smul.u32 $0x14F8B589, s11  }
0x30f: {  	v12 =	vshll.u32 v12, $0x3;
	s3 =	sadd.s32 s6, s9;
	s9 =	sshrl.u32 s12, $0x1F;
	v31 =	vsel vm1, s4, v31;
	s4 =	sadd.s32 s23, s19;
	v42 =	vnsel vm3, $0x0, v32  }
0x310: {  	v16 =	vperm.xlane v40, v6;
	v20 =	vperm.xlane v36, v7;
	s18 =	sshrl.u32 s8, $0x1F;
	v18 =	vsel vm0, s9, v42;
	s1 =	sadd.s32 s11, s31;
	s11 =	sshrl.u32 s4, $0x1F  }
0x311: {  	v12 =	vadd.s32 v12, v2;
	s13 =	smulhi.u32 $0x14F8B589, s17;
	s6 =	sshrl.u32 s3, $0x1F;
	v18 =	vsel vm1, s11, v18;
	s11 =	sshra.s32 s1, $0x1F  }
0x312: {  	v48 =	vsel vm8, v20, v16;
	v30 =	vsel vm2, s18, v30;
	s17 =	sshra.s32 s22, $0xA;
	s18 =	smulhi.u32 $0x14F8B589, s7;
	s7 =	sshra.s32 s7, $0x1F;
	v45 =	vmov s11  }
0x313: {  	v41 =	vcombine.low v23, v22;
	v44 =	vcombine.low v27, v24;
	s0 =	sshra.s32 s0, $0xA;
	s7 =	smul.u32 $0x14F8B589, s7;
	s19 =	sshra.s32 s22, $0x1F;
	v23 =	vsel vm3, s17, v45  }
0x314: {  	v49 =	vcombine.low v29, v28;
	v26 =	vsel vm15, s10, v26;
	s21 =	sshra.s32 s12, $0xA;
	s10 =	sshra.s32 s29, $0xA;
	s22 =	smulhi.u32 $0x14F8B589, s5;
	v51 =	vsel vm9, s19, v23  }
0x315: {  	v47 =	vperm.xlane v21, v7;
	v46 =	vperm.xlane v41, v6;
	s5 =	sshra.s32 s5, $0x1F;
	s23 =	sshra.s32 s12, $0x1F;
	s9 =	smul.u32 $0x14F8B589, s14;
	v20 =	vsel vm0, s21, v51  }
0x316: {  	v50 =	vperm.xlane v44, v6;
	v16 =	vperm.xlane v49, v6;
	s12 =	sshra.s32 s15, $0xA;
	s7 =	sadd.s32 s7, s18;
	s30 =	sshra.s32 s4, $0xA;
	v20 =	vsel vm10, s23, v20  }
0x317: {  	v13 =	vsel vm8, v47, v46;
	v43 =	vsel vm2, s6, v31;
	s5 =	smul.u32 $0x14F8B589, s5;
	s4 =	sshra.s32 s4, $0x1F;
	s6 =	sadd.s32 s9, s13;
	v54 =	vsel vm1, s30, v20  }
0x318: {  	v52 =	vperm.xlane v25, v7;
	v26 =	vsel vm7, s20, v26;
	s18 =	sshra.s32 s25, $0xA;
	s24 =	sshrl.u32 s7, $0x1F;
	s9 =	sshra.s32 s6, $0xA;
	v14 =	vsel vm11, s4, v54  }
0x319: {  	v57 =	vmov s10;
	v53 =	vperm.xlane v26, v7;
	s31 =	smulhi.u32 $0x14F8B589, s2;
	s2 =	sshra.s32 s2, $0x1F;
	s13 =	sshra.s32 s6, $0x1F;
	v14 =	vsel vm2, s9, v14  }
0x31a: {  	v58 =	vmov s12;
	v56 =	vcombine.low v43, v30;
	s14 =	sshra.s32 s28, $0xA;
	s20 =	sshrl.u32 s6, $0x1F;
	s17 =	sshra.s32 s7, $0xA;
	v14 =	vsel vm12, s13, v14  }
0x31b: {  	s5 =	sadd.s32 s5, s22;
	s2 =	smul.u32 $0x14F8B589, s2;
	v19 =	vsel vm0, s14, v57;
	v18 =	vsel vm2, s20, v18;
	s19 =	sshra.s32 s7, $0x1F;
	v14 =	vsel vm4, s17, v14  }
0x31c: {  	s15 =	sshra.s32 s26, $0xA;
	v19 =	vsel vm1, s18, v19;
	s22 =	sshra.s32 s5, $0xA;
	s20 =	sshra.s32 s8, $0xA;
	v18 =	vsel vm4, s24, v18;
	v14 =	vsel vm13, s19, v14  }
0x31d: {  	s2 =	sadd.s32 s2, s31;
	v19 =	vsel vm2, s20, v19;
	s24 =	sshra.s32 s5, $0x1F;
	s23 =	sshrl.u32 s5, $0x1F;
	v20 =	vsel vm0, s15, v58;
	v14 =	vsel vm5, s22, v14  }
0x31e: {  	s25 =	sshrl.u32 s2, $0x1F;
	s26 =	sshra.s32 s2, $0xA;
	s21 =	sshra.s32 s3, $0xA;
	v18 =	vsel vm5, s23, v18;
	v20 =	vsel vm1, s0, v20;
	v14 =	vsel vm14, s24, v14  }
0x31f: {  	s28 =	sshrl.u32 s1, $0x1F;
	s29 =	sshra.s32 s2, $0x1F;
	v18 =	vsel vm6, s25, v18;
	v20 =	vsel vm2, s21, v20;
	v14 =	vsel vm6, s26, v14  }
0x320: {  	s30 =	sshra.s32 s1, $0xA;
	v18 =	vsel vm7, s28, v18;
	v19 =	vcombine.low v20, v19;
	v14 =	vsel vm15, s29, v14  }
0x321: {  	[tilespmem:$0x1000] =	vst v8;
	v8 =	vperm.xlane v56, v6;
	v59 =	vperm.xlane v18, v7;
	v14 =	vsel vm7, s30, v14  }
0x322: {  	[tilespmem:$0x1010] =	vst v9;
	v13 =	vadd.s32 v48, v13;
	v61 =	vperm.xlane v19, v6;
	v14 =	vperm.xlane v14, v7  }
0x323: {  	[tilespmem:$0x1020] =	vst v10;
	v60 =	vshll.u32 v13, $0x3;
	v55 =	vsel vm8, v52, v50;
	v16 =	vsel vm8, v53, v16  }
0x324: {  	[tilespmem:$0x1030] =	vst v11;
	v62 =	vadd.s32 v55, v16;
	v8 =	vsel vm8, v59, v8;
	v63 =	vsel vm8, v14, v61  }
0x325: {  	[tilespmem:$0x1080] =	vst v12;
	v12 =	vadd.s32 v60, v3;
	v9 =	vshll.u32 v62, $0x3;
	v8 =	vadd.s32 v8, v63  }
0x326: {  	[tilespmem:$0x1090] =	vst v12;
	v9 =	vadd.s32 v9, v4;
	v8 =	vshll.u32 v8, $0x3  }
0x327: {  	[tilespmem:$0x10A0] =	vst v9;
	s2 =	simm.s32 $0x80;
	v8 =	vadd.s32 v8, v5  }
0x328: {  	s3 =	simm.s32 $0x9100;
	s1 =	rddreg [dreg:$0x1];
	s9 =	simm.s32 $0x0;
	[tilespmem:$0x10B0] =	vst v8  }
0x329: {  	[tilespmem:s3], [sflag:$0x2] =	stream.indirect.gather [hbm4b:s1+s2], $0x80, s9, s2, $0xb8;
	[tilespmem:$0x19100] =	vst v63  }
0x32a: {  	s4 =	simm.s32 $0xD100  }
0x32b: {  	[tilespmem:s4], [sflag:$0x3] =	stream.indirect.gather [hbm4b:s1+s2], $0x80, s2, s2, $0xb8;
	[tilespmem:$0x19100] =	vst v63  }
0x32c: {  	s31 =	simm.s32 $0x100;
	s5 =	simm.s32 $0x11100  }
0x32d: {  	[tilespmem:s5], [sflag:$0x4] =	stream.indirect.gather [hbm4b:s1+s2], $0x80, s31, s2, $0xb8;
	[tilespmem:$0x19100] =	vst v63  }
0x32e: {  	_ =	swait.ge [sflag:s16], $0x8000  }
0x32f: {  	s0 =	simm.s32 $0x31;
	[sflag:s16] =	ssyncset.done $0x0  }
.LBB2_6:
0x330: {  	p0 =	sne.s32 s0, $0x1;
	s0 =	sadd.s32 $0xFFFFFFFF, s0;
	[sflag:s16] =	ssyncadd.s32 $0xFFFF8000  }
.Ltmp2:
0x331: {  	(pc) =	sbr.rel @p0 .LBB2_6-.Ltmp2, $3  }
0x332: {  	_ =	sdelay $0x1  }
0x333: {  	_ =	swait.ge [sflag:s16], $0x8000  }
0x334: {  	[sflag:s16] =	ssyncset.done $0x0  }
0x335: {  	[sflag:s16] =	ssyncadd.s32 $0xFFFF8000;
	s6 =	simm.s32 $0x2  }
0x336: {  	_ =	swait.ge [sflag:s6], $0x4000  }
0x337: {  	[sflag:s6] =	ssyncset.done $0x0  }
0x338: {  	[sflag:s6] =	ssyncadd.s32 $0xFFFFC000  }
0x339: {  	s7 =	simm.s32 $0x800;
	s0 =	rddreg [dreg:$0x2]  }
0x33a: {  	[hbm4b:s0+s2] =	stream.indirect.scatter [tilespmem:s3], [sflag:$0x6], $0x80, s7, s2, $0xb8;
	[tilespmem:$0x19100] =	vst v63  }
0x33b: {  	s22 =	simm.s32 $0x180;
	s10 =	simm.s32 $0x15100;
	s23 =	simm.s32 $0x3  }
0x33c: {  	[tilespmem:s10], [sflag:$0x5] =	stream.indirect.gather [hbm4b:s1+s2], $0x80, s22, s2, $0xb8;
	[tilespmem:$0x19100] =	vst v63  }
0x33d: {  	_ =	swait.ge [sflag:s23], $0x4000  }
0x33e: {  	[sflag:s23] =	ssyncset.done $0x0  }
0x33f: {  	s11 =	simm.s32 $0x880;
	[sflag:s23] =	ssyncadd.s32 $0xFFFFC000  }
0x340: {  	[hbm4b:s0+s2] =	stream.indirect.scatter [tilespmem:s4], [sflag:$0x7], $0x80, s11, s2, $0xb8;
	[tilespmem:$0x19100] =	vst v63  }
0x341: {  	s11 =	simm.s32 $0x6  }
0x342: {  	_ =	swait.ge [sflag:s11], $0x4000  }
0x343: {  	[sflag:s11] =	ssyncset.done $0x0  }
0x344: {  	s12 =	simm.s32 $0x200;
	s24 =	simm.s32 $0x4;
	[sflag:s11] =	ssyncadd.s32 $0xFFFFC000  }
0x345: {  	[tilespmem:s3], [sflag:$0x2] =	stream.indirect.gather [hbm4b:s1+s2], $0x80, s12, s2, $0xb8;
	[tilespmem:$0x19100] =	vst v63  }
0x346: {  	_ =	swait.ge [sflag:s24], $0x4000  }
0x347: {  	[sflag:s24] =	ssyncset.done $0x0  }
0x348: {  	s13 =	simm.s32 $0x900;
	[sflag:s24] =	ssyncadd.s32 $0xFFFFC000  }
0x349: {  	[hbm4b:s0+s2] =	stream.indirect.scatter [tilespmem:s5], [sflag:$0x8], $0x80, s13, s2, $0xb8;
	[tilespmem:$0x19100] =	vst v63  }
0x34a: {  	s13 =	simm.s32 $0x7  }
0x34b: {  	_ =	swait.ge [sflag:s13], $0x4000  }
0x34c: {  	[sflag:s13] =	ssyncset.done $0x0  }
0x34d: {  	s14 =	simm.s32 $0x280;
	s25 =	simm.s32 $0x5;
	[sflag:s13] =	ssyncadd.s32 $0xFFFFC000  }
0x34e: {  	[tilespmem:s4], [sflag:$0x3] =	stream.indirect.gather [hbm4b:s1+s2], $0x80, s14, s2, $0xb8;
	[tilespmem:$0x19100] =	vst v63  }
0x34f: {  	_ =	swait.ge [sflag:s25], $0x4000  }
0x350: {  	[sflag:s25] =	ssyncset.done $0x0  }
0x351: {  	s15 =	simm.s32 $0x980;
	[sflag:s25] =	ssyncadd.s32 $0xFFFFC000  }
0x352: {  	[hbm4b:s0+s2] =	stream.indirect.scatter [tilespmem:s10], [sflag:$0x9], $0x80, s15, s2, $0xb8;
	[tilespmem:$0x19100] =	vst v63  }
0x353: {  	s15 =	simm.s32 $0x8  }
0x354: {  	_ =	swait.ge [sflag:s15], $0x4000  }
0x355: {  	[sflag:s15] =	ssyncset.done $0x0  }
0x356: {  	s17 =	simm.s32 $0x300;
	[sflag:s15] =	ssyncadd.s32 $0xFFFFC000  }
0x357: {  	[tilespmem:s5], [sflag:$0x4] =	stream.indirect.gather [hbm4b:s1+s2], $0x80, s17, s2, $0xb8;
	[tilespmem:$0x19100] =	vst v63  }
0x358: {  	_ =	swait.ge [sflag:s6], $0x4000  }
0x359: {  	[sflag:s6] =	ssyncset.done $0x0  }
0x35a: {  	s26 =	simm.s32 $0xA00;
	s28 =	simm.s32 $0x9;
	[sflag:s6] =	ssyncadd.s32 $0xFFFFC000  }
0x35b: {  	[hbm4b:s0+s2] =	stream.indirect.scatter [tilespmem:s3], [sflag:$0x6], $0x80, s26, s2, $0xb8;
	[tilespmem:$0x19100] =	vst v63  }
0x35c: {  	_ =	swait.ge [sflag:s28], $0x4000  }
0x35d: {  	[sflag:s28] =	ssyncset.done $0x0  }
0x35e: {  	s18 =	simm.s32 $0x380;
	[sflag:s28] =	ssyncadd.s32 $0xFFFFC000  }
0x35f: {  	[tilespmem:s10], [sflag:$0x5] =	stream.indirect.gather [hbm4b:s1+s2], $0x80, s18, s2, $0xb8;
	[tilespmem:$0x19100] =	vst v63  }
0x360: {  	_ =	swait.ge [sflag:s23], $0x4000  }
0x361: {  	[sflag:s23] =	ssyncset.done $0x0  }
0x362: {  	s29 =	simm.s32 $0xA80;
	[sflag:s23] =	ssyncadd.s32 $0xFFFFC000  }
0x363: {  	[hbm4b:s0+s2] =	stream.indirect.scatter [tilespmem:s4], [sflag:$0x7], $0x80, s29, s2, $0xb8;
	[tilespmem:$0x19100] =	vst v63  }
0x364: {  	_ =	swait.ge [sflag:s11], $0x4000  }
0x365: {  	[sflag:s11] =	ssyncset.done $0x0  }
0x366: {  	s30 =	simm.s32 $0x400;
	[sflag:s11] =	ssyncadd.s32 $0xFFFFC000  }
0x367: {  	[tilespmem:s3], [sflag:$0x2] =	stream.indirect.gather [hbm4b:s1+s2], $0x80, s30, s2, $0xb8;
	[tilespmem:$0x19100] =	vst v63  }
0x368: {  	_ =	swait.ge [sflag:s24], $0x4000  }
0x369: {  	[sflag:s24] =	ssyncset.done $0x0  }
0x36a: {  	s31 =	simm.s32 $0xB00;
	[sflag:s24] =	ssyncadd.s32 $0xFFFFC000  }
0x36b: {  	[hbm4b:s0+s2] =	stream.indirect.scatter [tilespmem:s5], [sflag:$0x8], $0x80, s31, s2, $0xb8;
	[tilespmem:$0x19100] =	vst v63  }
0x36c: {  	_ =	swait.ge [sflag:s13], $0x4000  }
0x36d: {  	[sflag:s13] =	ssyncset.done $0x0  }
0x36e: {  	s8 =	simm.s32 $0x480;
	[sflag:s13] =	ssyncadd.s32 $0xFFFFC000  }
0x36f: {  	[tilespmem:s4], [sflag:$0x3] =	stream.indirect.gather [hbm4b:s1+s2], $0x80, s8, s2, $0xb8;
	[tilespmem:$0x19100] =	vst v63  }
0x370: {  	_ =	swait.ge [sflag:s25], $0x4000  }
0x371: {  	[sflag:s25] =	ssyncset.done $0x0  }
0x372: {  	s19 =	simm.s32 $0xB80;
	[sflag:s25] =	ssyncadd.s32 $0xFFFFC000  }
0x373: {  	[hbm4b:s0+s2] =	stream.indirect.scatter [tilespmem:s10], [sflag:$0x9], $0x80, s19, s2, $0xb8;
	[tilespmem:$0x19100] =	vst v63  }
0x374: {  	_ =	swait.ge [sflag:s15], $0x4000  }
0x375: {  	[sflag:s15] =	ssyncset.done $0x0  }
0x376: {  	s20 =	simm.s32 $0x500;
	[sflag:s15] =	ssyncadd.s32 $0xFFFFC000  }
0x377: {  	[tilespmem:s5], [sflag:$0x4] =	stream.indirect.gather [hbm4b:s1+s2], $0x80, s20, s2, $0xb8;
	[tilespmem:$0x19100] =	vst v63  }
0x378: {  	_ =	swait.ge [sflag:s6], $0x4000  }
0x379: {  	[sflag:s6] =	ssyncset.done $0x0  }
0x37a: {  	s21 =	simm.s32 $0xC00;
	[sflag:s6] =	ssyncadd.s32 $0xFFFFC000  }
0x37b: {  	[hbm4b:s0+s2] =	stream.indirect.scatter [tilespmem:s3], [sflag:$0x6], $0x80, s21, s2, $0xb8;
	[tilespmem:$0x19100] =	vst v63  }
0x37c: {  	_ =	swait.ge [sflag:s28], $0x4000  }
0x37d: {  	[sflag:s28] =	ssyncset.done $0x0  }
0x37e: {  	s22 =	simm.s32 $0x580;
	[sflag:s28] =	ssyncadd.s32 $0xFFFFC000  }
0x37f: {  	[tilespmem:s10], [sflag:$0x5] =	stream.indirect.gather [hbm4b:s1+s2], $0x80, s22, s2, $0xb8;
	[tilespmem:$0x19100] =	vst v63  }
0x380: {  	_ =	swait.ge [sflag:s23], $0x4000  }
0x381: {  	[sflag:s23] =	ssyncset.done $0x0  }
0x382: {  	[sflag:s23] =	ssyncadd.s32 $0xFFFFC000;
	s23 =	simm.s32 $0xC80  }
0x383: {  	[hbm4b:s0+s2] =	stream.indirect.scatter [tilespmem:s4], [sflag:$0x7], $0x80, s23, s2, $0xb8;
	[tilespmem:$0x19100] =	vst v63  }
0x384: {  	_ =	swait.ge [sflag:s11], $0x4000  }
0x385: {  	[sflag:s11] =	ssyncset.done $0x0  }
0x386: {  	[sflag:s11] =	ssyncadd.s32 $0xFFFFC000  }
0x387: {  	_ =	swait.ge [sflag:s24], $0x4000  }
0x388: {  	[sflag:s24] =	ssyncset.done $0x0  }
0x389: {  	[sflag:s24] =	ssyncadd.s32 $0xFFFFC000;
	s24 =	simm.s32 $0xD00  }
0x38a: {  	[hbm4b:s0+s2] =	stream.indirect.scatter [tilespmem:s5], [sflag:$0x8], $0x80, s24, s2, $0xb8;
	[tilespmem:$0x19100] =	vst v63  }
0x38b: {  	_ =	swait.ge [sflag:s13], $0x4000  }
0x38c: {  	[sflag:s13] =	ssyncset.done $0x0  }
0x38d: {  	[sflag:s13] =	ssyncadd.s32 $0xFFFFC000  }
0x38e: {  	_ =	swait.ge [sflag:s25], $0x4000  }
0x38f: {  	[sflag:s25] =	ssyncset.done $0x0  }
0x390: {  	[sflag:s25] =	ssyncadd.s32 $0xFFFFC000;
	s25 =	simm.s32 $0xD80  }
0x391: {  	[hbm4b:s0+s2] =	stream.indirect.scatter [tilespmem:s10], [sflag:$0x9], $0x80, s25, s2, $0xb8;
	[tilespmem:$0x19100] =	vst v63  }
0x392: {  	_ =	swait.ge [sflag:s15], $0x4000  }
0x393: {  	[sflag:s15] =	ssyncset.done $0x0  }
0x394: {  	[sflag:s15] =	ssyncadd.s32 $0xFFFFC000  }
0x395: {  	_ =	swait.ge [sflag:s28], $0x4000  }
0x396: {  	[sflag:s28] =	ssyncset.done $0x0  }
0x397: {  	s26 =	simm.s32 $0x40;
	[sflag:s28] =	ssyncadd.s32 $0xFFFFC000;
	s28 =	simm.s32 $0x1000  }
0x398: {  	[tilespmem:s3], [sflag:$0x2] =	stream.indirect.gather [hbm4b:s1+s26], $0x80, s28, s26, $0xb8;
	[tilespmem:$0x19100] =	vst v63  }
0x399: {  	_ =	swait.ge [sflag:s6], $0x2000  }
0x39a: {  	[sflag:s6] =	ssyncset.done $0x0  }
0x39b: {  	s29 =	simm.s32 $0x1080;
	[sflag:s6] =	ssyncadd.s32 $0xFFFFE000  }
0x39c: {  	[hbm4b:s0+s26] =	stream.indirect.scatter [tilespmem:s3], [sflag:$0x6], $0x80, s29, s26, $0xb8;
	[tilespmem:$0x19100] =	vst v63  }
0x39d: {  	_ =	swait.ge [sflag:s11], $0x2000  }
0x39e: {  	s30 =	rddreg [dreg:$0x7]  }
0x39f: {  	s31 =	rddreg [dreg:$0x6];
	s1 =	sadd.s32 $0x1, s30  }
0x3a0: {  	p0 =	sne.s32 s1, s31  }
.Ltmp3:
0x3a1: {  	_ = 	snop;
	(pc) =	sbr.rel @p0 .LBB2_1-.Ltmp3, $3  }
0x3a2: {  	_ =	sdelay $0x1  }
0x3a3: {  	s2 =	simm.s32 $0x1100;
	[sflag:s11] =	ssyncset.done $0x0  }
0x3a4: {  	s3 =	simm.s32 $0xA;
	s4 =	rddreg [dreg:$0x9];
	[sflag:s11] =	ssyncadd.s32 $0xFFFFE000  }
0x3a5: {  	_ =	sfence.sel $0x180000  }
0x3a6: {  	[bflag:$0x0] =	sbarrier.arrive $0xFFFF  }
0x3a7: {  	_ =	strace $0x90000047  }
0x3a8: {  	s0 =	stileid.u32;
	[bflag:$0x2] =	sbarrier.arrive $0xFFFF  }
0x3a9: {  	p0 =	sne.s32 s0, $0x0;
	s0 =	rddreg [dreg:$0x3]  }
0x3aa: {  	s0 =	sadd.s32 @!p0 $0x100000, s0  }
0x3ab: {  	[sflag:s0] =	ssyncadd.tile.s32 @!p0 $0x1;
	_ =	shalt  }
.Lfunc_end2:
_tile_overlayer_lowered:
.L_overlay_start_2:
0x3ac: {  	(tag) =	ssettag $0x2  }
0x3ad: {  	s0 =	rddreg [dreg:$0x0];
	s2 =	stileid.u32  }
0x3ae: {  	s1 =	rddreg [dreg:$0x1];
	p0 =	sne.s32 s2, $0x0  }
0x3af: {  	s3 =	rddreg [dreg:$0x2];
	[bflag:$0x3] =	sbarrier.arrive $0xFFFF;
	s2 =	simm.s32 @!p0 $0x1C0A  }
0x3b0: {  	[timem:s3], [sflag:s2] =	dma.local @!p0 [hbm:s0], s1  }
0x3b1: {  	s0 =	simm.s32 @!p0 $0xA  }
0x3b2: {  	_ =	swait.ge @!p0 [sflag:s0], s1  }
0x3b3: {  	s1 =	ssub.s32 @!p0 $0x0, s1;
	[sflag:s0] =	ssyncset.done @!p0 $0x0  }
0x3b4: {  	[sflag:s0] =	ssyncadd.s32 @!p0 s1  }
0x3b5: {  	[bflag:$0x3] =	sbarrier.arrive $0xFFFF  }
0x3b6: {  	_ =	shalt  }

</sc_bundles>
